<compile_context>
chip_gen: v7x
topology: tpu7x:2x2x1
jax: 0.10.2.dev20260603
libtpu: 0.0.44.dev20260713+nightly
codegen_flags: <defaults>
</compile_context>

<pallas_src>
import functools

import jax
import jax.numpy as jnp
from jax import lax
from jax.experimental import pallas as pl
from jax.experimental.pallas import tpu as pltpu
from jax.experimental.pallas import tpu_sc as plsc

B = 1024
S = 200
D = 128

NC = 2
NS = 16
NW = NC * NS

SLICES = (256, 768)

CHUNK = 100
CPAD = 128
NCHUNK = S // CHUNK
GROUP = 16

_BLK = 256
_JT = 72




def _rank_body(ts_ref, out_ref, xup_ref, thr_ref, *, col_off):
    bits = lax.bitcast_convert_type(ts_ref[...] + 0.0, jnp.int32)
    bup = bits + jnp.where(bits >= 0, 1, -1)
    xup_ref[...] = lax.bitcast_convert_type(bup, jnp.float32)

    col = lax.broadcasted_iota(jnp.int32, (1, _BLK), 1)
    base = (col_off + pl.program_id(0) * _BLK + col) * S

    for j0 in range(0, S, _JT):
        jt = min(_JT, S - j0)
        x_t = ts_ref[j0:j0 + jt, :]
        xup_t = xup_ref[j0:j0 + jt, :]
        acc0 = jnp.broadcast_to(base, (jt, _BLK)).astype(jnp.int32)

        def s1(k, a):
            rk = ts_ref[pl.ds(k, 1), :]
            return a + (rk < xup_t).astype(jnp.int32)

        acc = lax.fori_loop(0, j0, s1, acc0, unroll=8)

        thr_ref[0:jt, :] = xup_t
        thr_ref[pl.ds(0, 1), :] = ts_ref[pl.ds(j0, 1), :]

        def s2(k, a):
            rk = ts_ref[pl.ds(k, 1), :]
            a = a + (rk < thr_ref[0:jt, :]).astype(jnp.int32)
            kk = jnp.minimum(k + 1, S - 1)
            thr_ref[pl.ds(k - j0 + 1, 1), :] = ts_ref[pl.ds(kk, 1), :]
            return a

        acc = lax.fori_loop(j0, j0 + jt, s2, acc, unroll=4)

        def s3(k, a):
            rk = ts_ref[pl.ds(k, 1), :]
            return a + (rk < x_t).astype(jnp.int32)

        acc = lax.fori_loop(j0 + jt, S, s3, acc, unroll=8)
        out_ref[j0:j0 + jt, :] = acc


def _rank_slice(tsT, col_off, sb):
    blk0 = col_off // _BLK
    return pl.pallas_call(
        functools.partial(_rank_body, col_off=col_off),
        out_shape=jax.ShapeDtypeStruct((S, sb), jnp.int32),
        grid=(sb // _BLK,),
        in_specs=[pl.BlockSpec((S, _BLK), lambda i, b0=blk0: (0, b0 + i))],
        out_specs=pl.BlockSpec((S, _BLK), lambda i: (0, i)),
        scratch_shapes=[
            pltpu.VMEM((S, _BLK), jnp.float32),
            pltpu.VMEM((_JT + 8, _BLK), jnp.float32),
        ],
    )(tsT)




def _scatter_body(pos_hbm, gidx_hbm, out_hbm, pos_v, idx_v, sem, *, cpws, grp):
    wid = lax.axis_index("s") * NC + lax.axis_index("c")
    pltpu.sync_copy(pos_hbm, pos_v)
    pltpu.sync_copy(gidx_hbm.at[wid], idx_v)

    def group(g, carry):
        copies = []
        for i in range(grp):
            src = pos_v.at[pl.ds((i % NCHUNK) * CHUNK, CHUNK)]
            idx = idx_v.at[g * grp + i, pl.ds(0, CHUNK)]
            copies.append(pltpu.async_copy(src, out_hbm.at[idx], sem))
        for c in copies:
            c.wait()
        return carry

    lax.fori_loop(0, cpws // grp, group, 0, unroll=False)


_SC_MESH = plsc.VectorSubcoreMesh(core_axis_name="c", subcore_axis_name="s")


@functools.cache
def _scatter_call(sb, first):
    cpws = (sb // NW) * NCHUNK
    grp = GROUP if cpws % GROUP == 0 else (12 if cpws % 12 == 0 else cpws)
    return pl.kernel(
        functools.partial(_scatter_body, cpws=cpws, grp=grp),
        out_type=jax.ShapeDtypeStruct((B * S, D), jnp.float32) if first else (),
        mesh=_SC_MESH,
        scratch_types=[
            pltpu.VMEM((S, D), jnp.float32),
            pltpu.VMEM((cpws, CPAD), jnp.int32),
            pltpu.SemaphoreType.DMA,
        ],
    )


def _gidx(gT_s, sb):
    g = gT_s.T.reshape(NW, (sb // NW) * NCHUNK, CHUNK)
    return jnp.pad(g, ((0, 0), (0, 0), (0, CPAD - CHUNK)))


def kernel(ts, pos_emb):
    tsT = ts.T
    sb0 = SLICES[0]
    out0 = _scatter_call(sb0, True)(pos_emb, _gidx(_rank_slice(tsT, 0, sb0), sb0))
    if len(SLICES) == 1:
        return out0.reshape(B, S, D)
    oref = jax.new_ref(out0)
    off = sb0
    for sb in SLICES[1:]:
        _scatter_call(sb, False)(pos_emb, _gidx(_rank_slice(tsT, off, sb), sb), oref)
        off += sb
    return oref[...].reshape(B, S, D)

# --- scband reference (transcript-rebuilt; emitter-appended) ---
"""Pipeline reference for scband-pos-encode-45466523795878 (READ-ONLY COPY).

The authoritative reference and input builder live on the scoring server;
editing this copy changes nothing except your own understanding.
"""

import jax, jax.numpy as jnp
import numpy as np


def setup_inputs(seed: int = 0) -> dict:
    key = jax.random.key(seed)
    k1, k2 = jax.random.split(key)
    # forward arg: timestamps per (batch, seq) position
    ts = jax.random.normal(k1, (1024, 200), dtype=jnp.float32)
    # learned parameter: positional embedding table [seq_len, expand_dim]
    pos_emb = jax.random.normal(k2, (200, 128), dtype=jnp.float32) * 0.02
    return {"ts": ts, "pos_emb": pos_emb}


def reference(ts, pos_emb):
    # order = ts.argsort() along last dim (torch default)
    order = jnp.argsort(ts, axis=-1)
    # ts_emb = self.pos_embeddings(order)  -> gather rows of table
    ts_emb = jnp.take(pos_emb, order, axis=0)
    return ts_emb

if __name__ == "__main__":
    import jax
    _d = setup_inputs()
    print(jax.jit(kernel)(*tuple(_d.values())))

</pallas_src>

<mosaic_0001>
#map = affine_map<(d0, d1) -> (0, 0)>
#map1 = affine_map<(d0, d1) -> (0, 0, 0)>
module attributes {stable_mosaic.version = 14 : i64} {
  func.func @_scatter_body(%arg0: i32, %arg1: i32, %arg2: memref<200x128xf32, #tpu.memory_space<hbm>>, %arg3: memref<32x16x128xi32, #tpu.memory_space<hbm>>, %arg4: memref<204800x128xf32, #tpu.memory_space<hbm>>, %arg5: memref<200x128xf32, #tpu.memory_space<vmem>>, %arg6: memref<16x128xi32, #tpu.memory_space<vmem>>, %arg7: memref<!tpu.dma_semaphore, #tpu.memory_space<semaphore_mem>>) attributes {dimension_semantics = [#tpu.dimension_semantics<core_parallel>, #tpu.dimension_semantics<subcore_parallel>], iteration_bounds = array<i64: 2, 16>, scalar_prefetch = 0 : i64, scratch_operands = 3 : i64, tpu.core_type = #tpu.core_type<sc_vector_subcore>, window_params = [{transform_indices = #map}, {transform_indices = #map1}, {transform_indices = #map}]} {
    %mul3A = arith.constant 2 : i32
    %mul3A_0 = arith.muli %arg1, %mul3A : i32
    %add3A = arith.addi %mul3A_0, %arg0 : i32
    "tpu.region"() ({
      %run_scoped3A = tpu.sem_alloc : memref<!tpu.dma_semaphore, #tpu.memory_space<semaphore_mem>>
      tpu.enqueue_dma source(%arg2 : memref<200x128xf32, #tpu.memory_space<hbm>>) target(%arg5 : memref<200x128xf32, #tpu.memory_space<vmem>>) target_semaphore(%run_scoped3A : memref<!tpu.dma_semaphore, #tpu.memory_space<semaphore_mem>>)
      tpu.wait_dma2 semaphore(%run_scoped3A : memref<!tpu.dma_semaphore, #tpu.memory_space<semaphore_mem>>) src(%arg2 : memref<200x128xf32, #tpu.memory_space<hbm>>) dst(%arg5 : memref<200x128xf32, #tpu.memory_space<vmem>>)
      tpu.yield
    }) : () -> ()
    "tpu.region"() ({
      %run_scoped3A = tpu.sem_alloc : memref<!tpu.dma_semaphore, #tpu.memory_space<semaphore_mem>>
      %dma_start3A_353 = arith.constant 0 : i32
      %dma_start3A_354 = arith.constant 0 : i32
      %dma_start3A_355 = tpu.memref_slice %arg3[%add3A, %dma_start3A_353, %dma_start3A_354] : memref<32x16x128xi32, #tpu.memory_space<hbm>> -> memref<1x16x128xi32, #tpu.memory_space<hbm>>
      %dma_start3A_356 = tpu.memref_squeeze %dma_start3A_355 : memref<1x16x128xi32, #tpu.memory_space<hbm>> -> memref<16x128xi32, #tpu.memory_space<hbm>>
      %dma_start3A_357 = arith.constant 0 : i32
      %dma_start3A_358 = arith.constant 0 : i32
      %dma_start3A_359 = tpu.memref_slice %arg3[%add3A, %dma_start3A_357, %dma_start3A_358] : memref<32x16x128xi32, #tpu.memory_space<hbm>> -> memref<1x16x128xi32, #tpu.memory_space<hbm>>
      %dma_start3A_360 = tpu.memref_squeeze %dma_start3A_359 : memref<1x16x128xi32, #tpu.memory_space<hbm>> -> memref<16x128xi32, #tpu.memory_space<hbm>>
      tpu.enqueue_dma source(%dma_start3A_360 : memref<16x128xi32, #tpu.memory_space<hbm>>) target(%arg6 : memref<16x128xi32, #tpu.memory_space<vmem>>) target_semaphore(%run_scoped3A : memref<!tpu.dma_semaphore, #tpu.memory_space<semaphore_mem>>)
      %dma_wait3A_361 = arith.constant 0 : i32
      %dma_wait3A_362 = arith.constant 0 : i32
      %dma_wait3A_363 = tpu.memref_slice %arg3[%add3A, %dma_wait3A_361, %dma_wait3A_362] : memref<32x16x128xi32, #tpu.memory_space<hbm>> -> memref<1x16x128xi32, #tpu.memory_space<hbm>>
      %dma_wait3A_364 = tpu.memref_squeeze %dma_wait3A_363 : memref<1x16x128xi32, #tpu.memory_space<hbm>> -> memref<16x128xi32, #tpu.memory_space<hbm>>
      %dma_wait3A_365 = arith.constant 0 : i32
      %dma_wait3A_366 = arith.constant 0 : i32
      %dma_wait3A_367 = tpu.memref_slice %arg3[%add3A, %dma_wait3A_365, %dma_wait3A_366] : memref<32x16x128xi32, #tpu.memory_space<hbm>> -> memref<1x16x128xi32, #tpu.memory_space<hbm>>
      %dma_wait3A_368 = tpu.memref_squeeze %dma_wait3A_367 : memref<1x16x128xi32, #tpu.memory_space<hbm>> -> memref<16x128xi32, #tpu.memory_space<hbm>>
      tpu.wait_dma2 semaphore(%run_scoped3A : memref<!tpu.dma_semaphore, #tpu.memory_space<semaphore_mem>>) src(%dma_wait3A_368 : memref<16x128xi32, #tpu.memory_space<hbm>>) dst(%arg6 : memref<16x128xi32, #tpu.memory_space<vmem>>)
      tpu.yield
    }) : () -> ()
    %scan3A = arith.constant 0 : i32
    %scan3A_1 = arith.constant 0 : i32
    %mul3A_2 = arith.constant 16 : i32
    %mul3A_3 = arith.muli %scan3A_1, %mul3A_2 : i32
    %add3A_4 = arith.constant 0 : i32
    %add3A_5 = arith.addi %mul3A_3, %add3A_4 : i32
    %dma_start3A = arith.constant 0 : i32
    %dma_start3A_6 = arith.constant 0 : i32
    %dma_start3A_7 = tpu.memref_slice %arg5[%dma_start3A, %dma_start3A_6] : memref<200x128xf32, #tpu.memory_space<vmem>> -> memref<100x128xf32, #tpu.memory_space<vmem>>
    %dma_start3A_8 = arith.constant 0 : i32
    %dma_start3A_9 = tpu.memref_slice %arg6[%add3A_5, %dma_start3A_8] : memref<16x128xi32, #tpu.memory_space<vmem>> -> memref<1x100xi32, #tpu.memory_space<vmem>>
    %dma_start3A_10 = tpu.memref_squeeze %dma_start3A_9 : memref<1x100xi32, #tpu.memory_space<vmem>> -> memref<100xi32, #tpu.memory_space<vmem>>
    %dma_start3A_11 = arith.constant 0 : i32
    %dma_start3A_12 = arith.constant 0 : i32
    %dma_start3A_13 = tpu.memref_slice %arg4[%dma_start3A_11, %dma_start3A_12] : memref<204800x128xf32, #tpu.memory_space<hbm>> -> memref<204800x128xf32, #tpu.memory_space<hbm>>
    tpu.enqueue_indirect_dma source(%dma_start3A_7 : memref<100x128xf32, #tpu.memory_space<vmem>>) target(%dma_start3A_13 : memref<204800x128xf32, #tpu.memory_space<hbm>>) offsets(%dma_start3A_10 : memref<100xi32, #tpu.memory_space<vmem>>) semaphore(%arg7 : memref<!tpu.dma_semaphore, #tpu.memory_space<semaphore_mem>>)
    %mul3A_14 = arith.constant 16 : i32
    %mul3A_15 = arith.muli %scan3A_1, %mul3A_14 : i32
    %add3A_16 = arith.constant 1 : i32
    %add3A_17 = arith.addi %mul3A_15, %add3A_16 : i32
    %dma_start3A_18 = arith.constant 100 : i32
    %dma_start3A_19 = arith.constant 0 : i32
    %dma_start3A_20 = tpu.memref_slice %arg5[%dma_start3A_18, %dma_start3A_19] : memref<200x128xf32, #tpu.memory_space<vmem>> -> memref<100x128xf32, #tpu.memory_space<vmem>>
    %dma_start3A_21 = arith.constant 0 : i32
    %dma_start3A_22 = tpu.memref_slice %arg6[%add3A_17, %dma_start3A_21] : memref<16x128xi32, #tpu.memory_space<vmem>> -> memref<1x100xi32, #tpu.memory_space<vmem>>
    %dma_start3A_23 = tpu.memref_squeeze %dma_start3A_22 : memref<1x100xi32, #tpu.memory_space<vmem>> -> memref<100xi32, #tpu.memory_space<vmem>>
    %dma_start3A_24 = arith.constant 0 : i32
    %dma_start3A_25 = arith.constant 0 : i32
    %dma_start3A_26 = tpu.memref_slice %arg4[%dma_start3A_24, %dma_start3A_25] : memref<204800x128xf32, #tpu.memory_space<hbm>> -> memref<204800x128xf32, #tpu.memory_space<hbm>>
    tpu.enqueue_indirect_dma source(%dma_start3A_20 : memref<100x128xf32, #tpu.memory_space<vmem>>) target(%dma_start3A_26 : memref<204800x128xf32, #tpu.memory_space<hbm>>) offsets(%dma_start3A_23 : memref<100xi32, #tpu.memory_space<vmem>>) semaphore(%arg7 : memref<!tpu.dma_semaphore, #tpu.memory_space<semaphore_mem>>)
    %mul3A_27 = arith.constant 16 : i32
    %mul3A_28 = arith.muli %scan3A_1, %mul3A_27 : i32
    %add3A_29 = arith.constant 2 : i32
    %add3A_30 = arith.addi %mul3A_28, %add3A_29 : i32
    %dma_start3A_31 = arith.constant 0 : i32
    %dma_start3A_32 = arith.constant 0 : i32
    %dma_start3A_33 = tpu.memref_slice %arg5[%dma_start3A_31, %dma_start3A_32] : memref<200x128xf32, #tpu.memory_space<vmem>> -> memref<100x128xf32, #tpu.memory_space<vmem>>
    %dma_start3A_34 = arith.constant 0 : i32
    %dma_start3A_35 = tpu.memref_slice %arg6[%add3A_30, %dma_start3A_34] : memref<16x128xi32, #tpu.memory_space<vmem>> -> memref<1x100xi32, #tpu.memory_space<vmem>>
    %dma_start3A_36 = tpu.memref_squeeze %dma_start3A_35 : memref<1x100xi32, #tpu.memory_space<vmem>> -> memref<100xi32, #tpu.memory_space<vmem>>
    %dma_start3A_37 = arith.constant 0 : i32
    %dma_start3A_38 = arith.constant 0 : i32
    %dma_start3A_39 = tpu.memref_slice %arg4[%dma_start3A_37, %dma_start3A_38] : memref<204800x128xf32, #tpu.memory_space<hbm>> -> memref<204800x128xf32, #tpu.memory_space<hbm>>
    tpu.enqueue_indirect_dma source(%dma_start3A_33 : memref<100x128xf32, #tpu.memory_space<vmem>>) target(%dma_start3A_39 : memref<204800x128xf32, #tpu.memory_space<hbm>>) offsets(%dma_start3A_36 : memref<100xi32, #tpu.memory_space<vmem>>) semaphore(%arg7 : memref<!tpu.dma_semaphore, #tpu.memory_space<semaphore_mem>>)
    %mul3A_40 = arith.constant 16 : i32
    %mul3A_41 = arith.muli %scan3A_1, %mul3A_40 : i32
    %add3A_42 = arith.constant 3 : i32
    %add3A_43 = arith.addi %mul3A_41, %add3A_42 : i32
    %dma_start3A_44 = arith.constant 100 : i32
    %dma_start3A_45 = arith.constant 0 : i32
    %dma_start3A_46 = tpu.memref_slice %arg5[%dma_start3A_44, %dma_start3A_45] : memref<200x128xf32, #tpu.memory_space<vmem>> -> memref<100x128xf32, #tpu.memory_space<vmem>>
    %dma_start3A_47 = arith.constant 0 : i32
    %dma_start3A_48 = tpu.memref_slice %arg6[%add3A_43, %dma_start3A_47] : memref<16x128xi32, #tpu.memory_space<vmem>> -> memref<1x100xi32, #tpu.memory_space<vmem>>
    %dma_start3A_49 = tpu.memref_squeeze %dma_start3A_48 : memref<1x100xi32, #tpu.memory_space<vmem>> -> memref<100xi32, #tpu.memory_space<vmem>>
    %dma_start3A_50 = arith.constant 0 : i32
    %dma_start3A_51 = arith.constant 0 : i32
    %dma_start3A_52 = tpu.memref_slice %arg4[%dma_start3A_50, %dma_start3A_51] : memref<204800x128xf32, #tpu.memory_space<hbm>> -> memref<204800x128xf32, #tpu.memory_space<hbm>>
    tpu.enqueue_indirect_dma source(%dma_start3A_46 : memref<100x128xf32, #tpu.memory_space<vmem>>) target(%dma_start3A_52 : memref<204800x128xf32, #tpu.memory_space<hbm>>) offsets(%dma_start3A_49 : memref<100xi32, #tpu.memory_space<vmem>>) semaphore(%arg7 : memref<!tpu.dma_semaphore, #tpu.memory_space<semaphore_mem>>)
    %mul3A_53 = arith.constant 16 : i32
    %mul3A_54 = arith.muli %scan3A_1, %mul3A_53 : i32
    %add3A_55 = arith.constant 4 : i32
    %add3A_56 = arith.addi %mul3A_54, %add3A_55 : i32
    %dma_start3A_57 = arith.constant 0 : i32
    %dma_start3A_58 = arith.constant 0 : i32
    %dma_start3A_59 = tpu.memref_slice %arg5[%dma_start3A_57, %dma_start3A_58] : memref<200x128xf32, #tpu.memory_space<vmem>> -> memref<100x128xf32, #tpu.memory_space<vmem>>
    %dma_start3A_60 = arith.constant 0 : i32
    %dma_start3A_61 = tpu.memref_slice %arg6[%add3A_56, %dma_start3A_60] : memref<16x128xi32, #tpu.memory_space<vmem>> -> memref<1x100xi32, #tpu.memory_space<vmem>>
    %dma_start3A_62 = tpu.memref_squeeze %dma_start3A_61 : memref<1x100xi32, #tpu.memory_space<vmem>> -> memref<100xi32, #tpu.memory_space<vmem>>
    %dma_start3A_63 = arith.constant 0 : i32
    %dma_start3A_64 = arith.constant 0 : i32
    %dma_start3A_65 = tpu.memref_slice %arg4[%dma_start3A_63, %dma_start3A_64] : memref<204800x128xf32, #tpu.memory_space<hbm>> -> memref<204800x128xf32, #tpu.memory_space<hbm>>
    tpu.enqueue_indirect_dma source(%dma_start3A_59 : memref<100x128xf32, #tpu.memory_space<vmem>>) target(%dma_start3A_65 : memref<204800x128xf32, #tpu.memory_space<hbm>>) offsets(%dma_start3A_62 : memref<100xi32, #tpu.memory_space<vmem>>) semaphore(%arg7 : memref<!tpu.dma_semaphore, #tpu.memory_space<semaphore_mem>>)
    %mul3A_66 = arith.constant 16 : i32
    %mul3A_67 = arith.muli %scan3A_1, %mul3A_66 : i32
    %add3A_68 = arith.constant 5 : i32
    %add3A_69 = arith.addi %mul3A_67, %add3A_68 : i32
    %dma_start3A_70 = arith.constant 100 : i32
    %dma_start3A_71 = arith.constant 0 : i32
    %dma_start3A_72 = tpu.memref_slice %arg5[%dma_start3A_70, %dma_start3A_71] : memref<200x128xf32, #tpu.memory_space<vmem>> -> memref<100x128xf32, #tpu.memory_space<vmem>>
    %dma_start3A_73 = arith.constant 0 : i32
    %dma_start3A_74 = tpu.memref_slice %arg6[%add3A_69, %dma_start3A_73] : memref<16x128xi32, #tpu.memory_space<vmem>> -> memref<1x100xi32, #tpu.memory_space<vmem>>
    %dma_start3A_75 = tpu.memref_squeeze %dma_start3A_74 : memref<1x100xi32, #tpu.memory_space<vmem>> -> memref<100xi32, #tpu.memory_space<vmem>>
    %dma_start3A_76 = arith.constant 0 : i32
    %dma_start3A_77 = arith.constant 0 : i32
    %dma_start3A_78 = tpu.memref_slice %arg4[%dma_start3A_76, %dma_start3A_77] : memref<204800x128xf32, #tpu.memory_space<hbm>> -> memref<204800x128xf32, #tpu.memory_space<hbm>>
    tpu.enqueue_indirect_dma source(%dma_start3A_72 : memref<100x128xf32, #tpu.memory_space<vmem>>) target(%dma_start3A_78 : memref<204800x128xf32, #tpu.memory_space<hbm>>) offsets(%dma_start3A_75 : memref<100xi32, #tpu.memory_space<vmem>>) semaphore(%arg7 : memref<!tpu.dma_semaphore, #tpu.memory_space<semaphore_mem>>)
    %mul3A_79 = arith.constant 16 : i32
    %mul3A_80 = arith.muli %scan3A_1, %mul3A_79 : i32
    %add3A_81 = arith.constant 6 : i32
    %add3A_82 = arith.addi %mul3A_80, %add3A_81 : i32
    %dma_start3A_83 = arith.constant 0 : i32
    %dma_start3A_84 = arith.constant 0 : i32
    %dma_start3A_85 = tpu.memref_slice %arg5[%dma_start3A_83, %dma_start3A_84] : memref<200x128xf32, #tpu.memory_space<vmem>> -> memref<100x128xf32, #tpu.memory_space<vmem>>
    %dma_start3A_86 = arith.constant 0 : i32
    %dma_start3A_87 = tpu.memref_slice %arg6[%add3A_82, %dma_start3A_86] : memref<16x128xi32, #tpu.memory_space<vmem>> -> memref<1x100xi32, #tpu.memory_space<vmem>>
    %dma_start3A_88 = tpu.memref_squeeze %dma_start3A_87 : memref<1x100xi32, #tpu.memory_space<vmem>> -> memref<100xi32, #tpu.memory_space<vmem>>
    %dma_start3A_89 = arith.constant 0 : i32
    %dma_start3A_90 = arith.constant 0 : i32
    %dma_start3A_91 = tpu.memref_slice %arg4[%dma_start3A_89, %dma_start3A_90] : memref<204800x128xf32, #tpu.memory_space<hbm>> -> memref<204800x128xf32, #tpu.memory_space<hbm>>
    tpu.enqueue_indirect_dma source(%dma_start3A_85 : memref<100x128xf32, #tpu.memory_space<vmem>>) target(%dma_start3A_91 : memref<204800x128xf32, #tpu.memory_space<hbm>>) offsets(%dma_start3A_88 : memref<100xi32, #tpu.memory_space<vmem>>) semaphore(%arg7 : memref<!tpu.dma_semaphore, #tpu.memory_space<semaphore_mem>>)
    %mul3A_92 = arith.constant 16 : i32
    %mul3A_93 = arith.muli %scan3A_1, %mul3A_92 : i32
    %add3A_94 = arith.constant 7 : i32
    %add3A_95 = arith.addi %mul3A_93, %add3A_94 : i32
    %dma_start3A_96 = arith.constant 100 : i32
    %dma_start3A_97 = arith.constant 0 : i32
    %dma_start3A_98 = tpu.memref_slice %arg5[%dma_start3A_96, %dma_start3A_97] : memref<200x128xf32, #tpu.memory_space<vmem>> -> memref<100x128xf32, #tpu.memory_space<vmem>>
    %dma_start3A_99 = arith.constant 0 : i32
    %dma_start3A_100 = tpu.memref_slice %arg6[%add3A_95, %dma_start3A_99] : memref<16x128xi32, #tpu.memory_space<vmem>> -> memref<1x100xi32, #tpu.memory_space<vmem>>
    %dma_start3A_101 = tpu.memref_squeeze %dma_start3A_100 : memref<1x100xi32, #tpu.memory_space<vmem>> -> memref<100xi32, #tpu.memory_space<vmem>>
    %dma_start3A_102 = arith.constant 0 : i32
    %dma_start3A_103 = arith.constant 0 : i32
    %dma_start3A_104 = tpu.memref_slice %arg4[%dma_start3A_102, %dma_start3A_103] : memref<204800x128xf32, #tpu.memory_space<hbm>> -> memref<204800x128xf32, #tpu.memory_space<hbm>>
    tpu.enqueue_indirect_dma source(%dma_start3A_98 : memref<100x128xf32, #tpu.memory_space<vmem>>) target(%dma_start3A_104 : memref<204800x128xf32, #tpu.memory_space<hbm>>) offsets(%dma_start3A_101 : memref<100xi32, #tpu.memory_space<vmem>>) semaphore(%arg7 : memref<!tpu.dma_semaphore, #tpu.memory_space<semaphore_mem>>)
    %mul3A_105 = arith.constant 16 : i32
    %mul3A_106 = arith.muli %scan3A_1, %mul3A_105 : i32
    %add3A_107 = arith.constant 8 : i32
    %add3A_108 = arith.addi %mul3A_106, %add3A_107 : i32
    %dma_start3A_109 = arith.constant 0 : i32
    %dma_start3A_110 = arith.constant 0 : i32
    %dma_start3A_111 = tpu.memref_slice %arg5[%dma_start3A_109, %dma_start3A_110] : memref<200x128xf32, #tpu.memory_space<vmem>> -> memref<100x128xf32, #tpu.memory_space<vmem>>
    %dma_start3A_112 = arith.constant 0 : i32
    %dma_start3A_113 = tpu.memref_slice %arg6[%add3A_108, %dma_start3A_112] : memref<16x128xi32, #tpu.memory_space<vmem>> -> memref<1x100xi32, #tpu.memory_space<vmem>>
    %dma_start3A_114 = tpu.memref_squeeze %dma_start3A_113 : memref<1x100xi32, #tpu.memory_space<vmem>> -> memref<100xi32, #tpu.memory_space<vmem>>
    %dma_start3A_115 = arith.constant 0 : i32
    %dma_start3A_116 = arith.constant 0 : i32
    %dma_start3A_117 = tpu.memref_slice %arg4[%dma_start3A_115, %dma_start3A_116] : memref<204800x128xf32, #tpu.memory_space<hbm>> -> memref<204800x128xf32, #tpu.memory_space<hbm>>
    tpu.enqueue_indirect_dma source(%dma_start3A_111 : memref<100x128xf32, #tpu.memory_space<vmem>>) target(%dma_start3A_117 : memref<204800x128xf32, #tpu.memory_space<hbm>>) offsets(%dma_start3A_114 : memref<100xi32, #tpu.memory_space<vmem>>) semaphore(%arg7 : memref<!tpu.dma_semaphore, #tpu.memory_space<semaphore_mem>>)
    %mul3A_118 = arith.constant 16 : i32
    %mul3A_119 = arith.muli %scan3A_1, %mul3A_118 : i32
    %add3A_120 = arith.constant 9 : i32
    %add3A_121 = arith.addi %mul3A_119, %add3A_120 : i32
    %dma_start3A_122 = arith.constant 100 : i32
    %dma_start3A_123 = arith.constant 0 : i32
    %dma_start3A_124 = tpu.memref_slice %arg5[%dma_start3A_122, %dma_start3A_123] : memref<200x128xf32, #tpu.memory_space<vmem>> -> memref<100x128xf32, #tpu.memory_space<vmem>>
    %dma_start3A_125 = arith.constant 0 : i32
    %dma_start3A_126 = tpu.memref_slice %arg6[%add3A_121, %dma_start3A_125] : memref<16x128xi32, #tpu.memory_space<vmem>> -> memref<1x100xi32, #tpu.memory_space<vmem>>
    %dma_start3A_127 = tpu.memref_squeeze %dma_start3A_126 : memref<1x100xi32, #tpu.memory_space<vmem>> -> memref<100xi32, #tpu.memory_space<vmem>>
    %dma_start3A_128 = arith.constant 0 : i32
    %dma_start3A_129 = arith.constant 0 : i32
    %dma_start3A_130 = tpu.memref_slice %arg4[%dma_start3A_128, %dma_start3A_129] : memref<204800x128xf32, #tpu.memory_space<hbm>> -> memref<204800x128xf32, #tpu.memory_space<hbm>>
    tpu.enqueue_indirect_dma source(%dma_start3A_124 : memref<100x128xf32, #tpu.memory_space<vmem>>) target(%dma_start3A_130 : memref<204800x128xf32, #tpu.memory_space<hbm>>) offsets(%dma_start3A_127 : memref<100xi32, #tpu.memory_space<vmem>>) semaphore(%arg7 : memref<!tpu.dma_semaphore, #tpu.memory_space<semaphore_mem>>)
    %mul3A_131 = arith.constant 16 : i32
    %mul3A_132 = arith.muli %scan3A_1, %mul3A_131 : i32
    %add3A_133 = arith.constant 10 : i32
    %add3A_134 = arith.addi %mul3A_132, %add3A_133 : i32
    %dma_start3A_135 = arith.constant 0 : i32
    %dma_start3A_136 = arith.constant 0 : i32
    %dma_start3A_137 = tpu.memref_slice %arg5[%dma_start3A_135, %dma_start3A_136] : memref<200x128xf32, #tpu.memory_space<vmem>> -> memref<100x128xf32, #tpu.memory_space<vmem>>
    %dma_start3A_138 = arith.constant 0 : i32
    %dma_start3A_139 = tpu.memref_slice %arg6[%add3A_134, %dma_start3A_138] : memref<16x128xi32, #tpu.memory_space<vmem>> -> memref<1x100xi32, #tpu.memory_space<vmem>>
    %dma_start3A_140 = tpu.memref_squeeze %dma_start3A_139 : memref<1x100xi32, #tpu.memory_space<vmem>> -> memref<100xi32, #tpu.memory_space<vmem>>
    %dma_start3A_141 = arith.constant 0 : i32
    %dma_start3A_142 = arith.constant 0 : i32
    %dma_start3A_143 = tpu.memref_slice %arg4[%dma_start3A_141, %dma_start3A_142] : memref<204800x128xf32, #tpu.memory_space<hbm>> -> memref<204800x128xf32, #tpu.memory_space<hbm>>
    tpu.enqueue_indirect_dma source(%dma_start3A_137 : memref<100x128xf32, #tpu.memory_space<vmem>>) target(%dma_start3A_143 : memref<204800x128xf32, #tpu.memory_space<hbm>>) offsets(%dma_start3A_140 : memref<100xi32, #tpu.memory_space<vmem>>) semaphore(%arg7 : memref<!tpu.dma_semaphore, #tpu.memory_space<semaphore_mem>>)
    %mul3A_144 = arith.constant 16 : i32
    %mul3A_145 = arith.muli %scan3A_1, %mul3A_144 : i32
    %add3A_146 = arith.constant 11 : i32
    %add3A_147 = arith.addi %mul3A_145, %add3A_146 : i32
    %dma_start3A_148 = arith.constant 100 : i32
    %dma_start3A_149 = arith.constant 0 : i32
    %dma_start3A_150 = tpu.memref_slice %arg5[%dma_start3A_148, %dma_start3A_149] : memref<200x128xf32, #tpu.memory_space<vmem>> -> memref<100x128xf32, #tpu.memory_space<vmem>>
    %dma_start3A_151 = arith.constant 0 : i32
    %dma_start3A_152 = tpu.memref_slice %arg6[%add3A_147, %dma_start3A_151] : memref<16x128xi32, #tpu.memory_space<vmem>> -> memref<1x100xi32, #tpu.memory_space<vmem>>
    %dma_start3A_153 = tpu.memref_squeeze %dma_start3A_152 : memref<1x100xi32, #tpu.memory_space<vmem>> -> memref<100xi32, #tpu.memory_space<vmem>>
    %dma_start3A_154 = arith.constant 0 : i32
    %dma_start3A_155 = arith.constant 0 : i32
    %dma_start3A_156 = tpu.memref_slice %arg4[%dma_start3A_154, %dma_start3A_155] : memref<204800x128xf32, #tpu.memory_space<hbm>> -> memref<204800x128xf32, #tpu.memory_space<hbm>>
    tpu.enqueue_indirect_dma source(%dma_start3A_150 : memref<100x128xf32, #tpu.memory_space<vmem>>) target(%dma_start3A_156 : memref<204800x128xf32, #tpu.memory_space<hbm>>) offsets(%dma_start3A_153 : memref<100xi32, #tpu.memory_space<vmem>>) semaphore(%arg7 : memref<!tpu.dma_semaphore, #tpu.memory_space<semaphore_mem>>)
    %mul3A_157 = arith.constant 16 : i32
    %mul3A_158 = arith.muli %scan3A_1, %mul3A_157 : i32
    %add3A_159 = arith.constant 12 : i32
    %add3A_160 = arith.addi %mul3A_158, %add3A_159 : i32
    %dma_start3A_161 = arith.constant 0 : i32
    %dma_start3A_162 = arith.constant 0 : i32
    %dma_start3A_163 = tpu.memref_slice %arg5[%dma_start3A_161, %dma_start3A_162] : memref<200x128xf32, #tpu.memory_space<vmem>> -> memref<100x128xf32, #tpu.memory_space<vmem>>
    %dma_start3A_164 = arith.constant 0 : i32
    %dma_start3A_165 = tpu.memref_slice %arg6[%add3A_160, %dma_start3A_164] : memref<16x128xi32, #tpu.memory_space<vmem>> -> memref<1x100xi32, #tpu.memory_space<vmem>>
    %dma_start3A_166 = tpu.memref_squeeze %dma_start3A_165 : memref<1x100xi32, #tpu.memory_space<vmem>> -> memref<100xi32, #tpu.memory_space<vmem>>
    %dma_start3A_167 = arith.constant 0 : i32
    %dma_start3A_168 = arith.constant 0 : i32
    %dma_start3A_169 = tpu.memref_slice %arg4[%dma_start3A_167, %dma_start3A_168] : memref<204800x128xf32, #tpu.memory_space<hbm>> -> memref<204800x128xf32, #tpu.memory_space<hbm>>
    tpu.enqueue_indirect_dma source(%dma_start3A_163 : memref<100x128xf32, #tpu.memory_space<vmem>>) target(%dma_start3A_169 : memref<204800x128xf32, #tpu.memory_space<hbm>>) offsets(%dma_start3A_166 : memref<100xi32, #tpu.memory_space<vmem>>) semaphore(%arg7 : memref<!tpu.dma_semaphore, #tpu.memory_space<semaphore_mem>>)
    %mul3A_170 = arith.constant 16 : i32
    %mul3A_171 = arith.muli %scan3A_1, %mul3A_170 : i32
    %add3A_172 = arith.constant 13 : i32
    %add3A_173 = arith.addi %mul3A_171, %add3A_172 : i32
    %dma_start3A_174 = arith.constant 100 : i32
    %dma_start3A_175 = arith.constant 0 : i32
    %dma_start3A_176 = tpu.memref_slice %arg5[%dma_start3A_174, %dma_start3A_175] : memref<200x128xf32, #tpu.memory_space<vmem>> -> memref<100x128xf32, #tpu.memory_space<vmem>>
    %dma_start3A_177 = arith.constant 0 : i32
    %dma_start3A_178 = tpu.memref_slice %arg6[%add3A_173, %dma_start3A_177] : memref<16x128xi32, #tpu.memory_space<vmem>> -> memref<1x100xi32, #tpu.memory_space<vmem>>
    %dma_start3A_179 = tpu.memref_squeeze %dma_start3A_178 : memref<1x100xi32, #tpu.memory_space<vmem>> -> memref<100xi32, #tpu.memory_space<vmem>>
    %dma_start3A_180 = arith.constant 0 : i32
    %dma_start3A_181 = arith.constant 0 : i32
    %dma_start3A_182 = tpu.memref_slice %arg4[%dma_start3A_180, %dma_start3A_181] : memref<204800x128xf32, #tpu.memory_space<hbm>> -> memref<204800x128xf32, #tpu.memory_space<hbm>>
    tpu.enqueue_indirect_dma source(%dma_start3A_176 : memref<100x128xf32, #tpu.memory_space<vmem>>) target(%dma_start3A_182 : memref<204800x128xf32, #tpu.memory_space<hbm>>) offsets(%dma_start3A_179 : memref<100xi32, #tpu.memory_space<vmem>>) semaphore(%arg7 : memref<!tpu.dma_semaphore, #tpu.memory_space<semaphore_mem>>)
    %mul3A_183 = arith.constant 16 : i32
    %mul3A_184 = arith.muli %scan3A_1, %mul3A_183 : i32
    %add3A_185 = arith.constant 14 : i32
    %add3A_186 = arith.addi %mul3A_184, %add3A_185 : i32
    %dma_start3A_187 = arith.constant 0 : i32
    %dma_start3A_188 = arith.constant 0 : i32
    %dma_start3A_189 = tpu.memref_slice %arg5[%dma_start3A_187, %dma_start3A_188] : memref<200x128xf32, #tpu.memory_space<vmem>> -> memref<100x128xf32, #tpu.memory_space<vmem>>
    %dma_start3A_190 = arith.constant 0 : i32
    %dma_start3A_191 = tpu.memref_slice %arg6[%add3A_186, %dma_start3A_190] : memref<16x128xi32, #tpu.memory_space<vmem>> -> memref<1x100xi32, #tpu.memory_space<vmem>>
    %dma_start3A_192 = tpu.memref_squeeze %dma_start3A_191 : memref<1x100xi32, #tpu.memory_space<vmem>> -> memref<100xi32, #tpu.memory_space<vmem>>
    %dma_start3A_193 = arith.constant 0 : i32
    %dma_start3A_194 = arith.constant 0 : i32
    %dma_start3A_195 = tpu.memref_slice %arg4[%dma_start3A_193, %dma_start3A_194] : memref<204800x128xf32, #tpu.memory_space<hbm>> -> memref<204800x128xf32, #tpu.memory_space<hbm>>
    tpu.enqueue_indirect_dma source(%dma_start3A_189 : memref<100x128xf32, #tpu.memory_space<vmem>>) target(%dma_start3A_195 : memref<204800x128xf32, #tpu.memory_space<hbm>>) offsets(%dma_start3A_192 : memref<100xi32, #tpu.memory_space<vmem>>) semaphore(%arg7 : memref<!tpu.dma_semaphore, #tpu.memory_space<semaphore_mem>>)
    %mul3A_196 = arith.constant 16 : i32
    %mul3A_197 = arith.muli %scan3A_1, %mul3A_196 : i32
    %add3A_198 = arith.constant 15 : i32
    %add3A_199 = arith.addi %mul3A_197, %add3A_198 : i32
    %dma_start3A_200 = arith.constant 100 : i32
    %dma_start3A_201 = arith.constant 0 : i32
    %dma_start3A_202 = tpu.memref_slice %arg5[%dma_start3A_200, %dma_start3A_201] : memref<200x128xf32, #tpu.memory_space<vmem>> -> memref<100x128xf32, #tpu.memory_space<vmem>>
    %dma_start3A_203 = arith.constant 0 : i32
    %dma_start3A_204 = tpu.memref_slice %arg6[%add3A_199, %dma_start3A_203] : memref<16x128xi32, #tpu.memory_space<vmem>> -> memref<1x100xi32, #tpu.memory_space<vmem>>
    %dma_start3A_205 = tpu.memref_squeeze %dma_start3A_204 : memref<1x100xi32, #tpu.memory_space<vmem>> -> memref<100xi32, #tpu.memory_space<vmem>>
    %dma_start3A_206 = arith.constant 0 : i32
    %dma_start3A_207 = arith.constant 0 : i32
    %dma_start3A_208 = tpu.memref_slice %arg4[%dma_start3A_206, %dma_start3A_207] : memref<204800x128xf32, #tpu.memory_space<hbm>> -> memref<204800x128xf32, #tpu.memory_space<hbm>>
    tpu.enqueue_indirect_dma source(%dma_start3A_202 : memref<100x128xf32, #tpu.memory_space<vmem>>) target(%dma_start3A_208 : memref<204800x128xf32, #tpu.memory_space<hbm>>) offsets(%dma_start3A_205 : memref<100xi32, #tpu.memory_space<vmem>>) semaphore(%arg7 : memref<!tpu.dma_semaphore, #tpu.memory_space<semaphore_mem>>)
    %dma_wait3A = arith.constant 0 : i32
    %dma_wait3A_209 = arith.constant 0 : i32
    %dma_wait3A_210 = tpu.memref_slice %arg5[%dma_wait3A, %dma_wait3A_209] : memref<200x128xf32, #tpu.memory_space<vmem>> -> memref<100x128xf32, #tpu.memory_space<vmem>>
    %dma_wait3A_211 = arith.constant 0 : i32
    %dma_wait3A_212 = tpu.memref_slice %arg6[%add3A_5, %dma_wait3A_211] : memref<16x128xi32, #tpu.memory_space<vmem>> -> memref<1x100xi32, #tpu.memory_space<vmem>>
    %dma_wait3A_213 = tpu.memref_squeeze %dma_wait3A_212 : memref<1x100xi32, #tpu.memory_space<vmem>> -> memref<100xi32, #tpu.memory_space<vmem>>
    %dma_wait3A_214 = arith.constant 0 : i32
    %dma_wait3A_215 = arith.constant 0 : i32
    %dma_wait3A_216 = tpu.memref_slice %arg4[%dma_wait3A_214, %dma_wait3A_215] : memref<204800x128xf32, #tpu.memory_space<hbm>> -> memref<204800x128xf32, #tpu.memory_space<hbm>>
    tpu.wait_indirect_dma semaphore(%arg7 : memref<!tpu.dma_semaphore, #tpu.memory_space<semaphore_mem>>) src(%dma_wait3A_210 : memref<100x128xf32, #tpu.memory_space<vmem>>) dst(%dma_wait3A_216 : memref<204800x128xf32, #tpu.memory_space<hbm>>)
    %dma_wait3A_217 = arith.constant 100 : i32
    %dma_wait3A_218 = arith.constant 0 : i32
    %dma_wait3A_219 = tpu.memref_slice %arg5[%dma_wait3A_217, %dma_wait3A_218] : memref<200x128xf32, #tpu.memory_space<vmem>> -> memref<100x128xf32, #tpu.memory_space<vmem>>
    %dma_wait3A_220 = arith.constant 0 : i32
    %dma_wait3A_221 = tpu.memref_slice %arg6[%add3A_17, %dma_wait3A_220] : memref<16x128xi32, #tpu.memory_space<vmem>> -> memref<1x100xi32, #tpu.memory_space<vmem>>
    %dma_wait3A_222 = tpu.memref_squeeze %dma_wait3A_221 : memref<1x100xi32, #tpu.memory_space<vmem>> -> memref<100xi32, #tpu.memory_space<vmem>>
    %dma_wait3A_223 = arith.constant 0 : i32
    %dma_wait3A_224 = arith.constant 0 : i32
    %dma_wait3A_225 = tpu.memref_slice %arg4[%dma_wait3A_223, %dma_wait3A_224] : memref<204800x128xf32, #tpu.memory_space<hbm>> -> memref<204800x128xf32, #tpu.memory_space<hbm>>
    tpu.wait_indirect_dma semaphore(%arg7 : memref<!tpu.dma_semaphore, #tpu.memory_space<semaphore_mem>>) src(%dma_wait3A_219 : memref<100x128xf32, #tpu.memory_space<vmem>>) dst(%dma_wait3A_225 : memref<204800x128xf32, #tpu.memory_space<hbm>>)
    %dma_wait3A_226 = arith.constant 0 : i32
    %dma_wait3A_227 = arith.constant 0 : i32
    %dma_wait3A_228 = tpu.memref_slice %arg5[%dma_wait3A_226, %dma_wait3A_227] : memref<200x128xf32, #tpu.memory_space<vmem>> -> memref<100x128xf32, #tpu.memory_space<vmem>>
    %dma_wait3A_229 = arith.constant 0 : i32
    %dma_wait3A_230 = tpu.memref_slice %arg6[%add3A_30, %dma_wait3A_229] : memref<16x128xi32, #tpu.memory_space<vmem>> -> memref<1x100xi32, #tpu.memory_space<vmem>>
    %dma_wait3A_231 = tpu.memref_squeeze %dma_wait3A_230 : memref<1x100xi32, #tpu.memory_space<vmem>> -> memref<100xi32, #tpu.memory_space<vmem>>
    %dma_wait3A_232 = arith.constant 0 : i32
    %dma_wait3A_233 = arith.constant 0 : i32
    %dma_wait3A_234 = tpu.memref_slice %arg4[%dma_wait3A_232, %dma_wait3A_233] : memref<204800x128xf32, #tpu.memory_space<hbm>> -> memref<204800x128xf32, #tpu.memory_space<hbm>>
    tpu.wait_indirect_dma semaphore(%arg7 : memref<!tpu.dma_semaphore, #tpu.memory_space<semaphore_mem>>) src(%dma_wait3A_228 : memref<100x128xf32, #tpu.memory_space<vmem>>) dst(%dma_wait3A_234 : memref<204800x128xf32, #tpu.memory_space<hbm>>)
    %dma_wait3A_235 = arith.constant 100 : i32
    %dma_wait3A_236 = arith.constant 0 : i32
    %dma_wait3A_237 = tpu.memref_slice %arg5[%dma_wait3A_235, %dma_wait3A_236] : memref<200x128xf32, #tpu.memory_space<vmem>> -> memref<100x128xf32, #tpu.memory_space<vmem>>
    %dma_wait3A_238 = arith.constant 0 : i32
    %dma_wait3A_239 = tpu.memref_slice %arg6[%add3A_43, %dma_wait3A_238] : memref<16x128xi32, #tpu.memory_space<vmem>> -> memref<1x100xi32, #tpu.memory_space<vmem>>
    %dma_wait3A_240 = tpu.memref_squeeze %dma_wait3A_239 : memref<1x100xi32, #tpu.memory_space<vmem>> -> memref<100xi32, #tpu.memory_space<vmem>>
    %dma_wait3A_241 = arith.constant 0 : i32
    %dma_wait3A_242 = arith.constant 0 : i32
    %dma_wait3A_243 = tpu.memref_slice %arg4[%dma_wait3A_241, %dma_wait3A_242] : memref<204800x128xf32, #tpu.memory_space<hbm>> -> memref<204800x128xf32, #tpu.memory_space<hbm>>
    tpu.wait_indirect_dma semaphore(%arg7 : memref<!tpu.dma_semaphore, #tpu.memory_space<semaphore_mem>>) src(%dma_wait3A_237 : memref<100x128xf32, #tpu.memory_space<vmem>>) dst(%dma_wait3A_243 : memref<204800x128xf32, #tpu.memory_space<hbm>>)
    %dma_wait3A_244 = arith.constant 0 : i32
    %dma_wait3A_245 = arith.constant 0 : i32
    %dma_wait3A_246 = tpu.memref_slice %arg5[%dma_wait3A_244, %dma_wait3A_245] : memref<200x128xf32, #tpu.memory_space<vmem>> -> memref<100x128xf32, #tpu.memory_space<vmem>>
    %dma_wait3A_247 = arith.constant 0 : i32
    %dma_wait3A_248 = tpu.memref_slice %arg6[%add3A_56, %dma_wait3A_247] : memref<16x128xi32, #tpu.memory_space<vmem>> -> memref<1x100xi32, #tpu.memory_space<vmem>>
    %dma_wait3A_249 = tpu.memref_squeeze %dma_wait3A_248 : memref<1x100xi32, #tpu.memory_space<vmem>> -> memref<100xi32, #tpu.memory_space<vmem>>
    %dma_wait3A_250 = arith.constant 0 : i32
    %dma_wait3A_251 = arith.constant 0 : i32
    %dma_wait3A_252 = tpu.memref_slice %arg4[%dma_wait3A_250, %dma_wait3A_251] : memref<204800x128xf32, #tpu.memory_space<hbm>> -> memref<204800x128xf32, #tpu.memory_space<hbm>>
    tpu.wait_indirect_dma semaphore(%arg7 : memref<!tpu.dma_semaphore, #tpu.memory_space<semaphore_mem>>) src(%dma_wait3A_246 : memref<100x128xf32, #tpu.memory_space<vmem>>) dst(%dma_wait3A_252 : memref<204800x128xf32, #tpu.memory_space<hbm>>)
    %dma_wait3A_253 = arith.constant 100 : i32
    %dma_wait3A_254 = arith.constant 0 : i32
    %dma_wait3A_255 = tpu.memref_slice %arg5[%dma_wait3A_253, %dma_wait3A_254] : memref<200x128xf32, #tpu.memory_space<vmem>> -> memref<100x128xf32, #tpu.memory_space<vmem>>
    %dma_wait3A_256 = arith.constant 0 : i32
    %dma_wait3A_257 = tpu.memref_slice %arg6[%add3A_69, %dma_wait3A_256] : memref<16x128xi32, #tpu.memory_space<vmem>> -> memref<1x100xi32, #tpu.memory_space<vmem>>
    %dma_wait3A_258 = tpu.memref_squeeze %dma_wait3A_257 : memref<1x100xi32, #tpu.memory_space<vmem>> -> memref<100xi32, #tpu.memory_space<vmem>>
    %dma_wait3A_259 = arith.constant 0 : i32
    %dma_wait3A_260 = arith.constant 0 : i32
    %dma_wait3A_261 = tpu.memref_slice %arg4[%dma_wait3A_259, %dma_wait3A_260] : memref<204800x128xf32, #tpu.memory_space<hbm>> -> memref<204800x128xf32, #tpu.memory_space<hbm>>
    tpu.wait_indirect_dma semaphore(%arg7 : memref<!tpu.dma_semaphore, #tpu.memory_space<semaphore_mem>>) src(%dma_wait3A_255 : memref<100x128xf32, #tpu.memory_space<vmem>>) dst(%dma_wait3A_261 : memref<204800x128xf32, #tpu.memory_space<hbm>>)
    %dma_wait3A_262 = arith.constant 0 : i32
    %dma_wait3A_263 = arith.constant 0 : i32
    %dma_wait3A_264 = tpu.memref_slice %arg5[%dma_wait3A_262, %dma_wait3A_263] : memref<200x128xf32, #tpu.memory_space<vmem>> -> memref<100x128xf32, #tpu.memory_space<vmem>>
    %dma_wait3A_265 = arith.constant 0 : i32
    %dma_wait3A_266 = tpu.memref_slice %arg6[%add3A_82, %dma_wait3A_265] : memref<16x128xi32, #tpu.memory_space<vmem>> -> memref<1x100xi32, #tpu.memory_space<vmem>>
    %dma_wait3A_267 = tpu.memref_squeeze %dma_wait3A_266 : memref<1x100xi32, #tpu.memory_space<vmem>> -> memref<100xi32, #tpu.memory_space<vmem>>
    %dma_wait3A_268 = arith.constant 0 : i32
    %dma_wait3A_269 = arith.constant 0 : i32
    %dma_wait3A_270 = tpu.memref_slice %arg4[%dma_wait3A_268, %dma_wait3A_269] : memref<204800x128xf32, #tpu.memory_space<hbm>> -> memref<204800x128xf32, #tpu.memory_space<hbm>>
    tpu.wait_indirect_dma semaphore(%arg7 : memref<!tpu.dma_semaphore, #tpu.memory_space<semaphore_mem>>) src(%dma_wait3A_264 : memref<100x128xf32, #tpu.memory_space<vmem>>) dst(%dma_wait3A_270 : memref<204800x128xf32, #tpu.memory_space<hbm>>)
    %dma_wait3A_271 = arith.constant 100 : i32
    %dma_wait3A_272 = arith.constant 0 : i32
    %dma_wait3A_273 = tpu.memref_slice %arg5[%dma_wait3A_271, %dma_wait3A_272] : memref<200x128xf32, #tpu.memory_space<vmem>> -> memref<100x128xf32, #tpu.memory_space<vmem>>
    %dma_wait3A_274 = arith.constant 0 : i32
    %dma_wait3A_275 = tpu.memref_slice %arg6[%add3A_95, %dma_wait3A_274] : memref<16x128xi32, #tpu.memory_space<vmem>> -> memref<1x100xi32, #tpu.memory_space<vmem>>
    %dma_wait3A_276 = tpu.memref_squeeze %dma_wait3A_275 : memref<1x100xi32, #tpu.memory_space<vmem>> -> memref<100xi32, #tpu.memory_space<vmem>>
    %dma_wait3A_277 = arith.constant 0 : i32
    %dma_wait3A_278 = arith.constant 0 : i32
    %dma_wait3A_279 = tpu.memref_slice %arg4[%dma_wait3A_277, %dma_wait3A_278] : memref<204800x128xf32, #tpu.memory_space<hbm>> -> memref<204800x128xf32, #tpu.memory_space<hbm>>
    tpu.wait_indirect_dma semaphore(%arg7 : memref<!tpu.dma_semaphore, #tpu.memory_space<semaphore_mem>>) src(%dma_wait3A_273 : memref<100x128xf32, #tpu.memory_space<vmem>>) dst(%dma_wait3A_279 : memref<204800x128xf32, #tpu.memory_space<hbm>>)
    %dma_wait3A_280 = arith.constant 0 : i32
    %dma_wait3A_281 = arith.constant 0 : i32
    %dma_wait3A_282 = tpu.memref_slice %arg5[%dma_wait3A_280, %dma_wait3A_281] : memref<200x128xf32, #tpu.memory_space<vmem>> -> memref<100x128xf32, #tpu.memory_space<vmem>>
    %dma_wait3A_283 = arith.constant 0 : i32
    %dma_wait3A_284 = tpu.memref_slice %arg6[%add3A_108, %dma_wait3A_283] : memref<16x128xi32, #tpu.memory_space<vmem>> -> memref<1x100xi32, #tpu.memory_space<vmem>>
    %dma_wait3A_285 = tpu.memref_squeeze %dma_wait3A_284 : memref<1x100xi32, #tpu.memory_space<vmem>> -> memref<100xi32, #tpu.memory_space<vmem>>
    %dma_wait3A_286 = arith.constant 0 : i32
    %dma_wait3A_287 = arith.constant 0 : i32
    %dma_wait3A_288 = tpu.memref_slice %arg4[%dma_wait3A_286, %dma_wait3A_287] : memref<204800x128xf32, #tpu.memory_space<hbm>> -> memref<204800x128xf32, #tpu.memory_space<hbm>>
    tpu.wait_indirect_dma semaphore(%arg7 : memref<!tpu.dma_semaphore, #tpu.memory_space<semaphore_mem>>) src(%dma_wait3A_282 : memref<100x128xf32, #tpu.memory_space<vmem>>) dst(%dma_wait3A_288 : memref<204800x128xf32, #tpu.memory_space<hbm>>)
    %dma_wait3A_289 = arith.constant 100 : i32
    %dma_wait3A_290 = arith.constant 0 : i32
    %dma_wait3A_291 = tpu.memref_slice %arg5[%dma_wait3A_289, %dma_wait3A_290] : memref<200x128xf32, #tpu.memory_space<vmem>> -> memref<100x128xf32, #tpu.memory_space<vmem>>
    %dma_wait3A_292 = arith.constant 0 : i32
    %dma_wait3A_293 = tpu.memref_slice %arg6[%add3A_121, %dma_wait3A_292] : memref<16x128xi32, #tpu.memory_space<vmem>> -> memref<1x100xi32, #tpu.memory_space<vmem>>
    %dma_wait3A_294 = tpu.memref_squeeze %dma_wait3A_293 : memref<1x100xi32, #tpu.memory_space<vmem>> -> memref<100xi32, #tpu.memory_space<vmem>>
    %dma_wait3A_295 = arith.constant 0 : i32
    %dma_wait3A_296 = arith.constant 0 : i32
    %dma_wait3A_297 = tpu.memref_slice %arg4[%dma_wait3A_295, %dma_wait3A_296] : memref<204800x128xf32, #tpu.memory_space<hbm>> -> memref<204800x128xf32, #tpu.memory_space<hbm>>
    tpu.wait_indirect_dma semaphore(%arg7 : memref<!tpu.dma_semaphore, #tpu.memory_space<semaphore_mem>>) src(%dma_wait3A_291 : memref<100x128xf32, #tpu.memory_space<vmem>>) dst(%dma_wait3A_297 : memref<204800x128xf32, #tpu.memory_space<hbm>>)
    %dma_wait3A_298 = arith.constant 0 : i32
    %dma_wait3A_299 = arith.constant 0 : i32
    %dma_wait3A_300 = tpu.memref_slice %arg5[%dma_wait3A_298, %dma_wait3A_299] : memref<200x128xf32, #tpu.memory_space<vmem>> -> memref<100x128xf32, #tpu.memory_space<vmem>>
    %dma_wait3A_301 = arith.constant 0 : i32
    %dma_wait3A_302 = tpu.memref_slice %arg6[%add3A_134, %dma_wait3A_301] : memref<16x128xi32, #tpu.memory_space<vmem>> -> memref<1x100xi32, #tpu.memory_space<vmem>>
    %dma_wait3A_303 = tpu.memref_squeeze %dma_wait3A_302 : memref<1x100xi32, #tpu.memory_space<vmem>> -> memref<100xi32, #tpu.memory_space<vmem>>
    %dma_wait3A_304 = arith.constant 0 : i32
    %dma_wait3A_305 = arith.constant 0 : i32
    %dma_wait3A_306 = tpu.memref_slice %arg4[%dma_wait3A_304, %dma_wait3A_305] : memref<204800x128xf32, #tpu.memory_space<hbm>> -> memref<204800x128xf32, #tpu.memory_space<hbm>>
    tpu.wait_indirect_dma semaphore(%arg7 : memref<!tpu.dma_semaphore, #tpu.memory_space<semaphore_mem>>) src(%dma_wait3A_300 : memref<100x128xf32, #tpu.memory_space<vmem>>) dst(%dma_wait3A_306 : memref<204800x128xf32, #tpu.memory_space<hbm>>)
    %dma_wait3A_307 = arith.constant 100 : i32
    %dma_wait3A_308 = arith.constant 0 : i32
    %dma_wait3A_309 = tpu.memref_slice %arg5[%dma_wait3A_307, %dma_wait3A_308] : memref<200x128xf32, #tpu.memory_space<vmem>> -> memref<100x128xf32, #tpu.memory_space<vmem>>
    %dma_wait3A_310 = arith.constant 0 : i32
    %dma_wait3A_311 = tpu.memref_slice %arg6[%add3A_147, %dma_wait3A_310] : memref<16x128xi32, #tpu.memory_space<vmem>> -> memref<1x100xi32, #tpu.memory_space<vmem>>
    %dma_wait3A_312 = tpu.memref_squeeze %dma_wait3A_311 : memref<1x100xi32, #tpu.memory_space<vmem>> -> memref<100xi32, #tpu.memory_space<vmem>>
    %dma_wait3A_313 = arith.constant 0 : i32
    %dma_wait3A_314 = arith.constant 0 : i32
    %dma_wait3A_315 = tpu.memref_slice %arg4[%dma_wait3A_313, %dma_wait3A_314] : memref<204800x128xf32, #tpu.memory_space<hbm>> -> memref<204800x128xf32, #tpu.memory_space<hbm>>
    tpu.wait_indirect_dma semaphore(%arg7 : memref<!tpu.dma_semaphore, #tpu.memory_space<semaphore_mem>>) src(%dma_wait3A_309 : memref<100x128xf32, #tpu.memory_space<vmem>>) dst(%dma_wait3A_315 : memref<204800x128xf32, #tpu.memory_space<hbm>>)
    %dma_wait3A_316 = arith.constant 0 : i32
    %dma_wait3A_317 = arith.constant 0 : i32
    %dma_wait3A_318 = tpu.memref_slice %arg5[%dma_wait3A_316, %dma_wait3A_317] : memref<200x128xf32, #tpu.memory_space<vmem>> -> memref<100x128xf32, #tpu.memory_space<vmem>>
    %dma_wait3A_319 = arith.constant 0 : i32
    %dma_wait3A_320 = tpu.memref_slice %arg6[%add3A_160, %dma_wait3A_319] : memref<16x128xi32, #tpu.memory_space<vmem>> -> memref<1x100xi32, #tpu.memory_space<vmem>>
    %dma_wait3A_321 = tpu.memref_squeeze %dma_wait3A_320 : memref<1x100xi32, #tpu.memory_space<vmem>> -> memref<100xi32, #tpu.memory_space<vmem>>
    %dma_wait3A_322 = arith.constant 0 : i32
    %dma_wait3A_323 = arith.constant 0 : i32
    %dma_wait3A_324 = tpu.memref_slice %arg4[%dma_wait3A_322, %dma_wait3A_323] : memref<204800x128xf32, #tpu.memory_space<hbm>> -> memref<204800x128xf32, #tpu.memory_space<hbm>>
    tpu.wait_indirect_dma semaphore(%arg7 : memref<!tpu.dma_semaphore, #tpu.memory_space<semaphore_mem>>) src(%dma_wait3A_318 : memref<100x128xf32, #tpu.memory_space<vmem>>) dst(%dma_wait3A_324 : memref<204800x128xf32, #tpu.memory_space<hbm>>)
    %dma_wait3A_325 = arith.constant 100 : i32
    %dma_wait3A_326 = arith.constant 0 : i32
    %dma_wait3A_327 = tpu.memref_slice %arg5[%dma_wait3A_325, %dma_wait3A_326] : memref<200x128xf32, #tpu.memory_space<vmem>> -> memref<100x128xf32, #tpu.memory_space<vmem>>
    %dma_wait3A_328 = arith.constant 0 : i32
    %dma_wait3A_329 = tpu.memref_slice %arg6[%add3A_173, %dma_wait3A_328] : memref<16x128xi32, #tpu.memory_space<vmem>> -> memref<1x100xi32, #tpu.memory_space<vmem>>
    %dma_wait3A_330 = tpu.memref_squeeze %dma_wait3A_329 : memref<1x100xi32, #tpu.memory_space<vmem>> -> memref<100xi32, #tpu.memory_space<vmem>>
    %dma_wait3A_331 = arith.constant 0 : i32
    %dma_wait3A_332 = arith.constant 0 : i32
    %dma_wait3A_333 = tpu.memref_slice %arg4[%dma_wait3A_331, %dma_wait3A_332] : memref<204800x128xf32, #tpu.memory_space<hbm>> -> memref<204800x128xf32, #tpu.memory_space<hbm>>
    tpu.wait_indirect_dma semaphore(%arg7 : memref<!tpu.dma_semaphore, #tpu.memory_space<semaphore_mem>>) src(%dma_wait3A_327 : memref<100x128xf32, #tpu.memory_space<vmem>>) dst(%dma_wait3A_333 : memref<204800x128xf32, #tpu.memory_space<hbm>>)
    %dma_wait3A_334 = arith.constant 0 : i32
    %dma_wait3A_335 = arith.constant 0 : i32
    %dma_wait3A_336 = tpu.memref_slice %arg5[%dma_wait3A_334, %dma_wait3A_335] : memref<200x128xf32, #tpu.memory_space<vmem>> -> memref<100x128xf32, #tpu.memory_space<vmem>>
    %dma_wait3A_337 = arith.constant 0 : i32
    %dma_wait3A_338 = tpu.memref_slice %arg6[%add3A_186, %dma_wait3A_337] : memref<16x128xi32, #tpu.memory_space<vmem>> -> memref<1x100xi32, #tpu.memory_space<vmem>>
    %dma_wait3A_339 = tpu.memref_squeeze %dma_wait3A_338 : memref<1x100xi32, #tpu.memory_space<vmem>> -> memref<100xi32, #tpu.memory_space<vmem>>
    %dma_wait3A_340 = arith.constant 0 : i32
    %dma_wait3A_341 = arith.constant 0 : i32
    %dma_wait3A_342 = tpu.memref_slice %arg4[%dma_wait3A_340, %dma_wait3A_341] : memref<204800x128xf32, #tpu.memory_space<hbm>> -> memref<204800x128xf32, #tpu.memory_space<hbm>>
    tpu.wait_indirect_dma semaphore(%arg7 : memref<!tpu.dma_semaphore, #tpu.memory_space<semaphore_mem>>) src(%dma_wait3A_336 : memref<100x128xf32, #tpu.memory_space<vmem>>) dst(%dma_wait3A_342 : memref<204800x128xf32, #tpu.memory_space<hbm>>)
    %dma_wait3A_343 = arith.constant 100 : i32
    %dma_wait3A_344 = arith.constant 0 : i32
    %dma_wait3A_345 = tpu.memref_slice %arg5[%dma_wait3A_343, %dma_wait3A_344] : memref<200x128xf32, #tpu.memory_space<vmem>> -> memref<100x128xf32, #tpu.memory_space<vmem>>
    %dma_wait3A_346 = arith.constant 0 : i32
    %dma_wait3A_347 = tpu.memref_slice %arg6[%add3A_199, %dma_wait3A_346] : memref<16x128xi32, #tpu.memory_space<vmem>> -> memref<1x100xi32, #tpu.memory_space<vmem>>
    %dma_wait3A_348 = tpu.memref_squeeze %dma_wait3A_347 : memref<1x100xi32, #tpu.memory_space<vmem>> -> memref<100xi32, #tpu.memory_space<vmem>>
    %dma_wait3A_349 = arith.constant 0 : i32
    %dma_wait3A_350 = arith.constant 0 : i32
    %dma_wait3A_351 = tpu.memref_slice %arg4[%dma_wait3A_349, %dma_wait3A_350] : memref<204800x128xf32, #tpu.memory_space<hbm>> -> memref<204800x128xf32, #tpu.memory_space<hbm>>
    tpu.wait_indirect_dma semaphore(%arg7 : memref<!tpu.dma_semaphore, #tpu.memory_space<semaphore_mem>>) src(%dma_wait3A_345 : memref<100x128xf32, #tpu.memory_space<vmem>>) dst(%dma_wait3A_351 : memref<204800x128xf32, #tpu.memory_space<hbm>>)
    %scan3A_352 = arith.constant 1 : i32
    return
  }
}

#map = affine_map<(d0, d1) -> (0, 0)>
#map1 = affine_map<(d0, d1) -> (0, 0, 0)>
module attributes {stable_mosaic.version = 14 : i64} {
  func.func @new_body(%arg0: i32, %arg1: i32, %arg2: memref<200x128xf32, #tpu.memory_space<hbm>>, %arg3: memref<32x48x128xi32, #tpu.memory_space<hbm>>, %arg4: memref<204800x128xf32, #tpu.memory_space<hbm>>, %arg5: memref<204800x128xf32, #tpu.memory_space<hbm>>, %arg6: memref<200x128xf32, #tpu.memory_space<vmem>>, %arg7: memref<48x128xi32, #tpu.memory_space<vmem>>, %arg8: memref<!tpu.dma_semaphore, #tpu.memory_space<semaphore_mem>>) attributes {dimension_semantics = [#tpu.dimension_semantics<core_parallel>, #tpu.dimension_semantics<subcore_parallel>], iteration_bounds = array<i64: 2, 16>, scalar_prefetch = 0 : i64, scratch_operands = 3 : i64, tpu.core_type = #tpu.core_type<sc_vector_subcore>, window_params = [{transform_indices = #map}, {transform_indices = #map1}, {transform_indices = #map}, {transform_indices = #map}]} {
    %mul3A = arith.constant 2 : i32
    %mul3A_0 = arith.muli %arg1, %mul3A : i32
    %add3A = arith.addi %mul3A_0, %arg0 : i32
    "tpu.region"() ({
      %run_scoped3A = tpu.sem_alloc : memref<!tpu.dma_semaphore, #tpu.memory_space<semaphore_mem>>
      tpu.enqueue_dma source(%arg2 : memref<200x128xf32, #tpu.memory_space<hbm>>) target(%arg6 : memref<200x128xf32, #tpu.memory_space<vmem>>) target_semaphore(%run_scoped3A : memref<!tpu.dma_semaphore, #tpu.memory_space<semaphore_mem>>)
      tpu.wait_dma2 semaphore(%run_scoped3A : memref<!tpu.dma_semaphore, #tpu.memory_space<semaphore_mem>>) src(%arg2 : memref<200x128xf32, #tpu.memory_space<hbm>>) dst(%arg6 : memref<200x128xf32, #tpu.memory_space<vmem>>)
      tpu.yield
    }) : () -> ()
    "tpu.region"() ({
      %run_scoped3A = tpu.sem_alloc : memref<!tpu.dma_semaphore, #tpu.memory_space<semaphore_mem>>
      %dma_start3A = arith.constant 0 : i32
      %dma_start3A_6 = arith.constant 0 : i32
      %dma_start3A_7 = tpu.memref_slice %arg3[%add3A, %dma_start3A, %dma_start3A_6] : memref<32x48x128xi32, #tpu.memory_space<hbm>> -> memref<1x48x128xi32, #tpu.memory_space<hbm>>
      %dma_start3A_8 = tpu.memref_squeeze %dma_start3A_7 : memref<1x48x128xi32, #tpu.memory_space<hbm>> -> memref<48x128xi32, #tpu.memory_space<hbm>>
      %dma_start3A_9 = arith.constant 0 : i32
      %dma_start3A_10 = arith.constant 0 : i32
      %dma_start3A_11 = tpu.memref_slice %arg3[%add3A, %dma_start3A_9, %dma_start3A_10] : memref<32x48x128xi32, #tpu.memory_space<hbm>> -> memref<1x48x128xi32, #tpu.memory_space<hbm>>
      %dma_start3A_12 = tpu.memref_squeeze %dma_start3A_11 : memref<1x48x128xi32, #tpu.memory_space<hbm>> -> memref<48x128xi32, #tpu.memory_space<hbm>>
      tpu.enqueue_dma source(%dma_start3A_12 : memref<48x128xi32, #tpu.memory_space<hbm>>) target(%arg7 : memref<48x128xi32, #tpu.memory_space<vmem>>) target_semaphore(%run_scoped3A : memref<!tpu.dma_semaphore, #tpu.memory_space<semaphore_mem>>)
      %dma_wait3A = arith.constant 0 : i32
      %dma_wait3A_13 = arith.constant 0 : i32
      %dma_wait3A_14 = tpu.memref_slice %arg3[%add3A, %dma_wait3A, %dma_wait3A_13] : memref<32x48x128xi32, #tpu.memory_space<hbm>> -> memref<1x48x128xi32, #tpu.memory_space<hbm>>
      %dma_wait3A_15 = tpu.memref_squeeze %dma_wait3A_14 : memref<1x48x128xi32, #tpu.memory_space<hbm>> -> memref<48x128xi32, #tpu.memory_space<hbm>>
      %dma_wait3A_16 = arith.constant 0 : i32
      %dma_wait3A_17 = arith.constant 0 : i32
      %dma_wait3A_18 = tpu.memref_slice %arg3[%add3A, %dma_wait3A_16, %dma_wait3A_17] : memref<32x48x128xi32, #tpu.memory_space<hbm>> -> memref<1x48x128xi32, #tpu.memory_space<hbm>>
      %dma_wait3A_19 = tpu.memref_squeeze %dma_wait3A_18 : memref<1x48x128xi32, #tpu.memory_space<hbm>> -> memref<48x128xi32, #tpu.memory_space<hbm>>
      tpu.wait_dma2 semaphore(%run_scoped3A : memref<!tpu.dma_semaphore, #tpu.memory_space<semaphore_mem>>) src(%dma_wait3A_19 : memref<48x128xi32, #tpu.memory_space<hbm>>) dst(%arg7 : memref<48x128xi32, #tpu.memory_space<vmem>>)
      tpu.yield
    }) : () -> ()
    %scan3A = arith.constant 0 : i32
    %scan3A_1 = arith.constant 0 : i32
    %scan3A_2 = arith.constant 3 : i32
    %scan3A_3 = arith.addi %scan3A_1, %scan3A_2 : i32
    %scan3A_4 = arith.constant 1 : i32
    scf.for %scan3A_6 = %scan3A_1 to %scan3A_3 step %scan3A_4  : i32 {
      %mul3A_7 = arith.constant 16 : i32
      %mul3A_8 = arith.muli %scan3A_6, %mul3A_7 : i32
      %add3A_9 = arith.constant 0 : i32
      %add3A_10 = arith.addi %mul3A_8, %add3A_9 : i32
      %dma_start3A = arith.constant 0 : i32
      %dma_start3A_11 = arith.constant 0 : i32
      %dma_start3A_12 = tpu.memref_slice %arg6[%dma_start3A, %dma_start3A_11] : memref<200x128xf32, #tpu.memory_space<vmem>> -> memref<100x128xf32, #tpu.memory_space<vmem>>
      %dma_start3A_13 = arith.constant 0 : i32
      %dma_start3A_14 = tpu.memref_slice %arg7[%add3A_10, %dma_start3A_13] : memref<48x128xi32, #tpu.memory_space<vmem>> -> memref<1x100xi32, #tpu.memory_space<vmem>>
      %dma_start3A_15 = tpu.memref_squeeze %dma_start3A_14 : memref<1x100xi32, #tpu.memory_space<vmem>> -> memref<100xi32, #tpu.memory_space<vmem>>
      %dma_start3A_16 = arith.constant 0 : i32
      %dma_start3A_17 = arith.constant 0 : i32
      %dma_start3A_18 = tpu.memref_slice %arg4[%dma_start3A_16, %dma_start3A_17] : memref<204800x128xf32, #tpu.memory_space<hbm>> -> memref<204800x128xf32, #tpu.memory_space<hbm>>
      tpu.enqueue_indirect_dma source(%dma_start3A_12 : memref<100x128xf32, #tpu.memory_space<vmem>>) target(%dma_start3A_18 : memref<204800x128xf32, #tpu.memory_space<hbm>>) offsets(%dma_start3A_15 : memref<100xi32, #tpu.memory_space<vmem>>) semaphore(%arg8 : memref<!tpu.dma_semaphore, #tpu.memory_space<semaphore_mem>>)
      %mul3A_19 = arith.constant 16 : i32
      %mul3A_20 = arith.muli %scan3A_6, %mul3A_19 : i32
      %add3A_21 = arith.constant 1 : i32
      %add3A_22 = arith.addi %mul3A_20, %add3A_21 : i32
      %dma_start3A_23 = arith.constant 100 : i32
      %dma_start3A_24 = arith.constant 0 : i32
      %dma_start3A_25 = tpu.memref_slice %arg6[%dma_start3A_23, %dma_start3A_24] : memref<200x128xf32, #tpu.memory_space<vmem>> -> memref<100x128xf32, #tpu.memory_space<vmem>>
      %dma_start3A_26 = arith.constant 0 : i32
      %dma_start3A_27 = tpu.memref_slice %arg7[%add3A_22, %dma_start3A_26] : memref<48x128xi32, #tpu.memory_space<vmem>> -> memref<1x100xi32, #tpu.memory_space<vmem>>
      %dma_start3A_28 = tpu.memref_squeeze %dma_start3A_27 : memref<1x100xi32, #tpu.memory_space<vmem>> -> memref<100xi32, #tpu.memory_space<vmem>>
      %dma_start3A_29 = arith.constant 0 : i32
      %dma_start3A_30 = arith.constant 0 : i32
      %dma_start3A_31 = tpu.memref_slice %arg4[%dma_start3A_29, %dma_start3A_30] : memref<204800x128xf32, #tpu.memory_space<hbm>> -> memref<204800x128xf32, #tpu.memory_space<hbm>>
      tpu.enqueue_indirect_dma source(%dma_start3A_25 : memref<100x128xf32, #tpu.memory_space<vmem>>) target(%dma_start3A_31 : memref<204800x128xf32, #tpu.memory_space<hbm>>) offsets(%dma_start3A_28 : memref<100xi32, #tpu.memory_space<vmem>>) semaphore(%arg8 : memref<!tpu.dma_semaphore, #tpu.memory_space<semaphore_mem>>)
      %mul3A_32 = arith.constant 16 : i32
      %mul3A_33 = arith.muli %scan3A_6, %mul3A_32 : i32
      %add3A_34 = arith.constant 2 : i32
      %add3A_35 = arith.addi %mul3A_33, %add3A_34 : i32
      %dma_start3A_36 = arith.constant 0 : i32
      %dma_start3A_37 = arith.constant 0 : i32
      %dma_start3A_38 = tpu.memref_slice %arg6[%dma_start3A_36, %dma_start3A_37] : memref<200x128xf32, #tpu.memory_space<vmem>> -> memref<100x128xf32, #tpu.memory_space<vmem>>
      %dma_start3A_39 = arith.constant 0 : i32
      %dma_start3A_40 = tpu.memref_slice %arg7[%add3A_35, %dma_start3A_39] : memref<48x128xi32, #tpu.memory_space<vmem>> -> memref<1x100xi32, #tpu.memory_space<vmem>>
      %dma_start3A_41 = tpu.memref_squeeze %dma_start3A_40 : memref<1x100xi32, #tpu.memory_space<vmem>> -> memref<100xi32, #tpu.memory_space<vmem>>
      %dma_start3A_42 = arith.constant 0 : i32
      %dma_start3A_43 = arith.constant 0 : i32
      %dma_start3A_44 = tpu.memref_slice %arg4[%dma_start3A_42, %dma_start3A_43] : memref<204800x128xf32, #tpu.memory_space<hbm>> -> memref<204800x128xf32, #tpu.memory_space<hbm>>
      tpu.enqueue_indirect_dma source(%dma_start3A_38 : memref<100x128xf32, #tpu.memory_space<vmem>>) target(%dma_start3A_44 : memref<204800x128xf32, #tpu.memory_space<hbm>>) offsets(%dma_start3A_41 : memref<100xi32, #tpu.memory_space<vmem>>) semaphore(%arg8 : memref<!tpu.dma_semaphore, #tpu.memory_space<semaphore_mem>>)
      %mul3A_45 = arith.constant 16 : i32
      %mul3A_46 = arith.muli %scan3A_6, %mul3A_45 : i32
      %add3A_47 = arith.constant 3 : i32
      %add3A_48 = arith.addi %mul3A_46, %add3A_47 : i32
      %dma_start3A_49 = arith.constant 100 : i32
      %dma_start3A_50 = arith.constant 0 : i32
      %dma_start3A_51 = tpu.memref_slice %arg6[%dma_start3A_49, %dma_start3A_50] : memref<200x128xf32, #tpu.memory_space<vmem>> -> memref<100x128xf32, #tpu.memory_space<vmem>>
      %dma_start3A_52 = arith.constant 0 : i32
      %dma_start3A_53 = tpu.memref_slice %arg7[%add3A_48, %dma_start3A_52] : memref<48x128xi32, #tpu.memory_space<vmem>> -> memref<1x100xi32, #tpu.memory_space<vmem>>
      %dma_start3A_54 = tpu.memref_squeeze %dma_start3A_53 : memref<1x100xi32, #tpu.memory_space<vmem>> -> memref<100xi32, #tpu.memory_space<vmem>>
      %dma_start3A_55 = arith.constant 0 : i32
      %dma_start3A_56 = arith.constant 0 : i32
      %dma_start3A_57 = tpu.memref_slice %arg4[%dma_start3A_55, %dma_start3A_56] : memref<204800x128xf32, #tpu.memory_space<hbm>> -> memref<204800x128xf32, #tpu.memory_space<hbm>>
      tpu.enqueue_indirect_dma source(%dma_start3A_51 : memref<100x128xf32, #tpu.memory_space<vmem>>) target(%dma_start3A_57 : memref<204800x128xf32, #tpu.memory_space<hbm>>) offsets(%dma_start3A_54 : memref<100xi32, #tpu.memory_space<vmem>>) semaphore(%arg8 : memref<!tpu.dma_semaphore, #tpu.memory_space<semaphore_mem>>)
      %mul3A_58 = arith.constant 16 : i32
      %mul3A_59 = arith.muli %scan3A_6, %mul3A_58 : i32
      %add3A_60 = arith.constant 4 : i32
      %add3A_61 = arith.addi %mul3A_59, %add3A_60 : i32
      %dma_start3A_62 = arith.constant 0 : i32
      %dma_start3A_63 = arith.constant 0 : i32
      %dma_start3A_64 = tpu.memref_slice %arg6[%dma_start3A_62, %dma_start3A_63] : memref<200x128xf32, #tpu.memory_space<vmem>> -> memref<100x128xf32, #tpu.memory_space<vmem>>
      %dma_start3A_65 = arith.constant 0 : i32
      %dma_start3A_66 = tpu.memref_slice %arg7[%add3A_61, %dma_start3A_65] : memref<48x128xi32, #tpu.memory_space<vmem>> -> memref<1x100xi32, #tpu.memory_space<vmem>>
      %dma_start3A_67 = tpu.memref_squeeze %dma_start3A_66 : memref<1x100xi32, #tpu.memory_space<vmem>> -> memref<100xi32, #tpu.memory_space<vmem>>
      %dma_start3A_68 = arith.constant 0 : i32
      %dma_start3A_69 = arith.constant 0 : i32
      %dma_start3A_70 = tpu.memref_slice %arg4[%dma_start3A_68, %dma_start3A_69] : memref<204800x128xf32, #tpu.memory_space<hbm>> -> memref<204800x128xf32, #tpu.memory_space<hbm>>
      tpu.enqueue_indirect_dma source(%dma_start3A_64 : memref<100x128xf32, #tpu.memory_space<vmem>>) target(%dma_start3A_70 : memref<204800x128xf32, #tpu.memory_space<hbm>>) offsets(%dma_start3A_67 : memref<100xi32, #tpu.memory_space<vmem>>) semaphore(%arg8 : memref<!tpu.dma_semaphore, #tpu.memory_space<semaphore_mem>>)
      %mul3A_71 = arith.constant 16 : i32
      %mul3A_72 = arith.muli %scan3A_6, %mul3A_71 : i32
      %add3A_73 = arith.constant 5 : i32
      %add3A_74 = arith.addi %mul3A_72, %add3A_73 : i32
      %dma_start3A_75 = arith.constant 100 : i32
      %dma_start3A_76 = arith.constant 0 : i32
      %dma_start3A_77 = tpu.memref_slice %arg6[%dma_start3A_75, %dma_start3A_76] : memref<200x128xf32, #tpu.memory_space<vmem>> -> memref<100x128xf32, #tpu.memory_space<vmem>>
      %dma_start3A_78 = arith.constant 0 : i32
      %dma_start3A_79 = tpu.memref_slice %arg7[%add3A_74, %dma_start3A_78] : memref<48x128xi32, #tpu.memory_space<vmem>> -> memref<1x100xi32, #tpu.memory_space<vmem>>
      %dma_start3A_80 = tpu.memref_squeeze %dma_start3A_79 : memref<1x100xi32, #tpu.memory_space<vmem>> -> memref<100xi32, #tpu.memory_space<vmem>>
      %dma_start3A_81 = arith.constant 0 : i32
      %dma_start3A_82 = arith.constant 0 : i32
      %dma_start3A_83 = tpu.memref_slice %arg4[%dma_start3A_81, %dma_start3A_82] : memref<204800x128xf32, #tpu.memory_space<hbm>> -> memref<204800x128xf32, #tpu.memory_space<hbm>>
      tpu.enqueue_indirect_dma source(%dma_start3A_77 : memref<100x128xf32, #tpu.memory_space<vmem>>) target(%dma_start3A_83 : memref<204800x128xf32, #tpu.memory_space<hbm>>) offsets(%dma_start3A_80 : memref<100xi32, #tpu.memory_space<vmem>>) semaphore(%arg8 : memref<!tpu.dma_semaphore, #tpu.memory_space<semaphore_mem>>)
      %mul3A_84 = arith.constant 16 : i32
      %mul3A_85 = arith.muli %scan3A_6, %mul3A_84 : i32
      %add3A_86 = arith.constant 6 : i32
      %add3A_87 = arith.addi %mul3A_85, %add3A_86 : i32
      %dma_start3A_88 = arith.constant 0 : i32
      %dma_start3A_89 = arith.constant 0 : i32
      %dma_start3A_90 = tpu.memref_slice %arg6[%dma_start3A_88, %dma_start3A_89] : memref<200x128xf32, #tpu.memory_space<vmem>> -> memref<100x128xf32, #tpu.memory_space<vmem>>
      %dma_start3A_91 = arith.constant 0 : i32
      %dma_start3A_92 = tpu.memref_slice %arg7[%add3A_87, %dma_start3A_91] : memref<48x128xi32, #tpu.memory_space<vmem>> -> memref<1x100xi32, #tpu.memory_space<vmem>>
      %dma_start3A_93 = tpu.memref_squeeze %dma_start3A_92 : memref<1x100xi32, #tpu.memory_space<vmem>> -> memref<100xi32, #tpu.memory_space<vmem>>
      %dma_start3A_94 = arith.constant 0 : i32
      %dma_start3A_95 = arith.constant 0 : i32
      %dma_start3A_96 = tpu.memref_slice %arg4[%dma_start3A_94, %dma_start3A_95] : memref<204800x128xf32, #tpu.memory_space<hbm>> -> memref<204800x128xf32, #tpu.memory_space<hbm>>
      tpu.enqueue_indirect_dma source(%dma_start3A_90 : memref<100x128xf32, #tpu.memory_space<vmem>>) target(%dma_start3A_96 : memref<204800x128xf32, #tpu.memory_space<hbm>>) offsets(%dma_start3A_93 : memref<100xi32, #tpu.memory_space<vmem>>) semaphore(%arg8 : memref<!tpu.dma_semaphore, #tpu.memory_space<semaphore_mem>>)
      %mul3A_97 = arith.constant 16 : i32
      %mul3A_98 = arith.muli %scan3A_6, %mul3A_97 : i32
      %add3A_99 = arith.constant 7 : i32
      %add3A_100 = arith.addi %mul3A_98, %add3A_99 : i32
      %dma_start3A_101 = arith.constant 100 : i32
      %dma_start3A_102 = arith.constant 0 : i32
      %dma_start3A_103 = tpu.memref_slice %arg6[%dma_start3A_101, %dma_start3A_102] : memref<200x128xf32, #tpu.memory_space<vmem>> -> memref<100x128xf32, #tpu.memory_space<vmem>>
      %dma_start3A_104 = arith.constant 0 : i32
      %dma_start3A_105 = tpu.memref_slice %arg7[%add3A_100, %dma_start3A_104] : memref<48x128xi32, #tpu.memory_space<vmem>> -> memref<1x100xi32, #tpu.memory_space<vmem>>
      %dma_start3A_106 = tpu.memref_squeeze %dma_start3A_105 : memref<1x100xi32, #tpu.memory_space<vmem>> -> memref<100xi32, #tpu.memory_space<vmem>>
      %dma_start3A_107 = arith.constant 0 : i32
      %dma_start3A_108 = arith.constant 0 : i32
      %dma_start3A_109 = tpu.memref_slice %arg4[%dma_start3A_107, %dma_start3A_108] : memref<204800x128xf32, #tpu.memory_space<hbm>> -> memref<204800x128xf32, #tpu.memory_space<hbm>>
      tpu.enqueue_indirect_dma source(%dma_start3A_103 : memref<100x128xf32, #tpu.memory_space<vmem>>) target(%dma_start3A_109 : memref<204800x128xf32, #tpu.memory_space<hbm>>) offsets(%dma_start3A_106 : memref<100xi32, #tpu.memory_space<vmem>>) semaphore(%arg8 : memref<!tpu.dma_semaphore, #tpu.memory_space<semaphore_mem>>)
      %mul3A_110 = arith.constant 16 : i32
      %mul3A_111 = arith.muli %scan3A_6, %mul3A_110 : i32
      %add3A_112 = arith.constant 8 : i32
      %add3A_113 = arith.addi %mul3A_111, %add3A_112 : i32
      %dma_start3A_114 = arith.constant 0 : i32
      %dma_start3A_115 = arith.constant 0 : i32
      %dma_start3A_116 = tpu.memref_slice %arg6[%dma_start3A_114, %dma_start3A_115] : memref<200x128xf32, #tpu.memory_space<vmem>> -> memref<100x128xf32, #tpu.memory_space<vmem>>
      %dma_start3A_117 = arith.constant 0 : i32
      %dma_start3A_118 = tpu.memref_slice %arg7[%add3A_113, %dma_start3A_117] : memref<48x128xi32, #tpu.memory_space<vmem>> -> memref<1x100xi32, #tpu.memory_space<vmem>>
      %dma_start3A_119 = tpu.memref_squeeze %dma_start3A_118 : memref<1x100xi32, #tpu.memory_space<vmem>> -> memref<100xi32, #tpu.memory_space<vmem>>
      %dma_start3A_120 = arith.constant 0 : i32
      %dma_start3A_121 = arith.constant 0 : i32
      %dma_start3A_122 = tpu.memref_slice %arg4[%dma_start3A_120, %dma_start3A_121] : memref<204800x128xf32, #tpu.memory_space<hbm>> -> memref<204800x128xf32, #tpu.memory_space<hbm>>
      tpu.enqueue_indirect_dma source(%dma_start3A_116 : memref<100x128xf32, #tpu.memory_space<vmem>>) target(%dma_start3A_122 : memref<204800x128xf32, #tpu.memory_space<hbm>>) offsets(%dma_start3A_119 : memref<100xi32, #tpu.memory_space<vmem>>) semaphore(%arg8 : memref<!tpu.dma_semaphore, #tpu.memory_space<semaphore_mem>>)
      %mul3A_123 = arith.constant 16 : i32
      %mul3A_124 = arith.muli %scan3A_6, %mul3A_123 : i32
      %add3A_125 = arith.constant 9 : i32
      %add3A_126 = arith.addi %mul3A_124, %add3A_125 : i32
      %dma_start3A_127 = arith.constant 100 : i32
      %dma_start3A_128 = arith.constant 0 : i32
      %dma_start3A_129 = tpu.memref_slice %arg6[%dma_start3A_127, %dma_start3A_128] : memref<200x128xf32, #tpu.memory_space<vmem>> -> memref<100x128xf32, #tpu.memory_space<vmem>>
      %dma_start3A_130 = arith.constant 0 : i32
      %dma_start3A_131 = tpu.memref_slice %arg7[%add3A_126, %dma_start3A_130] : memref<48x128xi32, #tpu.memory_space<vmem>> -> memref<1x100xi32, #tpu.memory_space<vmem>>
      %dma_start3A_132 = tpu.memref_squeeze %dma_start3A_131 : memref<1x100xi32, #tpu.memory_space<vmem>> -> memref<100xi32, #tpu.memory_space<vmem>>
      %dma_start3A_133 = arith.constant 0 : i32
      %dma_start3A_134 = arith.constant 0 : i32
      %dma_start3A_135 = tpu.memref_slice %arg4[%dma_start3A_133, %dma_start3A_134] : memref<204800x128xf32, #tpu.memory_space<hbm>> -> memref<204800x128xf32, #tpu.memory_space<hbm>>
      tpu.enqueue_indirect_dma source(%dma_start3A_129 : memref<100x128xf32, #tpu.memory_space<vmem>>) target(%dma_start3A_135 : memref<204800x128xf32, #tpu.memory_space<hbm>>) offsets(%dma_start3A_132 : memref<100xi32, #tpu.memory_space<vmem>>) semaphore(%arg8 : memref<!tpu.dma_semaphore, #tpu.memory_space<semaphore_mem>>)
      %mul3A_136 = arith.constant 16 : i32
      %mul3A_137 = arith.muli %scan3A_6, %mul3A_136 : i32
      %add3A_138 = arith.constant 10 : i32
      %add3A_139 = arith.addi %mul3A_137, %add3A_138 : i32
      %dma_start3A_140 = arith.constant 0 : i32
      %dma_start3A_141 = arith.constant 0 : i32
      %dma_start3A_142 = tpu.memref_slice %arg6[%dma_start3A_140, %dma_start3A_141] : memref<200x128xf32, #tpu.memory_space<vmem>> -> memref<100x128xf32, #tpu.memory_space<vmem>>
      %dma_start3A_143 = arith.constant 0 : i32
      %dma_start3A_144 = tpu.memref_slice %arg7[%add3A_139, %dma_start3A_143] : memref<48x128xi32, #tpu.memory_space<vmem>> -> memref<1x100xi32, #tpu.memory_space<vmem>>
      %dma_start3A_145 = tpu.memref_squeeze %dma_start3A_144 : memref<1x100xi32, #tpu.memory_space<vmem>> -> memref<100xi32, #tpu.memory_space<vmem>>
      %dma_start3A_146 = arith.constant 0 : i32
      %dma_start3A_147 = arith.constant 0 : i32
      %dma_start3A_148 = tpu.memref_slice %arg4[%dma_start3A_146, %dma_start3A_147] : memref<204800x128xf32, #tpu.memory_space<hbm>> -> memref<204800x128xf32, #tpu.memory_space<hbm>>
      tpu.enqueue_indirect_dma source(%dma_start3A_142 : memref<100x128xf32, #tpu.memory_space<vmem>>) target(%dma_start3A_148 : memref<204800x128xf32, #tpu.memory_space<hbm>>) offsets(%dma_start3A_145 : memref<100xi32, #tpu.memory_space<vmem>>) semaphore(%arg8 : memref<!tpu.dma_semaphore, #tpu.memory_space<semaphore_mem>>)
      %mul3A_149 = arith.constant 16 : i32
      %mul3A_150 = arith.muli %scan3A_6, %mul3A_149 : i32
      %add3A_151 = arith.constant 11 : i32
      %add3A_152 = arith.addi %mul3A_150, %add3A_151 : i32
      %dma_start3A_153 = arith.constant 100 : i32
      %dma_start3A_154 = arith.constant 0 : i32
      %dma_start3A_155 = tpu.memref_slice %arg6[%dma_start3A_153, %dma_start3A_154] : memref<200x128xf32, #tpu.memory_space<vmem>> -> memref<100x128xf32, #tpu.memory_space<vmem>>
      %dma_start3A_156 = arith.constant 0 : i32
      %dma_start3A_157 = tpu.memref_slice %arg7[%add3A_152, %dma_start3A_156] : memref<48x128xi32, #tpu.memory_space<vmem>> -> memref<1x100xi32, #tpu.memory_space<vmem>>
      %dma_start3A_158 = tpu.memref_squeeze %dma_start3A_157 : memref<1x100xi32, #tpu.memory_space<vmem>> -> memref<100xi32, #tpu.memory_space<vmem>>
      %dma_start3A_159 = arith.constant 0 : i32
      %dma_start3A_160 = arith.constant 0 : i32
      %dma_start3A_161 = tpu.memref_slice %arg4[%dma_start3A_159, %dma_start3A_160] : memref<204800x128xf32, #tpu.memory_space<hbm>> -> memref<204800x128xf32, #tpu.memory_space<hbm>>
      tpu.enqueue_indirect_dma source(%dma_start3A_155 : memref<100x128xf32, #tpu.memory_space<vmem>>) target(%dma_start3A_161 : memref<204800x128xf32, #tpu.memory_space<hbm>>) offsets(%dma_start3A_158 : memref<100xi32, #tpu.memory_space<vmem>>) semaphore(%arg8 : memref<!tpu.dma_semaphore, #tpu.memory_space<semaphore_mem>>)
      %mul3A_162 = arith.constant 16 : i32
      %mul3A_163 = arith.muli %scan3A_6, %mul3A_162 : i32
      %add3A_164 = arith.constant 12 : i32
      %add3A_165 = arith.addi %mul3A_163, %add3A_164 : i32
      %dma_start3A_166 = arith.constant 0 : i32
      %dma_start3A_167 = arith.constant 0 : i32
      %dma_start3A_168 = tpu.memref_slice %arg6[%dma_start3A_166, %dma_start3A_167] : memref<200x128xf32, #tpu.memory_space<vmem>> -> memref<100x128xf32, #tpu.memory_space<vmem>>
      %dma_start3A_169 = arith.constant 0 : i32
      %dma_start3A_170 = tpu.memref_slice %arg7[%add3A_165, %dma_start3A_169] : memref<48x128xi32, #tpu.memory_space<vmem>> -> memref<1x100xi32, #tpu.memory_space<vmem>>
      %dma_start3A_171 = tpu.memref_squeeze %dma_start3A_170 : memref<1x100xi32, #tpu.memory_space<vmem>> -> memref<100xi32, #tpu.memory_space<vmem>>
      %dma_start3A_172 = arith.constant 0 : i32
      %dma_start3A_173 = arith.constant 0 : i32
      %dma_start3A_174 = tpu.memref_slice %arg4[%dma_start3A_172, %dma_start3A_173] : memref<204800x128xf32, #tpu.memory_space<hbm>> -> memref<204800x128xf32, #tpu.memory_space<hbm>>
      tpu.enqueue_indirect_dma source(%dma_start3A_168 : memref<100x128xf32, #tpu.memory_space<vmem>>) target(%dma_start3A_174 : memref<204800x128xf32, #tpu.memory_space<hbm>>) offsets(%dma_start3A_171 : memref<100xi32, #tpu.memory_space<vmem>>) semaphore(%arg8 : memref<!tpu.dma_semaphore, #tpu.memory_space<semaphore_mem>>)
      %mul3A_175 = arith.constant 16 : i32
      %mul3A_176 = arith.muli %scan3A_6, %mul3A_175 : i32
      %add3A_177 = arith.constant 13 : i32
      %add3A_178 = arith.addi %mul3A_176, %add3A_177 : i32
      %dma_start3A_179 = arith.constant 100 : i32
      %dma_start3A_180 = arith.constant 0 : i32
      %dma_start3A_181 = tpu.memref_slice %arg6[%dma_start3A_179, %dma_start3A_180] : memref<200x128xf32, #tpu.memory_space<vmem>> -> memref<100x128xf32, #tpu.memory_space<vmem>>
      %dma_start3A_182 = arith.constant 0 : i32
      %dma_start3A_183 = tpu.memref_slice %arg7[%add3A_178, %dma_start3A_182] : memref<48x128xi32, #tpu.memory_space<vmem>> -> memref<1x100xi32, #tpu.memory_space<vmem>>
      %dma_start3A_184 = tpu.memref_squeeze %dma_start3A_183 : memref<1x100xi32, #tpu.memory_space<vmem>> -> memref<100xi32, #tpu.memory_space<vmem>>
      %dma_start3A_185 = arith.constant 0 : i32
      %dma_start3A_186 = arith.constant 0 : i32
      %dma_start3A_187 = tpu.memref_slice %arg4[%dma_start3A_185, %dma_start3A_186] : memref<204800x128xf32, #tpu.memory_space<hbm>> -> memref<204800x128xf32, #tpu.memory_space<hbm>>
      tpu.enqueue_indirect_dma source(%dma_start3A_181 : memref<100x128xf32, #tpu.memory_space<vmem>>) target(%dma_start3A_187 : memref<204800x128xf32, #tpu.memory_space<hbm>>) offsets(%dma_start3A_184 : memref<100xi32, #tpu.memory_space<vmem>>) semaphore(%arg8 : memref<!tpu.dma_semaphore, #tpu.memory_space<semaphore_mem>>)
      %mul3A_188 = arith.constant 16 : i32
      %mul3A_189 = arith.muli %scan3A_6, %mul3A_188 : i32
      %add3A_190 = arith.constant 14 : i32
      %add3A_191 = arith.addi %mul3A_189, %add3A_190 : i32
      %dma_start3A_192 = arith.constant 0 : i32
      %dma_start3A_193 = arith.constant 0 : i32
      %dma_start3A_194 = tpu.memref_slice %arg6[%dma_start3A_192, %dma_start3A_193] : memref<200x128xf32, #tpu.memory_space<vmem>> -> memref<100x128xf32, #tpu.memory_space<vmem>>
      %dma_start3A_195 = arith.constant 0 : i32
      %dma_start3A_196 = tpu.memref_slice %arg7[%add3A_191, %dma_start3A_195] : memref<48x128xi32, #tpu.memory_space<vmem>> -> memref<1x100xi32, #tpu.memory_space<vmem>>
      %dma_start3A_197 = tpu.memref_squeeze %dma_start3A_196 : memref<1x100xi32, #tpu.memory_space<vmem>> -> memref<100xi32, #tpu.memory_space<vmem>>
      %dma_start3A_198 = arith.constant 0 : i32
      %dma_start3A_199 = arith.constant 0 : i32
      %dma_start3A_200 = tpu.memref_slice %arg4[%dma_start3A_198, %dma_start3A_199] : memref<204800x128xf32, #tpu.memory_space<hbm>> -> memref<204800x128xf32, #tpu.memory_space<hbm>>
      tpu.enqueue_indirect_dma source(%dma_start3A_194 : memref<100x128xf32, #tpu.memory_space<vmem>>) target(%dma_start3A_200 : memref<204800x128xf32, #tpu.memory_space<hbm>>) offsets(%dma_start3A_197 : memref<100xi32, #tpu.memory_space<vmem>>) semaphore(%arg8 : memref<!tpu.dma_semaphore, #tpu.memory_space<semaphore_mem>>)
      %mul3A_201 = arith.constant 16 : i32
      %mul3A_202 = arith.muli %scan3A_6, %mul3A_201 : i32
      %add3A_203 = arith.constant 15 : i32
      %add3A_204 = arith.addi %mul3A_202, %add3A_203 : i32
      %dma_start3A_205 = arith.constant 100 : i32
      %dma_start3A_206 = arith.constant 0 : i32
      %dma_start3A_207 = tpu.memref_slice %arg6[%dma_start3A_205, %dma_start3A_206] : memref<200x128xf32, #tpu.memory_space<vmem>> -> memref<100x128xf32, #tpu.memory_space<vmem>>
      %dma_start3A_208 = arith.constant 0 : i32
      %dma_start3A_209 = tpu.memref_slice %arg7[%add3A_204, %dma_start3A_208] : memref<48x128xi32, #tpu.memory_space<vmem>> -> memref<1x100xi32, #tpu.memory_space<vmem>>
      %dma_start3A_210 = tpu.memref_squeeze %dma_start3A_209 : memref<1x100xi32, #tpu.memory_space<vmem>> -> memref<100xi32, #tpu.memory_space<vmem>>
      %dma_start3A_211 = arith.constant 0 : i32
      %dma_start3A_212 = arith.constant 0 : i32
      %dma_start3A_213 = tpu.memref_slice %arg4[%dma_start3A_211, %dma_start3A_212] : memref<204800x128xf32, #tpu.memory_space<hbm>> -> memref<204800x128xf32, #tpu.memory_space<hbm>>
      tpu.enqueue_indirect_dma source(%dma_start3A_207 : memref<100x128xf32, #tpu.memory_space<vmem>>) target(%dma_start3A_213 : memref<204800x128xf32, #tpu.memory_space<hbm>>) offsets(%dma_start3A_210 : memref<100xi32, #tpu.memory_space<vmem>>) semaphore(%arg8 : memref<!tpu.dma_semaphore, #tpu.memory_space<semaphore_mem>>)
      %dma_wait3A = arith.constant 0 : i32
      %dma_wait3A_214 = arith.constant 0 : i32
      %dma_wait3A_215 = tpu.memref_slice %arg6[%dma_wait3A, %dma_wait3A_214] : memref<200x128xf32, #tpu.memory_space<vmem>> -> memref<100x128xf32, #tpu.memory_space<vmem>>
      %dma_wait3A_216 = arith.constant 0 : i32
      %dma_wait3A_217 = tpu.memref_slice %arg7[%add3A_10, %dma_wait3A_216] : memref<48x128xi32, #tpu.memory_space<vmem>> -> memref<1x100xi32, #tpu.memory_space<vmem>>
      %dma_wait3A_218 = tpu.memref_squeeze %dma_wait3A_217 : memref<1x100xi32, #tpu.memory_space<vmem>> -> memref<100xi32, #tpu.memory_space<vmem>>
      %dma_wait3A_219 = arith.constant 0 : i32
      %dma_wait3A_220 = arith.constant 0 : i32
      %dma_wait3A_221 = tpu.memref_slice %arg4[%dma_wait3A_219, %dma_wait3A_220] : memref<204800x128xf32, #tpu.memory_space<hbm>> -> memref<204800x128xf32, #tpu.memory_space<hbm>>
      tpu.wait_indirect_dma semaphore(%arg8 : memref<!tpu.dma_semaphore, #tpu.memory_space<semaphore_mem>>) src(%dma_wait3A_215 : memref<100x128xf32, #tpu.memory_space<vmem>>) dst(%dma_wait3A_221 : memref<204800x128xf32, #tpu.memory_space<hbm>>)
      %dma_wait3A_222 = arith.constant 100 : i32
      %dma_wait3A_223 = arith.constant 0 : i32
      %dma_wait3A_224 = tpu.memref_slice %arg6[%dma_wait3A_222, %dma_wait3A_223] : memref<200x128xf32, #tpu.memory_space<vmem>> -> memref<100x128xf32, #tpu.memory_space<vmem>>
      %dma_wait3A_225 = arith.constant 0 : i32
      %dma_wait3A_226 = tpu.memref_slice %arg7[%add3A_22, %dma_wait3A_225] : memref<48x128xi32, #tpu.memory_space<vmem>> -> memref<1x100xi32, #tpu.memory_space<vmem>>
      %dma_wait3A_227 = tpu.memref_squeeze %dma_wait3A_226 : memref<1x100xi32, #tpu.memory_space<vmem>> -> memref<100xi32, #tpu.memory_space<vmem>>
      %dma_wait3A_228 = arith.constant 0 : i32
      %dma_wait3A_229 = arith.constant 0 : i32
      %dma_wait3A_230 = tpu.memref_slice %arg4[%dma_wait3A_228, %dma_wait3A_229] : memref<204800x128xf32, #tpu.memory_space<hbm>> -> memref<204800x128xf32, #tpu.memory_space<hbm>>
      tpu.wait_indirect_dma semaphore(%arg8 : memref<!tpu.dma_semaphore, #tpu.memory_space<semaphore_mem>>) src(%dma_wait3A_224 : memref<100x128xf32, #tpu.memory_space<vmem>>) dst(%dma_wait3A_230 : memref<204800x128xf32, #tpu.memory_space<hbm>>)
      %dma_wait3A_231 = arith.constant 0 : i32
      %dma_wait3A_232 = arith.constant 0 : i32
      %dma_wait3A_233 = tpu.memref_slice %arg6[%dma_wait3A_231, %dma_wait3A_232] : memref<200x128xf32, #tpu.memory_space<vmem>> -> memref<100x128xf32, #tpu.memory_space<vmem>>
      %dma_wait3A_234 = arith.constant 0 : i32
      %dma_wait3A_235 = tpu.memref_slice %arg7[%add3A_35, %dma_wait3A_234] : memref<48x128xi32, #tpu.memory_space<vmem>> -> memref<1x100xi32, #tpu.memory_space<vmem>>
      %dma_wait3A_236 = tpu.memref_squeeze %dma_wait3A_235 : memref<1x100xi32, #tpu.memory_space<vmem>> -> memref<100xi32, #tpu.memory_space<vmem>>
      %dma_wait3A_237 = arith.constant 0 : i32
      %dma_wait3A_238 = arith.constant 0 : i32
      %dma_wait3A_239 = tpu.memref_slice %arg4[%dma_wait3A_237, %dma_wait3A_238] : memref<204800x128xf32, #tpu.memory_space<hbm>> -> memref<204800x128xf32, #tpu.memory_space<hbm>>
      tpu.wait_indirect_dma semaphore(%arg8 : memref<!tpu.dma_semaphore, #tpu.memory_space<semaphore_mem>>) src(%dma_wait3A_233 : memref<100x128xf32, #tpu.memory_space<vmem>>) dst(%dma_wait3A_239 : memref<204800x128xf32, #tpu.memory_space<hbm>>)
      %dma_wait3A_240 = arith.constant 100 : i32
      %dma_wait3A_241 = arith.constant 0 : i32
      %dma_wait3A_242 = tpu.memref_slice %arg6[%dma_wait3A_240, %dma_wait3A_241] : memref<200x128xf32, #tpu.memory_space<vmem>> -> memref<100x128xf32, #tpu.memory_space<vmem>>
      %dma_wait3A_243 = arith.constant 0 : i32
      %dma_wait3A_244 = tpu.memref_slice %arg7[%add3A_48, %dma_wait3A_243] : memref<48x128xi32, #tpu.memory_space<vmem>> -> memref<1x100xi32, #tpu.memory_space<vmem>>
      %dma_wait3A_245 = tpu.memref_squeeze %dma_wait3A_244 : memref<1x100xi32, #tpu.memory_space<vmem>> -> memref<100xi32, #tpu.memory_space<vmem>>
      %dma_wait3A_246 = arith.constant 0 : i32
      %dma_wait3A_247 = arith.constant 0 : i32
      %dma_wait3A_248 = tpu.memref_slice %arg4[%dma_wait3A_246, %dma_wait3A_247] : memref<204800x128xf32, #tpu.memory_space<hbm>> -> memref<204800x128xf32, #tpu.memory_space<hbm>>
      tpu.wait_indirect_dma semaphore(%arg8 : memref<!tpu.dma_semaphore, #tpu.memory_space<semaphore_mem>>) src(%dma_wait3A_242 : memref<100x128xf32, #tpu.memory_space<vmem>>) dst(%dma_wait3A_248 : memref<204800x128xf32, #tpu.memory_space<hbm>>)
      %dma_wait3A_249 = arith.constant 0 : i32
      %dma_wait3A_250 = arith.constant 0 : i32
      %dma_wait3A_251 = tpu.memref_slice %arg6[%dma_wait3A_249, %dma_wait3A_250] : memref<200x128xf32, #tpu.memory_space<vmem>> -> memref<100x128xf32, #tpu.memory_space<vmem>>
      %dma_wait3A_252 = arith.constant 0 : i32
      %dma_wait3A_253 = tpu.memref_slice %arg7[%add3A_61, %dma_wait3A_252] : memref<48x128xi32, #tpu.memory_space<vmem>> -> memref<1x100xi32, #tpu.memory_space<vmem>>
      %dma_wait3A_254 = tpu.memref_squeeze %dma_wait3A_253 : memref<1x100xi32, #tpu.memory_space<vmem>> -> memref<100xi32, #tpu.memory_space<vmem>>
      %dma_wait3A_255 = arith.constant 0 : i32
      %dma_wait3A_256 = arith.constant 0 : i32
      %dma_wait3A_257 = tpu.memref_slice %arg4[%dma_wait3A_255, %dma_wait3A_256] : memref<204800x128xf32, #tpu.memory_space<hbm>> -> memref<204800x128xf32, #tpu.memory_space<hbm>>
      tpu.wait_indirect_dma semaphore(%arg8 : memref<!tpu.dma_semaphore, #tpu.memory_space<semaphore_mem>>) src(%dma_wait3A_251 : memref<100x128xf32, #tpu.memory_space<vmem>>) dst(%dma_wait3A_257 : memref<204800x128xf32, #tpu.memory_space<hbm>>)
      %dma_wait3A_258 = arith.constant 100 : i32
      %dma_wait3A_259 = arith.constant 0 : i32
      %dma_wait3A_260 = tpu.memref_slice %arg6[%dma_wait3A_258, %dma_wait3A_259] : memref<200x128xf32, #tpu.memory_space<vmem>> -> memref<100x128xf32, #tpu.memory_space<vmem>>
      %dma_wait3A_261 = arith.constant 0 : i32
      %dma_wait3A_262 = tpu.memref_slice %arg7[%add3A_74, %dma_wait3A_261] : memref<48x128xi32, #tpu.memory_space<vmem>> -> memref<1x100xi32, #tpu.memory_space<vmem>>
      %dma_wait3A_263 = tpu.memref_squeeze %dma_wait3A_262 : memref<1x100xi32, #tpu.memory_space<vmem>> -> memref<100xi32, #tpu.memory_space<vmem>>
      %dma_wait3A_264 = arith.constant 0 : i32
      %dma_wait3A_265 = arith.constant 0 : i32
      %dma_wait3A_266 = tpu.memref_slice %arg4[%dma_wait3A_264, %dma_wait3A_265] : memref<204800x128xf32, #tpu.memory_space<hbm>> -> memref<204800x128xf32, #tpu.memory_space<hbm>>
      tpu.wait_indirect_dma semaphore(%arg8 : memref<!tpu.dma_semaphore, #tpu.memory_space<semaphore_mem>>) src(%dma_wait3A_260 : memref<100x128xf32, #tpu.memory_space<vmem>>) dst(%dma_wait3A_266 : memref<204800x128xf32, #tpu.memory_space<hbm>>)
      %dma_wait3A_267 = arith.constant 0 : i32
      %dma_wait3A_268 = arith.constant 0 : i32
      %dma_wait3A_269 = tpu.memref_slice %arg6[%dma_wait3A_267, %dma_wait3A_268] : memref<200x128xf32, #tpu.memory_space<vmem>> -> memref<100x128xf32, #tpu.memory_space<vmem>>
      %dma_wait3A_270 = arith.constant 0 : i32
      %dma_wait3A_271 = tpu.memref_slice %arg7[%add3A_87, %dma_wait3A_270] : memref<48x128xi32, #tpu.memory_space<vmem>> -> memref<1x100xi32, #tpu.memory_space<vmem>>
      %dma_wait3A_272 = tpu.memref_squeeze %dma_wait3A_271 : memref<1x100xi32, #tpu.memory_space<vmem>> -> memref<100xi32, #tpu.memory_space<vmem>>
      %dma_wait3A_273 = arith.constant 0 : i32
      %dma_wait3A_274 = arith.constant 0 : i32
      %dma_wait3A_275 = tpu.memref_slice %arg4[%dma_wait3A_273, %dma_wait3A_274] : memref<204800x128xf32, #tpu.memory_space<hbm>> -> memref<204800x128xf32, #tpu.memory_space<hbm>>
      tpu.wait_indirect_dma semaphore(%arg8 : memref<!tpu.dma_semaphore, #tpu.memory_space<semaphore_mem>>) src(%dma_wait3A_269 : memref<100x128xf32, #tpu.memory_space<vmem>>) dst(%dma_wait3A_275 : memref<204800x128xf32, #tpu.memory_space<hbm>>)
      %dma_wait3A_276 = arith.constant 100 : i32
      %dma_wait3A_277 = arith.constant 0 : i32
      %dma_wait3A_278 = tpu.memref_slice %arg6[%dma_wait3A_276, %dma_wait3A_277] : memref<200x128xf32, #tpu.memory_space<vmem>> -> memref<100x128xf32, #tpu.memory_space<vmem>>
      %dma_wait3A_279 = arith.constant 0 : i32
      %dma_wait3A_280 = tpu.memref_slice %arg7[%add3A_100, %dma_wait3A_279] : memref<48x128xi32, #tpu.memory_space<vmem>> -> memref<1x100xi32, #tpu.memory_space<vmem>>
      %dma_wait3A_281 = tpu.memref_squeeze %dma_wait3A_280 : memref<1x100xi32, #tpu.memory_space<vmem>> -> memref<100xi32, #tpu.memory_space<vmem>>
      %dma_wait3A_282 = arith.constant 0 : i32
      %dma_wait3A_283 = arith.constant 0 : i32
      %dma_wait3A_284 = tpu.memref_slice %arg4[%dma_wait3A_282, %dma_wait3A_283] : memref<204800x128xf32, #tpu.memory_space<hbm>> -> memref<204800x128xf32, #tpu.memory_space<hbm>>
      tpu.wait_indirect_dma semaphore(%arg8 : memref<!tpu.dma_semaphore, #tpu.memory_space<semaphore_mem>>) src(%dma_wait3A_278 : memref<100x128xf32, #tpu.memory_space<vmem>>) dst(%dma_wait3A_284 : memref<204800x128xf32, #tpu.memory_space<hbm>>)
      %dma_wait3A_285 = arith.constant 0 : i32
      %dma_wait3A_286 = arith.constant 0 : i32
      %dma_wait3A_287 = tpu.memref_slice %arg6[%dma_wait3A_285, %dma_wait3A_286] : memref<200x128xf32, #tpu.memory_space<vmem>> -> memref<100x128xf32, #tpu.memory_space<vmem>>
      %dma_wait3A_288 = arith.constant 0 : i32
      %dma_wait3A_289 = tpu.memref_slice %arg7[%add3A_113, %dma_wait3A_288] : memref<48x128xi32, #tpu.memory_space<vmem>> -> memref<1x100xi32, #tpu.memory_space<vmem>>
      %dma_wait3A_290 = tpu.memref_squeeze %dma_wait3A_289 : memref<1x100xi32, #tpu.memory_space<vmem>> -> memref<100xi32, #tpu.memory_space<vmem>>
      %dma_wait3A_291 = arith.constant 0 : i32
      %dma_wait3A_292 = arith.constant 0 : i32
      %dma_wait3A_293 = tpu.memref_slice %arg4[%dma_wait3A_291, %dma_wait3A_292] : memref<204800x128xf32, #tpu.memory_space<hbm>> -> memref<204800x128xf32, #tpu.memory_space<hbm>>
      tpu.wait_indirect_dma semaphore(%arg8 : memref<!tpu.dma_semaphore, #tpu.memory_space<semaphore_mem>>) src(%dma_wait3A_287 : memref<100x128xf32, #tpu.memory_space<vmem>>) dst(%dma_wait3A_293 : memref<204800x128xf32, #tpu.memory_space<hbm>>)
      %dma_wait3A_294 = arith.constant 100 : i32
      %dma_wait3A_295 = arith.constant 0 : i32
      %dma_wait3A_296 = tpu.memref_slice %arg6[%dma_wait3A_294, %dma_wait3A_295] : memref<200x128xf32, #tpu.memory_space<vmem>> -> memref<100x128xf32, #tpu.memory_space<vmem>>
      %dma_wait3A_297 = arith.constant 0 : i32
      %dma_wait3A_298 = tpu.memref_slice %arg7[%add3A_126, %dma_wait3A_297] : memref<48x128xi32, #tpu.memory_space<vmem>> -> memref<1x100xi32, #tpu.memory_space<vmem>>
      %dma_wait3A_299 = tpu.memref_squeeze %dma_wait3A_298 : memref<1x100xi32, #tpu.memory_space<vmem>> -> memref<100xi32, #tpu.memory_space<vmem>>
      %dma_wait3A_300 = arith.constant 0 : i32
      %dma_wait3A_301 = arith.constant 0 : i32
      %dma_wait3A_302 = tpu.memref_slice %arg4[%dma_wait3A_300, %dma_wait3A_301] : memref<204800x128xf32, #tpu.memory_space<hbm>> -> memref<204800x128xf32, #tpu.memory_space<hbm>>
      tpu.wait_indirect_dma semaphore(%arg8 : memref<!tpu.dma_semaphore, #tpu.memory_space<semaphore_mem>>) src(%dma_wait3A_296 : memref<100x128xf32, #tpu.memory_space<vmem>>) dst(%dma_wait3A_302 : memref<204800x128xf32, #tpu.memory_space<hbm>>)
      %dma_wait3A_303 = arith.constant 0 : i32
      %dma_wait3A_304 = arith.constant 0 : i32
      %dma_wait3A_305 = tpu.memref_slice %arg6[%dma_wait3A_303, %dma_wait3A_304] : memref<200x128xf32, #tpu.memory_space<vmem>> -> memref<100x128xf32, #tpu.memory_space<vmem>>
      %dma_wait3A_306 = arith.constant 0 : i32
      %dma_wait3A_307 = tpu.memref_slice %arg7[%add3A_139, %dma_wait3A_306] : memref<48x128xi32, #tpu.memory_space<vmem>> -> memref<1x100xi32, #tpu.memory_space<vmem>>
      %dma_wait3A_308 = tpu.memref_squeeze %dma_wait3A_307 : memref<1x100xi32, #tpu.memory_space<vmem>> -> memref<100xi32, #tpu.memory_space<vmem>>
      %dma_wait3A_309 = arith.constant 0 : i32
      %dma_wait3A_310 = arith.constant 0 : i32
      %dma_wait3A_311 = tpu.memref_slice %arg4[%dma_wait3A_309, %dma_wait3A_310] : memref<204800x128xf32, #tpu.memory_space<hbm>> -> memref<204800x128xf32, #tpu.memory_space<hbm>>
      tpu.wait_indirect_dma semaphore(%arg8 : memref<!tpu.dma_semaphore, #tpu.memory_space<semaphore_mem>>) src(%dma_wait3A_305 : memref<100x128xf32, #tpu.memory_space<vmem>>) dst(%dma_wait3A_311 : memref<204800x128xf32, #tpu.memory_space<hbm>>)
      %dma_wait3A_312 = arith.constant 100 : i32
      %dma_wait3A_313 = arith.constant 0 : i32
      %dma_wait3A_314 = tpu.memref_slice %arg6[%dma_wait3A_312, %dma_wait3A_313] : memref<200x128xf32, #tpu.memory_space<vmem>> -> memref<100x128xf32, #tpu.memory_space<vmem>>
      %dma_wait3A_315 = arith.constant 0 : i32
      %dma_wait3A_316 = tpu.memref_slice %arg7[%add3A_152, %dma_wait3A_315] : memref<48x128xi32, #tpu.memory_space<vmem>> -> memref<1x100xi32, #tpu.memory_space<vmem>>
      %dma_wait3A_317 = tpu.memref_squeeze %dma_wait3A_316 : memref<1x100xi32, #tpu.memory_space<vmem>> -> memref<100xi32, #tpu.memory_space<vmem>>
      %dma_wait3A_318 = arith.constant 0 : i32
      %dma_wait3A_319 = arith.constant 0 : i32
      %dma_wait3A_320 = tpu.memref_slice %arg4[%dma_wait3A_318, %dma_wait3A_319] : memref<204800x128xf32, #tpu.memory_space<hbm>> -> memref<204800x128xf32, #tpu.memory_space<hbm>>
      tpu.wait_indirect_dma semaphore(%arg8 : memref<!tpu.dma_semaphore, #tpu.memory_space<semaphore_mem>>) src(%dma_wait3A_314 : memref<100x128xf32, #tpu.memory_space<vmem>>) dst(%dma_wait3A_320 : memref<204800x128xf32, #tpu.memory_space<hbm>>)
      %dma_wait3A_321 = arith.constant 0 : i32
      %dma_wait3A_322 = arith.constant 0 : i32
      %dma_wait3A_323 = tpu.memref_slice %arg6[%dma_wait3A_321, %dma_wait3A_322] : memref<200x128xf32, #tpu.memory_space<vmem>> -> memref<100x128xf32, #tpu.memory_space<vmem>>
      %dma_wait3A_324 = arith.constant 0 : i32
      %dma_wait3A_325 = tpu.memref_slice %arg7[%add3A_165, %dma_wait3A_324] : memref<48x128xi32, #tpu.memory_space<vmem>> -> memref<1x100xi32, #tpu.memory_space<vmem>>
      %dma_wait3A_326 = tpu.memref_squeeze %dma_wait3A_325 : memref<1x100xi32, #tpu.memory_space<vmem>> -> memref<100xi32, #tpu.memory_space<vmem>>
      %dma_wait3A_327 = arith.constant 0 : i32
      %dma_wait3A_328 = arith.constant 0 : i32
      %dma_wait3A_329 = tpu.memref_slice %arg4[%dma_wait3A_327, %dma_wait3A_328] : memref<204800x128xf32, #tpu.memory_space<hbm>> -> memref<204800x128xf32, #tpu.memory_space<hbm>>
      tpu.wait_indirect_dma semaphore(%arg8 : memref<!tpu.dma_semaphore, #tpu.memory_space<semaphore_mem>>) src(%dma_wait3A_323 : memref<100x128xf32, #tpu.memory_space<vmem>>) dst(%dma_wait3A_329 : memref<204800x128xf32, #tpu.memory_space<hbm>>)
      %dma_wait3A_330 = arith.constant 100 : i32
      %dma_wait3A_331 = arith.constant 0 : i32
      %dma_wait3A_332 = tpu.memref_slice %arg6[%dma_wait3A_330, %dma_wait3A_331] : memref<200x128xf32, #tpu.memory_space<vmem>> -> memref<100x128xf32, #tpu.memory_space<vmem>>
      %dma_wait3A_333 = arith.constant 0 : i32
      %dma_wait3A_334 = tpu.memref_slice %arg7[%add3A_178, %dma_wait3A_333] : memref<48x128xi32, #tpu.memory_space<vmem>> -> memref<1x100xi32, #tpu.memory_space<vmem>>
      %dma_wait3A_335 = tpu.memref_squeeze %dma_wait3A_334 : memref<1x100xi32, #tpu.memory_space<vmem>> -> memref<100xi32, #tpu.memory_space<vmem>>
      %dma_wait3A_336 = arith.constant 0 : i32
      %dma_wait3A_337 = arith.constant 0 : i32
      %dma_wait3A_338 = tpu.memref_slice %arg4[%dma_wait3A_336, %dma_wait3A_337] : memref<204800x128xf32, #tpu.memory_space<hbm>> -> memref<204800x128xf32, #tpu.memory_space<hbm>>
      tpu.wait_indirect_dma semaphore(%arg8 : memref<!tpu.dma_semaphore, #tpu.memory_space<semaphore_mem>>) src(%dma_wait3A_332 : memref<100x128xf32, #tpu.memory_space<vmem>>) dst(%dma_wait3A_338 : memref<204800x128xf32, #tpu.memory_space<hbm>>)
      %dma_wait3A_339 = arith.constant 0 : i32
      %dma_wait3A_340 = arith.constant 0 : i32
      %dma_wait3A_341 = tpu.memref_slice %arg6[%dma_wait3A_339, %dma_wait3A_340] : memref<200x128xf32, #tpu.memory_space<vmem>> -> memref<100x128xf32, #tpu.memory_space<vmem>>
      %dma_wait3A_342 = arith.constant 0 : i32
      %dma_wait3A_343 = tpu.memref_slice %arg7[%add3A_191, %dma_wait3A_342] : memref<48x128xi32, #tpu.memory_space<vmem>> -> memref<1x100xi32, #tpu.memory_space<vmem>>
      %dma_wait3A_344 = tpu.memref_squeeze %dma_wait3A_343 : memref<1x100xi32, #tpu.memory_space<vmem>> -> memref<100xi32, #tpu.memory_space<vmem>>
      %dma_wait3A_345 = arith.constant 0 : i32
      %dma_wait3A_346 = arith.constant 0 : i32
      %dma_wait3A_347 = tpu.memref_slice %arg4[%dma_wait3A_345, %dma_wait3A_346] : memref<204800x128xf32, #tpu.memory_space<hbm>> -> memref<204800x128xf32, #tpu.memory_space<hbm>>
      tpu.wait_indirect_dma semaphore(%arg8 : memref<!tpu.dma_semaphore, #tpu.memory_space<semaphore_mem>>) src(%dma_wait3A_341 : memref<100x128xf32, #tpu.memory_space<vmem>>) dst(%dma_wait3A_347 : memref<204800x128xf32, #tpu.memory_space<hbm>>)
      %dma_wait3A_348 = arith.constant 100 : i32
      %dma_wait3A_349 = arith.constant 0 : i32
      %dma_wait3A_350 = tpu.memref_slice %arg6[%dma_wait3A_348, %dma_wait3A_349] : memref<200x128xf32, #tpu.memory_space<vmem>> -> memref<100x128xf32, #tpu.memory_space<vmem>>
      %dma_wait3A_351 = arith.constant 0 : i32
      %dma_wait3A_352 = tpu.memref_slice %arg7[%add3A_204, %dma_wait3A_351] : memref<48x128xi32, #tpu.memory_space<vmem>> -> memref<1x100xi32, #tpu.memory_space<vmem>>
      %dma_wait3A_353 = tpu.memref_squeeze %dma_wait3A_352 : memref<1x100xi32, #tpu.memory_space<vmem>> -> memref<100xi32, #tpu.memory_space<vmem>>
      %dma_wait3A_354 = arith.constant 0 : i32
      %dma_wait3A_355 = arith.constant 0 : i32
      %dma_wait3A_356 = tpu.memref_slice %arg4[%dma_wait3A_354, %dma_wait3A_355] : memref<204800x128xf32, #tpu.memory_space<hbm>> -> memref<204800x128xf32, #tpu.memory_space<hbm>>
      tpu.wait_indirect_dma semaphore(%arg8 : memref<!tpu.dma_semaphore, #tpu.memory_space<semaphore_mem>>) src(%dma_wait3A_350 : memref<100x128xf32, #tpu.memory_space<vmem>>) dst(%dma_wait3A_356 : memref<204800x128xf32, #tpu.memory_space<hbm>>)
    }
    %scan3A_5 = arith.constant 3 : i32
    return
  }
}

module attributes {stable_mosaic.version = 14 : i64} {
  func.func @_rank_body(%arg0: i32, %arg1: memref<200x256xf32, #tpu.memory_space<vmem>>, %arg2: memref<200x256xi32, #tpu.memory_space<vmem>>, %arg3: memref<200x256xf32, #tpu.memory_space<vmem>>, %arg4: memref<80x256xf32, #tpu.memory_space<vmem>>) attributes {dimension_semantics = [#tpu.dimension_semantics<arbitrary>], iteration_bounds = array<i64: 1>, scalar_prefetch = 0 : i64, scratch_operands = 2 : i64, tpu.core_type = #tpu.core_type<tc>, window_params = [{transform_indices = @transform_0, window_bounds = array<i64: 200, 256>}, {transform_indices = @transform_1, window_bounds = array<i64: 200, 256>}]} {
    %get3A = arith.constant 0 : index
    %get3A_0 = arith.constant 0 : index
    %get3A_1 = vector.load %arg1[%get3A, %get3A_0] : memref<200x256xf32, #tpu.memory_space<vmem>>, vector<200x256xf32>
    %add3A = arith.constant 0.000000e+00 : f32
    %add3A_2 = vector.broadcast %add3A : f32 to vector<200x256xf32>
    %add3A_3 = arith.addf %get3A_1, %add3A_2 : vector<200x256xf32>
    %bitcast_convert_type3A = tpu.bitcast %add3A_3 : vector<200x256xf32> -> vector<200x256xi32>
    %ge3A = arith.constant 0 : i32
    %ge3A_4 = vector.broadcast %ge3A : i32 to vector<200x256xi32>
    %ge3A_5 = arith.cmpi sge, %bitcast_convert_type3A, %ge3A_4 : vector<200x256xi32>
    %jit3A = arith.constant 1 : i32
    %jit3A_6 = arith.constant -1 : i32
    %broadcast_in_dim3A = vector.broadcast %jit3A : i32 to vector<200x256xi32>
    %broadcast_in_dim3A_7 = vector.broadcast %jit3A_6 : i32 to vector<200x256xi32>
    %select_n3A = arith.select %ge3A_5, %broadcast_in_dim3A, %broadcast_in_dim3A_7 : vector<200x256xi1>, vector<200x256xi32>
    %add3A_8 = arith.addi %bitcast_convert_type3A, %select_n3A : vector<200x256xi32>
    %bitcast_convert_type3A_9 = tpu.bitcast %add3A_8 : vector<200x256xi32> -> vector<200x256xf32>
    %swap3A = arith.constant 0 : index
    %swap3A_10 = arith.constant 0 : index
    %swap3A_11 = vector.load %arg3[%swap3A, %swap3A_10] : memref<200x256xf32, #tpu.memory_space<vmem>>, vector<200x256xf32>
    tpu.vector_store %arg3[%swap3A, %swap3A_10], %bitcast_convert_type3A_9 {strides = array<i32>} : memref<200x256xf32, #tpu.memory_space<vmem>>, vector<200x256xf32>,
    %iota3A = tpu.iota {dimensions = array<i32: 1>} : vector<1x256xi32>
    %mul3A = arith.constant 256 : i32
    %mul3A_12 = arith.muli %arg0, %mul3A : i32
    %add3A_13 = arith.constant 0 : i32
    %add3A_14 = arith.addi %add3A_13, %mul3A_12 : i32
    %add3A_15 = vector.broadcast %add3A_14 : i32 to vector<1x256xi32>
    %add3A_16 = arith.addi %add3A_15, %iota3A : vector<1x256xi32>
    %mul3A_17 = arith.constant 200 : i32
    %mul3A_18 = vector.broadcast %mul3A_17 : i32 to vector<1x256xi32>
    %mul3A_19 = arith.muli %add3A_16, %mul3A_18 : vector<1x256xi32>
    %get3A_20 = arith.constant 0 : index
    %get3A_21 = arith.constant 0 : index
    %get3A_22 = vector.load %arg1[%get3A_20, %get3A_21] : memref<200x256xf32, #tpu.memory_space<vmem>>, vector<72x256xf32>
    %get3A_23 = arith.constant 0 : index
    %get3A_24 = arith.constant 0 : index
    %get3A_25 = vector.load %arg3[%get3A_23, %get3A_24] : memref<200x256xf32, #tpu.memory_space<vmem>>, vector<72x256xf32>
    %broadcast_in_dim3A_26 = vector.shape_cast %mul3A_19 : vector<1x256xi32> to vector<1x256xi32>
    %broadcast_in_dim3A_27 = vector.broadcast %broadcast_in_dim3A_26 : vector<1x256xi32> to vector<72x256xi32>
    %scan3A = arith.constant 0 : i32
    %scan3A_28 = arith.constant 0 : i32
    %scan3A_29 = arith.addi %scan3A, %scan3A_28 : i32
    %scan3A_30 = arith.constant 0 : i32
    %swap3A_31 = arith.constant 0 : index
    %swap3A_32 = arith.constant 0 : index
    %swap3A_33 = vector.load %arg4[%swap3A_31, %swap3A_32] : memref<80x256xf32, #tpu.memory_space<vmem>>, vector<72x256xf32>
    tpu.vector_store %arg4[%swap3A_31, %swap3A_32], %get3A_25 {strides = array<i32>} : memref<80x256xf32, #tpu.memory_space<vmem>>, vector<72x256xf32>,
    %get3A_34 = arith.constant 0 : index
    %get3A_35 = arith.constant 0 : index
    %get3A_36 = vector.load %arg1[%get3A_34, %get3A_35] : memref<200x256xf32, #tpu.memory_space<vmem>>, vector<1x256xf32>
    %swap3A_37 = arith.constant 0 : index
    %swap3A_38 = arith.constant 0 : index
    %swap3A_39 = vector.load %arg4[%swap3A_37, %swap3A_38] : memref<80x256xf32, #tpu.memory_space<vmem>>, vector<1x256xf32>
    tpu.vector_store %arg4[%swap3A_37, %swap3A_38], %get3A_36 {strides = array<i32>} : memref<80x256xf32, #tpu.memory_space<vmem>>, vector<1x256xf32>,
    %scan3A_40 = arith.constant 0 : i32
    %scan3A_41 = arith.constant 72 : i32
    %scan3A_42 = arith.addi %scan3A_40, %scan3A_41 : i32
    %scan3A_43 = arith.constant 4 : i32
    %scan3A_44 = scf.for %scan3A_129 = %scan3A_40 to %scan3A_42 step %scan3A_43 iter_args(%scan3A_130 = %broadcast_in_dim3A_27) -> (vector<72x256xi32>)  : i32 {
      %get3A_131 = arith.index_cast %scan3A_129 : i32 to index
      %get3A_132 = arith.constant 0 : index
      %get3A_133 = vector.load %arg1[%get3A_131, %get3A_132] : memref<200x256xf32, #tpu.memory_space<vmem>>, vector<1x256xf32>
      %get3A_134 = arith.constant 0 : index
      %get3A_135 = arith.constant 0 : index
      %get3A_136 = vector.load %arg4[%get3A_134, %get3A_135] : memref<80x256xf32, #tpu.memory_space<vmem>>, vector<72x256xf32>
      %lt3A = vector.broadcast %get3A_133 : vector<1x256xf32> to vector<72x256xf32>
      %lt3A_137 = arith.cmpf olt, %lt3A, %get3A_136 : vector<72x256xf32>
      %convert_element_type3A = arith.extui %lt3A_137 : vector<72x256xi1> to vector<72x256xi32>
      %add3A_138 = arith.addi %scan3A_130, %convert_element_type3A : vector<72x256xi32>
      %add3A_139 = arith.constant 1 : i32
      %add3A_140 = arith.addi %scan3A_129, %add3A_139 : i32
      %min3A = arith.constant 199 : i32
      %min3A_141 = arith.minsi %add3A_140, %min3A : i32
      %get3A_142 = arith.index_cast %min3A_141 : i32 to index
      %get3A_143 = arith.constant 0 : index
      %get3A_144 = vector.load %arg1[%get3A_142, %get3A_143] : memref<200x256xf32, #tpu.memory_space<vmem>>, vector<1x256xf32>
      %sub3A = arith.constant 0 : i32
      %sub3A_145 = arith.subi %scan3A_129, %sub3A : i32
      %add3A_146 = arith.constant 1 : i32
      %add3A_147 = arith.addi %sub3A_145, %add3A_146 : i32
      %swap3A_148 = arith.index_cast %add3A_147 : i32 to index
      %swap3A_149 = arith.constant 0 : index
      %swap3A_150 = vector.load %arg4[%swap3A_148, %swap3A_149] : memref<80x256xf32, #tpu.memory_space<vmem>>, vector<1x256xf32>
      tpu.vector_store %arg4[%swap3A_148, %swap3A_149], %get3A_144 {strides = array<i32>} : memref<80x256xf32, #tpu.memory_space<vmem>>, vector<1x256xf32>,
      %scan3A_151 = arith.constant 1 : i32
      %scan3A_152 = arith.addi %scan3A_129, %scan3A_151 : i32
      %get3A_153 = arith.index_cast %scan3A_152 : i32 to index
      %get3A_154 = arith.constant 0 : index
      %get3A_155 = vector.load %arg1[%get3A_153, %get3A_154] : memref<200x256xf32, #tpu.memory_space<vmem>>, vector<1x256xf32>
      %get3A_156 = arith.constant 0 : index
      %get3A_157 = arith.constant 0 : index
      %get3A_158 = vector.load %arg4[%get3A_156, %get3A_157] : memref<80x256xf32, #tpu.memory_space<vmem>>, vector<72x256xf32>
      %lt3A_159 = vector.broadcast %get3A_155 : vector<1x256xf32> to vector<72x256xf32>
      %lt3A_160 = arith.cmpf olt, %lt3A_159, %get3A_158 : vector<72x256xf32>
      %convert_element_type3A_161 = arith.extui %lt3A_160 : vector<72x256xi1> to vector<72x256xi32>
      %add3A_162 = arith.addi %add3A_138, %convert_element_type3A_161 : vector<72x256xi32>
      %add3A_163 = arith.constant 1 : i32
      %add3A_164 = arith.addi %scan3A_152, %add3A_163 : i32
      %min3A_165 = arith.constant 199 : i32
      %min3A_166 = arith.minsi %add3A_164, %min3A_165 : i32
      %get3A_167 = arith.index_cast %min3A_166 : i32 to index
      %get3A_168 = arith.constant 0 : index
      %get3A_169 = vector.load %arg1[%get3A_167, %get3A_168] : memref<200x256xf32, #tpu.memory_space<vmem>>, vector<1x256xf32>
      %sub3A_170 = arith.constant 0 : i32
      %sub3A_171 = arith.subi %scan3A_152, %sub3A_170 : i32
      %add3A_172 = arith.constant 1 : i32
      %add3A_173 = arith.addi %sub3A_171, %add3A_172 : i32
      %swap3A_174 = arith.index_cast %add3A_173 : i32 to index
      %swap3A_175 = arith.constant 0 : index
      %swap3A_176 = vector.load %arg4[%swap3A_174, %swap3A_175] : memref<80x256xf32, #tpu.memory_space<vmem>>, vector<1x256xf32>
      tpu.vector_store %arg4[%swap3A_174, %swap3A_175], %get3A_169 {strides = array<i32>} : memref<80x256xf32, #tpu.memory_space<vmem>>, vector<1x256xf32>,
      %scan3A_177 = arith.constant 2 : i32
      %scan3A_178 = arith.addi %scan3A_129, %scan3A_177 : i32
      %get3A_179 = arith.index_cast %scan3A_178 : i32 to index
      %get3A_180 = arith.constant 0 : index
      %get3A_181 = vector.load %arg1[%get3A_179, %get3A_180] : memref<200x256xf32, #tpu.memory_space<vmem>>, vector<1x256xf32>
      %get3A_182 = arith.constant 0 : index
      %get3A_183 = arith.constant 0 : index
      %get3A_184 = vector.load %arg4[%get3A_182, %get3A_183] : memref<80x256xf32, #tpu.memory_space<vmem>>, vector<72x256xf32>
      %lt3A_185 = vector.broadcast %get3A_181 : vector<1x256xf32> to vector<72x256xf32>
      %lt3A_186 = arith.cmpf olt, %lt3A_185, %get3A_184 : vector<72x256xf32>
      %convert_element_type3A_187 = arith.extui %lt3A_186 : vector<72x256xi1> to vector<72x256xi32>
      %add3A_188 = arith.addi %add3A_162, %convert_element_type3A_187 : vector<72x256xi32>
      %add3A_189 = arith.constant 1 : i32
      %add3A_190 = arith.addi %scan3A_178, %add3A_189 : i32
      %min3A_191 = arith.constant 199 : i32
      %min3A_192 = arith.minsi %add3A_190, %min3A_191 : i32
      %get3A_193 = arith.index_cast %min3A_192 : i32 to index
      %get3A_194 = arith.constant 0 : index
      %get3A_195 = vector.load %arg1[%get3A_193, %get3A_194] : memref<200x256xf32, #tpu.memory_space<vmem>>, vector<1x256xf32>
      %sub3A_196 = arith.constant 0 : i32
      %sub3A_197 = arith.subi %scan3A_178, %sub3A_196 : i32
      %add3A_198 = arith.constant 1 : i32
      %add3A_199 = arith.addi %sub3A_197, %add3A_198 : i32
      %swap3A_200 = arith.index_cast %add3A_199 : i32 to index
      %swap3A_201 = arith.constant 0 : index
      %swap3A_202 = vector.load %arg4[%swap3A_200, %swap3A_201] : memref<80x256xf32, #tpu.memory_space<vmem>>, vector<1x256xf32>
      tpu.vector_store %arg4[%swap3A_200, %swap3A_201], %get3A_195 {strides = array<i32>} : memref<80x256xf32, #tpu.memory_space<vmem>>, vector<1x256xf32>,
      %scan3A_203 = arith.constant 3 : i32
      %scan3A_204 = arith.addi %scan3A_129, %scan3A_203 : i32
      %get3A_205 = arith.index_cast %scan3A_204 : i32 to index
      %get3A_206 = arith.constant 0 : index
      %get3A_207 = vector.load %arg1[%get3A_205, %get3A_206] : memref<200x256xf32, #tpu.memory_space<vmem>>, vector<1x256xf32>
      %get3A_208 = arith.constant 0 : index
      %get3A_209 = arith.constant 0 : index
      %get3A_210 = vector.load %arg4[%get3A_208, %get3A_209] : memref<80x256xf32, #tpu.memory_space<vmem>>, vector<72x256xf32>
      %lt3A_211 = vector.broadcast %get3A_207 : vector<1x256xf32> to vector<72x256xf32>
      %lt3A_212 = arith.cmpf olt, %lt3A_211, %get3A_210 : vector<72x256xf32>
      %convert_element_type3A_213 = arith.extui %lt3A_212 : vector<72x256xi1> to vector<72x256xi32>
      %add3A_214 = arith.addi %add3A_188, %convert_element_type3A_213 : vector<72x256xi32>
      %add3A_215 = arith.constant 1 : i32
      %add3A_216 = arith.addi %scan3A_204, %add3A_215 : i32
      %min3A_217 = arith.constant 199 : i32
      %min3A_218 = arith.minsi %add3A_216, %min3A_217 : i32
      %get3A_219 = arith.index_cast %min3A_218 : i32 to index
      %get3A_220 = arith.constant 0 : index
      %get3A_221 = vector.load %arg1[%get3A_219, %get3A_220] : memref<200x256xf32, #tpu.memory_space<vmem>>, vector<1x256xf32>
      %sub3A_222 = arith.constant 0 : i32
      %sub3A_223 = arith.subi %scan3A_204, %sub3A_222 : i32
      %add3A_224 = arith.constant 1 : i32
      %add3A_225 = arith.addi %sub3A_223, %add3A_224 : i32
      %swap3A_226 = arith.index_cast %add3A_225 : i32 to index
      %swap3A_227 = arith.constant 0 : index
      %swap3A_228 = vector.load %arg4[%swap3A_226, %swap3A_227] : memref<80x256xf32, #tpu.memory_space<vmem>>, vector<1x256xf32>
      tpu.vector_store %arg4[%swap3A_226, %swap3A_227], %get3A_221 {strides = array<i32>} : memref<80x256xf32, #tpu.memory_space<vmem>>, vector<1x256xf32>,
      scf.yield %add3A_214 : vector<72x256xi32>
    }
    %scan3A_45 = arith.constant 72 : i32
    %scan3A_46 = arith.constant 72 : i32
    %scan3A_47 = arith.constant 128 : i32
    %scan3A_48 = arith.addi %scan3A_46, %scan3A_47 : i32
    %scan3A_49 = arith.constant 8 : i32
    %scan3A_50 = scf.for %scan3A_129 = %scan3A_46 to %scan3A_48 step %scan3A_49 iter_args(%scan3A_130 = %scan3A_44) -> (vector<72x256xi32>)  : i32 {
      %get3A_131 = arith.index_cast %scan3A_129 : i32 to index
      %get3A_132 = arith.constant 0 : index
      %get3A_133 = vector.load %arg1[%get3A_131, %get3A_132] : memref<200x256xf32, #tpu.memory_space<vmem>>, vector<1x256xf32>
      %lt3A = vector.broadcast %get3A_133 : vector<1x256xf32> to vector<72x256xf32>
      %lt3A_134 = arith.cmpf olt, %lt3A, %get3A_22 : vector<72x256xf32>
      %convert_element_type3A = arith.extui %lt3A_134 : vector<72x256xi1> to vector<72x256xi32>
      %add3A_135 = arith.addi %scan3A_130, %convert_element_type3A : vector<72x256xi32>
      %scan3A_136 = arith.constant 1 : i32
      %scan3A_137 = arith.addi %scan3A_129, %scan3A_136 : i32
      %get3A_138 = arith.index_cast %scan3A_137 : i32 to index
      %get3A_139 = arith.constant 0 : index
      %get3A_140 = vector.load %arg1[%get3A_138, %get3A_139] : memref<200x256xf32, #tpu.memory_space<vmem>>, vector<1x256xf32>
      %lt3A_141 = vector.broadcast %get3A_140 : vector<1x256xf32> to vector<72x256xf32>
      %lt3A_142 = arith.cmpf olt, %lt3A_141, %get3A_22 : vector<72x256xf32>
      %convert_element_type3A_143 = arith.extui %lt3A_142 : vector<72x256xi1> to vector<72x256xi32>
      %add3A_144 = arith.addi %add3A_135, %convert_element_type3A_143 : vector<72x256xi32>
      %scan3A_145 = arith.constant 2 : i32
      %scan3A_146 = arith.addi %scan3A_129, %scan3A_145 : i32
      %get3A_147 = arith.index_cast %scan3A_146 : i32 to index
      %get3A_148 = arith.constant 0 : index
      %get3A_149 = vector.load %arg1[%get3A_147, %get3A_148] : memref<200x256xf32, #tpu.memory_space<vmem>>, vector<1x256xf32>
      %lt3A_150 = vector.broadcast %get3A_149 : vector<1x256xf32> to vector<72x256xf32>
      %lt3A_151 = arith.cmpf olt, %lt3A_150, %get3A_22 : vector<72x256xf32>
      %convert_element_type3A_152 = arith.extui %lt3A_151 : vector<72x256xi1> to vector<72x256xi32>
      %add3A_153 = arith.addi %add3A_144, %convert_element_type3A_152 : vector<72x256xi32>
      %scan3A_154 = arith.constant 3 : i32
      %scan3A_155 = arith.addi %scan3A_129, %scan3A_154 : i32
      %get3A_156 = arith.index_cast %scan3A_155 : i32 to index
      %get3A_157 = arith.constant 0 : index
      %get3A_158 = vector.load %arg1[%get3A_156, %get3A_157] : memref<200x256xf32, #tpu.memory_space<vmem>>, vector<1x256xf32>
      %lt3A_159 = vector.broadcast %get3A_158 : vector<1x256xf32> to vector<72x256xf32>
      %lt3A_160 = arith.cmpf olt, %lt3A_159, %get3A_22 : vector<72x256xf32>
      %convert_element_type3A_161 = arith.extui %lt3A_160 : vector<72x256xi1> to vector<72x256xi32>
      %add3A_162 = arith.addi %add3A_153, %convert_element_type3A_161 : vector<72x256xi32>
      %scan3A_163 = arith.constant 4 : i32
      %scan3A_164 = arith.addi %scan3A_129, %scan3A_163 : i32
      %get3A_165 = arith.index_cast %scan3A_164 : i32 to index
      %get3A_166 = arith.constant 0 : index
      %get3A_167 = vector.load %arg1[%get3A_165, %get3A_166] : memref<200x256xf32, #tpu.memory_space<vmem>>, vector<1x256xf32>
      %lt3A_168 = vector.broadcast %get3A_167 : vector<1x256xf32> to vector<72x256xf32>
      %lt3A_169 = arith.cmpf olt, %lt3A_168, %get3A_22 : vector<72x256xf32>
      %convert_element_type3A_170 = arith.extui %lt3A_169 : vector<72x256xi1> to vector<72x256xi32>
      %add3A_171 = arith.addi %add3A_162, %convert_element_type3A_170 : vector<72x256xi32>
      %scan3A_172 = arith.constant 5 : i32
      %scan3A_173 = arith.addi %scan3A_129, %scan3A_172 : i32
      %get3A_174 = arith.index_cast %scan3A_173 : i32 to index
      %get3A_175 = arith.constant 0 : index
      %get3A_176 = vector.load %arg1[%get3A_174, %get3A_175] : memref<200x256xf32, #tpu.memory_space<vmem>>, vector<1x256xf32>
      %lt3A_177 = vector.broadcast %get3A_176 : vector<1x256xf32> to vector<72x256xf32>
      %lt3A_178 = arith.cmpf olt, %lt3A_177, %get3A_22 : vector<72x256xf32>
      %convert_element_type3A_179 = arith.extui %lt3A_178 : vector<72x256xi1> to vector<72x256xi32>
      %add3A_180 = arith.addi %add3A_171, %convert_element_type3A_179 : vector<72x256xi32>
      %scan3A_181 = arith.constant 6 : i32
      %scan3A_182 = arith.addi %scan3A_129, %scan3A_181 : i32
      %get3A_183 = arith.index_cast %scan3A_182 : i32 to index
      %get3A_184 = arith.constant 0 : index
      %get3A_185 = vector.load %arg1[%get3A_183, %get3A_184] : memref<200x256xf32, #tpu.memory_space<vmem>>, vector<1x256xf32>
      %lt3A_186 = vector.broadcast %get3A_185 : vector<1x256xf32> to vector<72x256xf32>
      %lt3A_187 = arith.cmpf olt, %lt3A_186, %get3A_22 : vector<72x256xf32>
      %convert_element_type3A_188 = arith.extui %lt3A_187 : vector<72x256xi1> to vector<72x256xi32>
      %add3A_189 = arith.addi %add3A_180, %convert_element_type3A_188 : vector<72x256xi32>
      %scan3A_190 = arith.constant 7 : i32
      %scan3A_191 = arith.addi %scan3A_129, %scan3A_190 : i32
      %get3A_192 = arith.index_cast %scan3A_191 : i32 to index
      %get3A_193 = arith.constant 0 : index
      %get3A_194 = vector.load %arg1[%get3A_192, %get3A_193] : memref<200x256xf32, #tpu.memory_space<vmem>>, vector<1x256xf32>
      %lt3A_195 = vector.broadcast %get3A_194 : vector<1x256xf32> to vector<72x256xf32>
      %lt3A_196 = arith.cmpf olt, %lt3A_195, %get3A_22 : vector<72x256xf32>
      %convert_element_type3A_197 = arith.extui %lt3A_196 : vector<72x256xi1> to vector<72x256xi32>
      %add3A_198 = arith.addi %add3A_189, %convert_element_type3A_197 : vector<72x256xi32>
      scf.yield %add3A_198 : vector<72x256xi32>
    }
    %scan3A_51 = arith.constant 128 : i32
    %swap3A_52 = arith.constant 0 : index
    %swap3A_53 = arith.constant 0 : index
    %swap3A_54 = vector.load %arg2[%swap3A_52, %swap3A_53] : memref<200x256xi32, #tpu.memory_space<vmem>>, vector<72x256xi32>
    tpu.vector_store %arg2[%swap3A_52, %swap3A_53], %scan3A_50 {strides = array<i32>} : memref<200x256xi32, #tpu.memory_space<vmem>>, vector<72x256xi32>,
    %get3A_55 = arith.constant 72 : index
    %get3A_56 = arith.constant 0 : index
    %get3A_57 = vector.load %arg1[%get3A_55, %get3A_56] : memref<200x256xf32, #tpu.memory_space<vmem>>, vector<72x256xf32>
    %get3A_58 = arith.constant 72 : index
    %get3A_59 = arith.constant 0 : index
    %get3A_60 = vector.load %arg3[%get3A_58, %get3A_59] : memref<200x256xf32, #tpu.memory_space<vmem>>, vector<72x256xf32>
    %broadcast_in_dim3A_61 = vector.shape_cast %mul3A_19 : vector<1x256xi32> to vector<1x256xi32>
    %broadcast_in_dim3A_62 = vector.broadcast %broadcast_in_dim3A_61 : vector<1x256xi32> to vector<72x256xi32>
    %scan3A_63 = arith.constant 0 : i32
    %scan3A_64 = arith.constant 72 : i32
    %scan3A_65 = arith.addi %scan3A_63, %scan3A_64 : i32
    %scan3A_66 = arith.constant 8 : i32
    %scan3A_67 = scf.for %scan3A_129 = %scan3A_63 to %scan3A_65 step %scan3A_66 iter_args(%scan3A_130 = %broadcast_in_dim3A_62) -> (vector<72x256xi32>)  : i32 {
      %get3A_131 = arith.index_cast %scan3A_129 : i32 to index
      %get3A_132 = arith.constant 0 : index
      %get3A_133 = vector.load %arg1[%get3A_131, %get3A_132] : memref<200x256xf32, #tpu.memory_space<vmem>>, vector<1x256xf32>
      %lt3A = vector.broadcast %get3A_133 : vector<1x256xf32> to vector<72x256xf32>
      %lt3A_134 = arith.cmpf olt, %lt3A, %get3A_60 : vector<72x256xf32>
      %convert_element_type3A = arith.extui %lt3A_134 : vector<72x256xi1> to vector<72x256xi32>
      %add3A_135 = arith.addi %scan3A_130, %convert_element_type3A : vector<72x256xi32>
      %scan3A_136 = arith.constant 1 : i32
      %scan3A_137 = arith.addi %scan3A_129, %scan3A_136 : i32
      %get3A_138 = arith.index_cast %scan3A_137 : i32 to index
      %get3A_139 = arith.constant 0 : index
      %get3A_140 = vector.load %arg1[%get3A_138, %get3A_139] : memref<200x256xf32, #tpu.memory_space<vmem>>, vector<1x256xf32>
      %lt3A_141 = vector.broadcast %get3A_140 : vector<1x256xf32> to vector<72x256xf32>
      %lt3A_142 = arith.cmpf olt, %lt3A_141, %get3A_60 : vector<72x256xf32>
      %convert_element_type3A_143 = arith.extui %lt3A_142 : vector<72x256xi1> to vector<72x256xi32>
      %add3A_144 = arith.addi %add3A_135, %convert_element_type3A_143 : vector<72x256xi32>
      %scan3A_145 = arith.constant 2 : i32
      %scan3A_146 = arith.addi %scan3A_129, %scan3A_145 : i32
      %get3A_147 = arith.index_cast %scan3A_146 : i32 to index
      %get3A_148 = arith.constant 0 : index
      %get3A_149 = vector.load %arg1[%get3A_147, %get3A_148] : memref<200x256xf32, #tpu.memory_space<vmem>>, vector<1x256xf32>
      %lt3A_150 = vector.broadcast %get3A_149 : vector<1x256xf32> to vector<72x256xf32>
      %lt3A_151 = arith.cmpf olt, %lt3A_150, %get3A_60 : vector<72x256xf32>
      %convert_element_type3A_152 = arith.extui %lt3A_151 : vector<72x256xi1> to vector<72x256xi32>
      %add3A_153 = arith.addi %add3A_144, %convert_element_type3A_152 : vector<72x256xi32>
      %scan3A_154 = arith.constant 3 : i32
      %scan3A_155 = arith.addi %scan3A_129, %scan3A_154 : i32
      %get3A_156 = arith.index_cast %scan3A_155 : i32 to index
      %get3A_157 = arith.constant 0 : index
      %get3A_158 = vector.load %arg1[%get3A_156, %get3A_157] : memref<200x256xf32, #tpu.memory_space<vmem>>, vector<1x256xf32>
      %lt3A_159 = vector.broadcast %get3A_158 : vector<1x256xf32> to vector<72x256xf32>
      %lt3A_160 = arith.cmpf olt, %lt3A_159, %get3A_60 : vector<72x256xf32>
      %convert_element_type3A_161 = arith.extui %lt3A_160 : vector<72x256xi1> to vector<72x256xi32>
      %add3A_162 = arith.addi %add3A_153, %convert_element_type3A_161 : vector<72x256xi32>
      %scan3A_163 = arith.constant 4 : i32
      %scan3A_164 = arith.addi %scan3A_129, %scan3A_163 : i32
      %get3A_165 = arith.index_cast %scan3A_164 : i32 to index
      %get3A_166 = arith.constant 0 : index
      %get3A_167 = vector.load %arg1[%get3A_165, %get3A_166] : memref<200x256xf32, #tpu.memory_space<vmem>>, vector<1x256xf32>
      %lt3A_168 = vector.broadcast %get3A_167 : vector<1x256xf32> to vector<72x256xf32>
      %lt3A_169 = arith.cmpf olt, %lt3A_168, %get3A_60 : vector<72x256xf32>
      %convert_element_type3A_170 = arith.extui %lt3A_169 : vector<72x256xi1> to vector<72x256xi32>
      %add3A_171 = arith.addi %add3A_162, %convert_element_type3A_170 : vector<72x256xi32>
      %scan3A_172 = arith.constant 5 : i32
      %scan3A_173 = arith.addi %scan3A_129, %scan3A_172 : i32
      %get3A_174 = arith.index_cast %scan3A_173 : i32 to index
      %get3A_175 = arith.constant 0 : index
      %get3A_176 = vector.load %arg1[%get3A_174, %get3A_175] : memref<200x256xf32, #tpu.memory_space<vmem>>, vector<1x256xf32>
      %lt3A_177 = vector.broadcast %get3A_176 : vector<1x256xf32> to vector<72x256xf32>
      %lt3A_178 = arith.cmpf olt, %lt3A_177, %get3A_60 : vector<72x256xf32>
      %convert_element_type3A_179 = arith.extui %lt3A_178 : vector<72x256xi1> to vector<72x256xi32>
      %add3A_180 = arith.addi %add3A_171, %convert_element_type3A_179 : vector<72x256xi32>
      %scan3A_181 = arith.constant 6 : i32
      %scan3A_182 = arith.addi %scan3A_129, %scan3A_181 : i32
      %get3A_183 = arith.index_cast %scan3A_182 : i32 to index
      %get3A_184 = arith.constant 0 : index
      %get3A_185 = vector.load %arg1[%get3A_183, %get3A_184] : memref<200x256xf32, #tpu.memory_space<vmem>>, vector<1x256xf32>
      %lt3A_186 = vector.broadcast %get3A_185 : vector<1x256xf32> to vector<72x256xf32>
      %lt3A_187 = arith.cmpf olt, %lt3A_186, %get3A_60 : vector<72x256xf32>
      %convert_element_type3A_188 = arith.extui %lt3A_187 : vector<72x256xi1> to vector<72x256xi32>
      %add3A_189 = arith.addi %add3A_180, %convert_element_type3A_188 : vector<72x256xi32>
      %scan3A_190 = arith.constant 7 : i32
      %scan3A_191 = arith.addi %scan3A_129, %scan3A_190 : i32
      %get3A_192 = arith.index_cast %scan3A_191 : i32 to index
      %get3A_193 = arith.constant 0 : index
      %get3A_194 = vector.load %arg1[%get3A_192, %get3A_193] : memref<200x256xf32, #tpu.memory_space<vmem>>, vector<1x256xf32>
      %lt3A_195 = vector.broadcast %get3A_194 : vector<1x256xf32> to vector<72x256xf32>
      %lt3A_196 = arith.cmpf olt, %lt3A_195, %get3A_60 : vector<72x256xf32>
      %convert_element_type3A_197 = arith.extui %lt3A_196 : vector<72x256xi1> to vector<72x256xi32>
      %add3A_198 = arith.addi %add3A_189, %convert_element_type3A_197 : vector<72x256xi32>
      scf.yield %add3A_198 : vector<72x256xi32>
    }
    %scan3A_68 = arith.constant 72 : i32
    %swap3A_69 = arith.constant 0 : index
    %swap3A_70 = arith.constant 0 : index
    %swap3A_71 = vector.load %arg4[%swap3A_69, %swap3A_70] : memref<80x256xf32, #tpu.memory_space<vmem>>, vector<72x256xf32>
    tpu.vector_store %arg4[%swap3A_69, %swap3A_70], %get3A_60 {strides = array<i32>} : memref<80x256xf32, #tpu.memory_space<vmem>>, vector<72x256xf32>,
    %get3A_72 = arith.constant 72 : index
    %get3A_73 = arith.constant 0 : index
    %get3A_74 = vector.load %arg1[%get3A_72, %get3A_73] : memref<200x256xf32, #tpu.memory_space<vmem>>, vector<1x256xf32>
    %swap3A_75 = arith.constant 0 : index
    %swap3A_76 = arith.constant 0 : index
    %swap3A_77 = vector.load %arg4[%swap3A_75, %swap3A_76] : memref<80x256xf32, #tpu.memory_space<vmem>>, vector<1x256xf32>
    tpu.vector_store %arg4[%swap3A_75, %swap3A_76], %get3A_74 {strides = array<i32>} : memref<80x256xf32, #tpu.memory_space<vmem>>, vector<1x256xf32>,
    %scan3A_78 = arith.constant 72 : i32
    %scan3A_79 = arith.constant 72 : i32
    %scan3A_80 = arith.addi %scan3A_78, %scan3A_79 : i32
    %scan3A_81 = arith.constant 4 : i32
    %scan3A_82 = scf.for %scan3A_129 = %scan3A_78 to %scan3A_80 step %scan3A_81 iter_args(%scan3A_130 = %scan3A_67) -> (vector<72x256xi32>)  : i32 {
      %get3A_131 = arith.index_cast %scan3A_129 : i32 to index
      %get3A_132 = arith.constant 0 : index
      %get3A_133 = vector.load %arg1[%get3A_131, %get3A_132] : memref<200x256xf32, #tpu.memory_space<vmem>>, vector<1x256xf32>
      %get3A_134 = arith.constant 0 : index
      %get3A_135 = arith.constant 0 : index
      %get3A_136 = vector.load %arg4[%get3A_134, %get3A_135] : memref<80x256xf32, #tpu.memory_space<vmem>>, vector<72x256xf32>
      %lt3A = vector.broadcast %get3A_133 : vector<1x256xf32> to vector<72x256xf32>
      %lt3A_137 = arith.cmpf olt, %lt3A, %get3A_136 : vector<72x256xf32>
      %convert_element_type3A = arith.extui %lt3A_137 : vector<72x256xi1> to vector<72x256xi32>
      %add3A_138 = arith.addi %scan3A_130, %convert_element_type3A : vector<72x256xi32>
      %add3A_139 = arith.constant 1 : i32
      %add3A_140 = arith.addi %scan3A_129, %add3A_139 : i32
      %min3A = arith.constant 199 : i32
      %min3A_141 = arith.minsi %add3A_140, %min3A : i32
      %get3A_142 = arith.index_cast %min3A_141 : i32 to index
      %get3A_143 = arith.constant 0 : index
      %get3A_144 = vector.load %arg1[%get3A_142, %get3A_143] : memref<200x256xf32, #tpu.memory_space<vmem>>, vector<1x256xf32>
      %sub3A = arith.constant 72 : i32
      %sub3A_145 = arith.subi %scan3A_129, %sub3A : i32
      %add3A_146 = arith.constant 1 : i32
      %add3A_147 = arith.addi %sub3A_145, %add3A_146 : i32
      %swap3A_148 = arith.index_cast %add3A_147 : i32 to index
      %swap3A_149 = arith.constant 0 : index
      %swap3A_150 = vector.load %arg4[%swap3A_148, %swap3A_149] : memref<80x256xf32, #tpu.memory_space<vmem>>, vector<1x256xf32>
      tpu.vector_store %arg4[%swap3A_148, %swap3A_149], %get3A_144 {strides = array<i32>} : memref<80x256xf32, #tpu.memory_space<vmem>>, vector<1x256xf32>,
      %scan3A_151 = arith.constant 1 : i32
      %scan3A_152 = arith.addi %scan3A_129, %scan3A_151 : i32
      %get3A_153 = arith.index_cast %scan3A_152 : i32 to index
      %get3A_154 = arith.constant 0 : index
      %get3A_155 = vector.load %arg1[%get3A_153, %get3A_154] : memref<200x256xf32, #tpu.memory_space<vmem>>, vector<1x256xf32>
      %get3A_156 = arith.constant 0 : index
      %get3A_157 = arith.constant 0 : index
      %get3A_158 = vector.load %arg4[%get3A_156, %get3A_157] : memref<80x256xf32, #tpu.memory_space<vmem>>, vector<72x256xf32>
      %lt3A_159 = vector.broadcast %get3A_155 : vector<1x256xf32> to vector<72x256xf32>
      %lt3A_160 = arith.cmpf olt, %lt3A_159, %get3A_158 : vector<72x256xf32>
      %convert_element_type3A_161 = arith.extui %lt3A_160 : vector<72x256xi1> to vector<72x256xi32>
      %add3A_162 = arith.addi %add3A_138, %convert_element_type3A_161 : vector<72x256xi32>
      %add3A_163 = arith.constant 1 : i32
      %add3A_164 = arith.addi %scan3A_152, %add3A_163 : i32
      %min3A_165 = arith.constant 199 : i32
      %min3A_166 = arith.minsi %add3A_164, %min3A_165 : i32
      %get3A_167 = arith.index_cast %min3A_166 : i32 to index
      %get3A_168 = arith.constant 0 : index
      %get3A_169 = vector.load %arg1[%get3A_167, %get3A_168] : memref<200x256xf32, #tpu.memory_space<vmem>>, vector<1x256xf32>
      %sub3A_170 = arith.constant 72 : i32
      %sub3A_171 = arith.subi %scan3A_152, %sub3A_170 : i32
      %add3A_172 = arith.constant 1 : i32
      %add3A_173 = arith.addi %sub3A_171, %add3A_172 : i32
      %swap3A_174 = arith.index_cast %add3A_173 : i32 to index
      %swap3A_175 = arith.constant 0 : index
      %swap3A_176 = vector.load %arg4[%swap3A_174, %swap3A_175] : memref<80x256xf32, #tpu.memory_space<vmem>>, vector<1x256xf32>
      tpu.vector_store %arg4[%swap3A_174, %swap3A_175], %get3A_169 {strides = array<i32>} : memref<80x256xf32, #tpu.memory_space<vmem>>, vector<1x256xf32>,
      %scan3A_177 = arith.constant 2 : i32
      %scan3A_178 = arith.addi %scan3A_129, %scan3A_177 : i32
      %get3A_179 = arith.index_cast %scan3A_178 : i32 to index
      %get3A_180 = arith.constant 0 : index
      %get3A_181 = vector.load %arg1[%get3A_179, %get3A_180] : memref<200x256xf32, #tpu.memory_space<vmem>>, vector<1x256xf32>
      %get3A_182 = arith.constant 0 : index
      %get3A_183 = arith.constant 0 : index
      %get3A_184 = vector.load %arg4[%get3A_182, %get3A_183] : memref<80x256xf32, #tpu.memory_space<vmem>>, vector<72x256xf32>
      %lt3A_185 = vector.broadcast %get3A_181 : vector<1x256xf32> to vector<72x256xf32>
      %lt3A_186 = arith.cmpf olt, %lt3A_185, %get3A_184 : vector<72x256xf32>
      %convert_element_type3A_187 = arith.extui %lt3A_186 : vector<72x256xi1> to vector<72x256xi32>
      %add3A_188 = arith.addi %add3A_162, %convert_element_type3A_187 : vector<72x256xi32>
      %add3A_189 = arith.constant 1 : i32
      %add3A_190 = arith.addi %scan3A_178, %add3A_189 : i32
      %min3A_191 = arith.constant 199 : i32
      %min3A_192 = arith.minsi %add3A_190, %min3A_191 : i32
      %get3A_193 = arith.index_cast %min3A_192 : i32 to index
      %get3A_194 = arith.constant 0 : index
      %get3A_195 = vector.load %arg1[%get3A_193, %get3A_194] : memref<200x256xf32, #tpu.memory_space<vmem>>, vector<1x256xf32>
      %sub3A_196 = arith.constant 72 : i32
      %sub3A_197 = arith.subi %scan3A_178, %sub3A_196 : i32
      %add3A_198 = arith.constant 1 : i32
      %add3A_199 = arith.addi %sub3A_197, %add3A_198 : i32
      %swap3A_200 = arith.index_cast %add3A_199 : i32 to index
      %swap3A_201 = arith.constant 0 : index
      %swap3A_202 = vector.load %arg4[%swap3A_200, %swap3A_201] : memref<80x256xf32, #tpu.memory_space<vmem>>, vector<1x256xf32>
      tpu.vector_store %arg4[%swap3A_200, %swap3A_201], %get3A_195 {strides = array<i32>} : memref<80x256xf32, #tpu.memory_space<vmem>>, vector<1x256xf32>,
      %scan3A_203 = arith.constant 3 : i32
      %scan3A_204 = arith.addi %scan3A_129, %scan3A_203 : i32
      %get3A_205 = arith.index_cast %scan3A_204 : i32 to index
      %get3A_206 = arith.constant 0 : index
      %get3A_207 = vector.load %arg1[%get3A_205, %get3A_206] : memref<200x256xf32, #tpu.memory_space<vmem>>, vector<1x256xf32>
      %get3A_208 = arith.constant 0 : index
      %get3A_209 = arith.constant 0 : index
      %get3A_210 = vector.load %arg4[%get3A_208, %get3A_209] : memref<80x256xf32, #tpu.memory_space<vmem>>, vector<72x256xf32>
      %lt3A_211 = vector.broadcast %get3A_207 : vector<1x256xf32> to vector<72x256xf32>
      %lt3A_212 = arith.cmpf olt, %lt3A_211, %get3A_210 : vector<72x256xf32>
      %convert_element_type3A_213 = arith.extui %lt3A_212 : vector<72x256xi1> to vector<72x256xi32>
      %add3A_214 = arith.addi %add3A_188, %convert_element_type3A_213 : vector<72x256xi32>
      %add3A_215 = arith.constant 1 : i32
      %add3A_216 = arith.addi %scan3A_204, %add3A_215 : i32
      %min3A_217 = arith.constant 199 : i32
      %min3A_218 = arith.minsi %add3A_216, %min3A_217 : i32
      %get3A_219 = arith.index_cast %min3A_218 : i32 to index
      %get3A_220 = arith.constant 0 : index
      %get3A_221 = vector.load %arg1[%get3A_219, %get3A_220] : memref<200x256xf32, #tpu.memory_space<vmem>>, vector<1x256xf32>
      %sub3A_222 = arith.constant 72 : i32
      %sub3A_223 = arith.subi %scan3A_204, %sub3A_222 : i32
      %add3A_224 = arith.constant 1 : i32
      %add3A_225 = arith.addi %sub3A_223, %add3A_224 : i32
      %swap3A_226 = arith.index_cast %add3A_225 : i32 to index
      %swap3A_227 = arith.constant 0 : index
      %swap3A_228 = vector.load %arg4[%swap3A_226, %swap3A_227] : memref<80x256xf32, #tpu.memory_space<vmem>>, vector<1x256xf32>
      tpu.vector_store %arg4[%swap3A_226, %swap3A_227], %get3A_221 {strides = array<i32>} : memref<80x256xf32, #tpu.memory_space<vmem>>, vector<1x256xf32>,
      scf.yield %add3A_214 : vector<72x256xi32>
    }
    %scan3A_83 = arith.constant 72 : i32
    %scan3A_84 = arith.constant 144 : i32
    %scan3A_85 = arith.constant 56 : i32
    %scan3A_86 = arith.addi %scan3A_84, %scan3A_85 : i32
    %scan3A_87 = arith.constant 8 : i32
    %scan3A_88 = scf.for %scan3A_129 = %scan3A_84 to %scan3A_86 step %scan3A_87 iter_args(%scan3A_130 = %scan3A_82) -> (vector<72x256xi32>)  : i32 {
      %get3A_131 = arith.index_cast %scan3A_129 : i32 to index
      %get3A_132 = arith.constant 0 : index
      %get3A_133 = vector.load %arg1[%get3A_131, %get3A_132] : memref<200x256xf32, #tpu.memory_space<vmem>>, vector<1x256xf32>
      %lt3A = vector.broadcast %get3A_133 : vector<1x256xf32> to vector<72x256xf32>
      %lt3A_134 = arith.cmpf olt, %lt3A, %get3A_57 : vector<72x256xf32>
      %convert_element_type3A = arith.extui %lt3A_134 : vector<72x256xi1> to vector<72x256xi32>
      %add3A_135 = arith.addi %scan3A_130, %convert_element_type3A : vector<72x256xi32>
      %scan3A_136 = arith.constant 1 : i32
      %scan3A_137 = arith.addi %scan3A_129, %scan3A_136 : i32
      %get3A_138 = arith.index_cast %scan3A_137 : i32 to index
      %get3A_139 = arith.constant 0 : index
      %get3A_140 = vector.load %arg1[%get3A_138, %get3A_139] : memref<200x256xf32, #tpu.memory_space<vmem>>, vector<1x256xf32>
      %lt3A_141 = vector.broadcast %get3A_140 : vector<1x256xf32> to vector<72x256xf32>
      %lt3A_142 = arith.cmpf olt, %lt3A_141, %get3A_57 : vector<72x256xf32>
      %convert_element_type3A_143 = arith.extui %lt3A_142 : vector<72x256xi1> to vector<72x256xi32>
      %add3A_144 = arith.addi %add3A_135, %convert_element_type3A_143 : vector<72x256xi32>
      %scan3A_145 = arith.constant 2 : i32
      %scan3A_146 = arith.addi %scan3A_129, %scan3A_145 : i32
      %get3A_147 = arith.index_cast %scan3A_146 : i32 to index
      %get3A_148 = arith.constant 0 : index
      %get3A_149 = vector.load %arg1[%get3A_147, %get3A_148] : memref<200x256xf32, #tpu.memory_space<vmem>>, vector<1x256xf32>
      %lt3A_150 = vector.broadcast %get3A_149 : vector<1x256xf32> to vector<72x256xf32>
      %lt3A_151 = arith.cmpf olt, %lt3A_150, %get3A_57 : vector<72x256xf32>
      %convert_element_type3A_152 = arith.extui %lt3A_151 : vector<72x256xi1> to vector<72x256xi32>
      %add3A_153 = arith.addi %add3A_144, %convert_element_type3A_152 : vector<72x256xi32>
      %scan3A_154 = arith.constant 3 : i32
      %scan3A_155 = arith.addi %scan3A_129, %scan3A_154 : i32
      %get3A_156 = arith.index_cast %scan3A_155 : i32 to index
      %get3A_157 = arith.constant 0 : index
      %get3A_158 = vector.load %arg1[%get3A_156, %get3A_157] : memref<200x256xf32, #tpu.memory_space<vmem>>, vector<1x256xf32>
      %lt3A_159 = vector.broadcast %get3A_158 : vector<1x256xf32> to vector<72x256xf32>
      %lt3A_160 = arith.cmpf olt, %lt3A_159, %get3A_57 : vector<72x256xf32>
      %convert_element_type3A_161 = arith.extui %lt3A_160 : vector<72x256xi1> to vector<72x256xi32>
      %add3A_162 = arith.addi %add3A_153, %convert_element_type3A_161 : vector<72x256xi32>
      %scan3A_163 = arith.constant 4 : i32
      %scan3A_164 = arith.addi %scan3A_129, %scan3A_163 : i32
      %get3A_165 = arith.index_cast %scan3A_164 : i32 to index
      %get3A_166 = arith.constant 0 : index
      %get3A_167 = vector.load %arg1[%get3A_165, %get3A_166] : memref<200x256xf32, #tpu.memory_space<vmem>>, vector<1x256xf32>
      %lt3A_168 = vector.broadcast %get3A_167 : vector<1x256xf32> to vector<72x256xf32>
      %lt3A_169 = arith.cmpf olt, %lt3A_168, %get3A_57 : vector<72x256xf32>
      %convert_element_type3A_170 = arith.extui %lt3A_169 : vector<72x256xi1> to vector<72x256xi32>
      %add3A_171 = arith.addi %add3A_162, %convert_element_type3A_170 : vector<72x256xi32>
      %scan3A_172 = arith.constant 5 : i32
      %scan3A_173 = arith.addi %scan3A_129, %scan3A_172 : i32
      %get3A_174 = arith.index_cast %scan3A_173 : i32 to index
      %get3A_175 = arith.constant 0 : index
      %get3A_176 = vector.load %arg1[%get3A_174, %get3A_175] : memref<200x256xf32, #tpu.memory_space<vmem>>, vector<1x256xf32>
      %lt3A_177 = vector.broadcast %get3A_176 : vector<1x256xf32> to vector<72x256xf32>
      %lt3A_178 = arith.cmpf olt, %lt3A_177, %get3A_57 : vector<72x256xf32>
      %convert_element_type3A_179 = arith.extui %lt3A_178 : vector<72x256xi1> to vector<72x256xi32>
      %add3A_180 = arith.addi %add3A_171, %convert_element_type3A_179 : vector<72x256xi32>
      %scan3A_181 = arith.constant 6 : i32
      %scan3A_182 = arith.addi %scan3A_129, %scan3A_181 : i32
      %get3A_183 = arith.index_cast %scan3A_182 : i32 to index
      %get3A_184 = arith.constant 0 : index
      %get3A_185 = vector.load %arg1[%get3A_183, %get3A_184] : memref<200x256xf32, #tpu.memory_space<vmem>>, vector<1x256xf32>
      %lt3A_186 = vector.broadcast %get3A_185 : vector<1x256xf32> to vector<72x256xf32>
      %lt3A_187 = arith.cmpf olt, %lt3A_186, %get3A_57 : vector<72x256xf32>
      %convert_element_type3A_188 = arith.extui %lt3A_187 : vector<72x256xi1> to vector<72x256xi32>
      %add3A_189 = arith.addi %add3A_180, %convert_element_type3A_188 : vector<72x256xi32>
      %scan3A_190 = arith.constant 7 : i32
      %scan3A_191 = arith.addi %scan3A_129, %scan3A_190 : i32
      %get3A_192 = arith.index_cast %scan3A_191 : i32 to index
      %get3A_193 = arith.constant 0 : index
      %get3A_194 = vector.load %arg1[%get3A_192, %get3A_193] : memref<200x256xf32, #tpu.memory_space<vmem>>, vector<1x256xf32>
      %lt3A_195 = vector.broadcast %get3A_194 : vector<1x256xf32> to vector<72x256xf32>
      %lt3A_196 = arith.cmpf olt, %lt3A_195, %get3A_57 : vector<72x256xf32>
      %convert_element_type3A_197 = arith.extui %lt3A_196 : vector<72x256xi1> to vector<72x256xi32>
      %add3A_198 = arith.addi %add3A_189, %convert_element_type3A_197 : vector<72x256xi32>
      scf.yield %add3A_198 : vector<72x256xi32>
    }
    %scan3A_89 = arith.constant 56 : i32
    %swap3A_90 = arith.constant 72 : index
    %swap3A_91 = arith.constant 0 : index
    %swap3A_92 = vector.load %arg2[%swap3A_90, %swap3A_91] : memref<200x256xi32, #tpu.memory_space<vmem>>, vector<72x256xi32>
    tpu.vector_store %arg2[%swap3A_90, %swap3A_91], %scan3A_88 {strides = array<i32>} : memref<200x256xi32, #tpu.memory_space<vmem>>, vector<72x256xi32>,
    %get3A_93 = arith.constant 144 : index
    %get3A_94 = arith.constant 0 : index
    %get3A_95 = vector.load %arg1[%get3A_93, %get3A_94] : memref<200x256xf32, #tpu.memory_space<vmem>>, vector<56x256xf32>
    %get3A_96 = arith.constant 144 : index
    %get3A_97 = arith.constant 0 : index
    %get3A_98 = vector.load %arg3[%get3A_96, %get3A_97] : memref<200x256xf32, #tpu.memory_space<vmem>>, vector<56x256xf32>
    %broadcast_in_dim3A_99 = vector.shape_cast %mul3A_19 : vector<1x256xi32> to vector<1x256xi32>
    %broadcast_in_dim3A_100 = vector.broadcast %broadcast_in_dim3A_99 : vector<1x256xi32> to vector<56x256xi32>
    %scan3A_101 = arith.constant 0 : i32
    %scan3A_102 = arith.constant 144 : i32
    %scan3A_103 = arith.addi %scan3A_101, %scan3A_102 : i32
    %scan3A_104 = arith.constant 8 : i32
    %scan3A_105 = scf.for %scan3A_129 = %scan3A_101 to %scan3A_103 step %scan3A_104 iter_args(%scan3A_130 = %broadcast_in_dim3A_100) -> (vector<56x256xi32>)  : i32 {
      %get3A_131 = arith.index_cast %scan3A_129 : i32 to index
      %get3A_132 = arith.constant 0 : index
      %get3A_133 = vector.load %arg1[%get3A_131, %get3A_132] : memref<200x256xf32, #tpu.memory_space<vmem>>, vector<1x256xf32>
      %lt3A = vector.broadcast %get3A_133 : vector<1x256xf32> to vector<56x256xf32>
      %lt3A_134 = arith.cmpf olt, %lt3A, %get3A_98 : vector<56x256xf32>
      %convert_element_type3A = arith.extui %lt3A_134 : vector<56x256xi1> to vector<56x256xi32>
      %add3A_135 = arith.addi %scan3A_130, %convert_element_type3A : vector<56x256xi32>
      %scan3A_136 = arith.constant 1 : i32
      %scan3A_137 = arith.addi %scan3A_129, %scan3A_136 : i32
      %get3A_138 = arith.index_cast %scan3A_137 : i32 to index
      %get3A_139 = arith.constant 0 : index
      %get3A_140 = vector.load %arg1[%get3A_138, %get3A_139] : memref<200x256xf32, #tpu.memory_space<vmem>>, vector<1x256xf32>
      %lt3A_141 = vector.broadcast %get3A_140 : vector<1x256xf32> to vector<56x256xf32>
      %lt3A_142 = arith.cmpf olt, %lt3A_141, %get3A_98 : vector<56x256xf32>
      %convert_element_type3A_143 = arith.extui %lt3A_142 : vector<56x256xi1> to vector<56x256xi32>
      %add3A_144 = arith.addi %add3A_135, %convert_element_type3A_143 : vector<56x256xi32>
      %scan3A_145 = arith.constant 2 : i32
      %scan3A_146 = arith.addi %scan3A_129, %scan3A_145 : i32
      %get3A_147 = arith.index_cast %scan3A_146 : i32 to index
      %get3A_148 = arith.constant 0 : index
      %get3A_149 = vector.load %arg1[%get3A_147, %get3A_148] : memref<200x256xf32, #tpu.memory_space<vmem>>, vector<1x256xf32>
      %lt3A_150 = vector.broadcast %get3A_149 : vector<1x256xf32> to vector<56x256xf32>
      %lt3A_151 = arith.cmpf olt, %lt3A_150, %get3A_98 : vector<56x256xf32>
      %convert_element_type3A_152 = arith.extui %lt3A_151 : vector<56x256xi1> to vector<56x256xi32>
      %add3A_153 = arith.addi %add3A_144, %convert_element_type3A_152 : vector<56x256xi32>
      %scan3A_154 = arith.constant 3 : i32
      %scan3A_155 = arith.addi %scan3A_129, %scan3A_154 : i32
      %get3A_156 = arith.index_cast %scan3A_155 : i32 to index
      %get3A_157 = arith.constant 0 : index
      %get3A_158 = vector.load %arg1[%get3A_156, %get3A_157] : memref<200x256xf32, #tpu.memory_space<vmem>>, vector<1x256xf32>
      %lt3A_159 = vector.broadcast %get3A_158 : vector<1x256xf32> to vector<56x256xf32>
      %lt3A_160 = arith.cmpf olt, %lt3A_159, %get3A_98 : vector<56x256xf32>
      %convert_element_type3A_161 = arith.extui %lt3A_160 : vector<56x256xi1> to vector<56x256xi32>
      %add3A_162 = arith.addi %add3A_153, %convert_element_type3A_161 : vector<56x256xi32>
      %scan3A_163 = arith.constant 4 : i32
      %scan3A_164 = arith.addi %scan3A_129, %scan3A_163 : i32
      %get3A_165 = arith.index_cast %scan3A_164 : i32 to index
      %get3A_166 = arith.constant 0 : index
      %get3A_167 = vector.load %arg1[%get3A_165, %get3A_166] : memref<200x256xf32, #tpu.memory_space<vmem>>, vector<1x256xf32>
      %lt3A_168 = vector.broadcast %get3A_167 : vector<1x256xf32> to vector<56x256xf32>
      %lt3A_169 = arith.cmpf olt, %lt3A_168, %get3A_98 : vector<56x256xf32>
      %convert_element_type3A_170 = arith.extui %lt3A_169 : vector<56x256xi1> to vector<56x256xi32>
      %add3A_171 = arith.addi %add3A_162, %convert_element_type3A_170 : vector<56x256xi32>
      %scan3A_172 = arith.constant 5 : i32
      %scan3A_173 = arith.addi %scan3A_129, %scan3A_172 : i32
      %get3A_174 = arith.index_cast %scan3A_173 : i32 to index
      %get3A_175 = arith.constant 0 : index
      %get3A_176 = vector.load %arg1[%get3A_174, %get3A_175] : memref<200x256xf32, #tpu.memory_space<vmem>>, vector<1x256xf32>
      %lt3A_177 = vector.broadcast %get3A_176 : vector<1x256xf32> to vector<56x256xf32>
      %lt3A_178 = arith.cmpf olt, %lt3A_177, %get3A_98 : vector<56x256xf32>
      %convert_element_type3A_179 = arith.extui %lt3A_178 : vector<56x256xi1> to vector<56x256xi32>
      %add3A_180 = arith.addi %add3A_171, %convert_element_type3A_179 : vector<56x256xi32>
      %scan3A_181 = arith.constant 6 : i32
      %scan3A_182 = arith.addi %scan3A_129, %scan3A_181 : i32
      %get3A_183 = arith.index_cast %scan3A_182 : i32 to index
      %get3A_184 = arith.constant 0 : index
      %get3A_185 = vector.load %arg1[%get3A_183, %get3A_184] : memref<200x256xf32, #tpu.memory_space<vmem>>, vector<1x256xf32>
      %lt3A_186 = vector.broadcast %get3A_185 : vector<1x256xf32> to vector<56x256xf32>
      %lt3A_187 = arith.cmpf olt, %lt3A_186, %get3A_98 : vector<56x256xf32>
      %convert_element_type3A_188 = arith.extui %lt3A_187 : vector<56x256xi1> to vector<56x256xi32>
      %add3A_189 = arith.addi %add3A_180, %convert_element_type3A_188 : vector<56x256xi32>
      %scan3A_190 = arith.constant 7 : i32
      %scan3A_191 = arith.addi %scan3A_129, %scan3A_190 : i32
      %get3A_192 = arith.index_cast %scan3A_191 : i32 to index
      %get3A_193 = arith.constant 0 : index
      %get3A_194 = vector.load %arg1[%get3A_192, %get3A_193] : memref<200x256xf32, #tpu.memory_space<vmem>>, vector<1x256xf32>
      %lt3A_195 = vector.broadcast %get3A_194 : vector<1x256xf32> to vector<56x256xf32>
      %lt3A_196 = arith.cmpf olt, %lt3A_195, %get3A_98 : vector<56x256xf32>
      %convert_element_type3A_197 = arith.extui %lt3A_196 : vector<56x256xi1> to vector<56x256xi32>
      %add3A_198 = arith.addi %add3A_189, %convert_element_type3A_197 : vector<56x256xi32>
      scf.yield %add3A_198 : vector<56x256xi32>
    }
    %scan3A_106 = arith.constant 144 : i32
    %swap3A_107 = arith.constant 0 : index
    %swap3A_108 = arith.constant 0 : index
    %swap3A_109 = vector.load %arg4[%swap3A_107, %swap3A_108] : memref<80x256xf32, #tpu.memory_space<vmem>>, vector<56x256xf32>
    tpu.vector_store %arg4[%swap3A_107, %swap3A_108], %get3A_98 {strides = array<i32>} : memref<80x256xf32, #tpu.memory_space<vmem>>, vector<56x256xf32>,
    %get3A_110 = arith.constant 144 : index
    %get3A_111 = arith.constant 0 : index
    %get3A_112 = vector.load %arg1[%get3A_110, %get3A_111] : memref<200x256xf32, #tpu.memory_space<vmem>>, vector<1x256xf32>
    %swap3A_113 = arith.constant 0 : index
    %swap3A_114 = arith.constant 0 : index
    %swap3A_115 = vector.load %arg4[%swap3A_113, %swap3A_114] : memref<80x256xf32, #tpu.memory_space<vmem>>, vector<1x256xf32>
    tpu.vector_store %arg4[%swap3A_113, %swap3A_114], %get3A_112 {strides = array<i32>} : memref<80x256xf32, #tpu.memory_space<vmem>>, vector<1x256xf32>,
    %scan3A_116 = arith.constant 144 : i32
    %scan3A_117 = arith.constant 56 : i32
    %scan3A_118 = arith.addi %scan3A_116, %scan3A_117 : i32
    %scan3A_119 = arith.constant 4 : i32
    %scan3A_120 = scf.for %scan3A_129 = %scan3A_116 to %scan3A_118 step %scan3A_119 iter_args(%scan3A_130 = %scan3A_105) -> (vector<56x256xi32>)  : i32 {
      %get3A_131 = arith.index_cast %scan3A_129 : i32 to index
      %get3A_132 = arith.constant 0 : index
      %get3A_133 = vector.load %arg1[%get3A_131, %get3A_132] : memref<200x256xf32, #tpu.memory_space<vmem>>, vector<1x256xf32>
      %get3A_134 = arith.constant 0 : index
      %get3A_135 = arith.constant 0 : index
      %get3A_136 = vector.load %arg4[%get3A_134, %get3A_135] : memref<80x256xf32, #tpu.memory_space<vmem>>, vector<56x256xf32>
      %lt3A = vector.broadcast %get3A_133 : vector<1x256xf32> to vector<56x256xf32>
      %lt3A_137 = arith.cmpf olt, %lt3A, %get3A_136 : vector<56x256xf32>
      %convert_element_type3A = arith.extui %lt3A_137 : vector<56x256xi1> to vector<56x256xi32>
      %add3A_138 = arith.addi %scan3A_130, %convert_element_type3A : vector<56x256xi32>
      %add3A_139 = arith.constant 1 : i32
      %add3A_140 = arith.addi %scan3A_129, %add3A_139 : i32
      %min3A = arith.constant 199 : i32
      %min3A_141 = arith.minsi %add3A_140, %min3A : i32
      %get3A_142 = arith.index_cast %min3A_141 : i32 to index
      %get3A_143 = arith.constant 0 : index
      %get3A_144 = vector.load %arg1[%get3A_142, %get3A_143] : memref<200x256xf32, #tpu.memory_space<vmem>>, vector<1x256xf32>
      %sub3A = arith.constant 144 : i32
      %sub3A_145 = arith.subi %scan3A_129, %sub3A : i32
      %add3A_146 = arith.constant 1 : i32
      %add3A_147 = arith.addi %sub3A_145, %add3A_146 : i32
      %swap3A_148 = arith.index_cast %add3A_147 : i32 to index
      %swap3A_149 = arith.constant 0 : index
      %swap3A_150 = vector.load %arg4[%swap3A_148, %swap3A_149] : memref<80x256xf32, #tpu.memory_space<vmem>>, vector<1x256xf32>
      tpu.vector_store %arg4[%swap3A_148, %swap3A_149], %get3A_144 {strides = array<i32>} : memref<80x256xf32, #tpu.memory_space<vmem>>, vector<1x256xf32>,
      %scan3A_151 = arith.constant 1 : i32
      %scan3A_152 = arith.addi %scan3A_129, %scan3A_151 : i32
      %get3A_153 = arith.index_cast %scan3A_152 : i32 to index
      %get3A_154 = arith.constant 0 : index
      %get3A_155 = vector.load %arg1[%get3A_153, %get3A_154] : memref<200x256xf32, #tpu.memory_space<vmem>>, vector<1x256xf32>
      %get3A_156 = arith.constant 0 : index
      %get3A_157 = arith.constant 0 : index
      %get3A_158 = vector.load %arg4[%get3A_156, %get3A_157] : memref<80x256xf32, #tpu.memory_space<vmem>>, vector<56x256xf32>
      %lt3A_159 = vector.broadcast %get3A_155 : vector<1x256xf32> to vector<56x256xf32>
      %lt3A_160 = arith.cmpf olt, %lt3A_159, %get3A_158 : vector<56x256xf32>
      %convert_element_type3A_161 = arith.extui %lt3A_160 : vector<56x256xi1> to vector<56x256xi32>
      %add3A_162 = arith.addi %add3A_138, %convert_element_type3A_161 : vector<56x256xi32>
      %add3A_163 = arith.constant 1 : i32
      %add3A_164 = arith.addi %scan3A_152, %add3A_163 : i32
      %min3A_165 = arith.constant 199 : i32
      %min3A_166 = arith.minsi %add3A_164, %min3A_165 : i32
      %get3A_167 = arith.index_cast %min3A_166 : i32 to index
      %get3A_168 = arith.constant 0 : index
      %get3A_169 = vector.load %arg1[%get3A_167, %get3A_168] : memref<200x256xf32, #tpu.memory_space<vmem>>, vector<1x256xf32>
      %sub3A_170 = arith.constant 144 : i32
      %sub3A_171 = arith.subi %scan3A_152, %sub3A_170 : i32
      %add3A_172 = arith.constant 1 : i32
      %add3A_173 = arith.addi %sub3A_171, %add3A_172 : i32
      %swap3A_174 = arith.index_cast %add3A_173 : i32 to index
      %swap3A_175 = arith.constant 0 : index
      %swap3A_176 = vector.load %arg4[%swap3A_174, %swap3A_175] : memref<80x256xf32, #tpu.memory_space<vmem>>, vector<1x256xf32>
      tpu.vector_store %arg4[%swap3A_174, %swap3A_175], %get3A_169 {strides = array<i32>} : memref<80x256xf32, #tpu.memory_space<vmem>>, vector<1x256xf32>,
      %scan3A_177 = arith.constant 2 : i32
      %scan3A_178 = arith.addi %scan3A_129, %scan3A_177 : i32
      %get3A_179 = arith.index_cast %scan3A_178 : i32 to index
      %get3A_180 = arith.constant 0 : index
      %get3A_181 = vector.load %arg1[%get3A_179, %get3A_180] : memref<200x256xf32, #tpu.memory_space<vmem>>, vector<1x256xf32>
      %get3A_182 = arith.constant 0 : index
      %get3A_183 = arith.constant 0 : index
      %get3A_184 = vector.load %arg4[%get3A_182, %get3A_183] : memref<80x256xf32, #tpu.memory_space<vmem>>, vector<56x256xf32>
      %lt3A_185 = vector.broadcast %get3A_181 : vector<1x256xf32> to vector<56x256xf32>
      %lt3A_186 = arith.cmpf olt, %lt3A_185, %get3A_184 : vector<56x256xf32>
      %convert_element_type3A_187 = arith.extui %lt3A_186 : vector<56x256xi1> to vector<56x256xi32>
      %add3A_188 = arith.addi %add3A_162, %convert_element_type3A_187 : vector<56x256xi32>
      %add3A_189 = arith.constant 1 : i32
      %add3A_190 = arith.addi %scan3A_178, %add3A_189 : i32
      %min3A_191 = arith.constant 199 : i32
      %min3A_192 = arith.minsi %add3A_190, %min3A_191 : i32
      %get3A_193 = arith.index_cast %min3A_192 : i32 to index
      %get3A_194 = arith.constant 0 : index
      %get3A_195 = vector.load %arg1[%get3A_193, %get3A_194] : memref<200x256xf32, #tpu.memory_space<vmem>>, vector<1x256xf32>
      %sub3A_196 = arith.constant 144 : i32
      %sub3A_197 = arith.subi %scan3A_178, %sub3A_196 : i32
      %add3A_198 = arith.constant 1 : i32
      %add3A_199 = arith.addi %sub3A_197, %add3A_198 : i32
      %swap3A_200 = arith.index_cast %add3A_199 : i32 to index
      %swap3A_201 = arith.constant 0 : index
      %swap3A_202 = vector.load %arg4[%swap3A_200, %swap3A_201] : memref<80x256xf32, #tpu.memory_space<vmem>>, vector<1x256xf32>
      tpu.vector_store %arg4[%swap3A_200, %swap3A_201], %get3A_195 {strides = array<i32>} : memref<80x256xf32, #tpu.memory_space<vmem>>, vector<1x256xf32>,
      %scan3A_203 = arith.constant 3 : i32
      %scan3A_204 = arith.addi %scan3A_129, %scan3A_203 : i32
      %get3A_205 = arith.index_cast %scan3A_204 : i32 to index
      %get3A_206 = arith.constant 0 : index
      %get3A_207 = vector.load %arg1[%get3A_205, %get3A_206] : memref<200x256xf32, #tpu.memory_space<vmem>>, vector<1x256xf32>
      %get3A_208 = arith.constant 0 : index
      %get3A_209 = arith.constant 0 : index
      %get3A_210 = vector.load %arg4[%get3A_208, %get3A_209] : memref<80x256xf32, #tpu.memory_space<vmem>>, vector<56x256xf32>
      %lt3A_211 = vector.broadcast %get3A_207 : vector<1x256xf32> to vector<56x256xf32>
      %lt3A_212 = arith.cmpf olt, %lt3A_211, %get3A_210 : vector<56x256xf32>
      %convert_element_type3A_213 = arith.extui %lt3A_212 : vector<56x256xi1> to vector<56x256xi32>
      %add3A_214 = arith.addi %add3A_188, %convert_element_type3A_213 : vector<56x256xi32>
      %add3A_215 = arith.constant 1 : i32
      %add3A_216 = arith.addi %scan3A_204, %add3A_215 : i32
      %min3A_217 = arith.constant 199 : i32
      %min3A_218 = arith.minsi %add3A_216, %min3A_217 : i32
      %get3A_219 = arith.index_cast %min3A_218 : i32 to index
      %get3A_220 = arith.constant 0 : index
      %get3A_221 = vector.load %arg1[%get3A_219, %get3A_220] : memref<200x256xf32, #tpu.memory_space<vmem>>, vector<1x256xf32>
      %sub3A_222 = arith.constant 144 : i32
      %sub3A_223 = arith.subi %scan3A_204, %sub3A_222 : i32
      %add3A_224 = arith.constant 1 : i32
      %add3A_225 = arith.addi %sub3A_223, %add3A_224 : i32
      %swap3A_226 = arith.index_cast %add3A_225 : i32 to index
      %swap3A_227 = arith.constant 0 : index
      %swap3A_228 = vector.load %arg4[%swap3A_226, %swap3A_227] : memref<80x256xf32, #tpu.memory_space<vmem>>, vector<1x256xf32>
      tpu.vector_store %arg4[%swap3A_226, %swap3A_227], %get3A_221 {strides = array<i32>} : memref<80x256xf32, #tpu.memory_space<vmem>>, vector<1x256xf32>,
      scf.yield %add3A_214 : vector<56x256xi32>
    }
    %scan3A_121 = arith.constant 56 : i32
    %scan3A_122 = arith.constant 200 : i32
    %scan3A_123 = arith.constant 0 : i32
    %scan3A_124 = arith.addi %scan3A_122, %scan3A_123 : i32
    %scan3A_125 = arith.constant 0 : i32
    %swap3A_126 = arith.constant 144 : index
    %swap3A_127 = arith.constant 0 : index
    %swap3A_128 = vector.load %arg2[%swap3A_126, %swap3A_127] : memref<200x256xi32, #tpu.memory_space<vmem>>, vector<56x256xi32>
    tpu.vector_store %arg2[%swap3A_126, %swap3A_127], %scan3A_120 {strides = array<i32>} : memref<200x256xi32, #tpu.memory_space<vmem>>, vector<56x256xi32>,
    return
  }
  func.func @transform_0(%arg0: i32) -> (i32, i32) {
    %add3A = arith.constant 0 : i32
    %add3A_0 = arith.addi %add3A, %arg0 : i32
    %c0_i32 = arith.constant 0 : i32
    %c0_i32_1 = arith.constant 0 : i32
    return %c0_i32, %add3A_0 : i32, i32
  }
  func.func @transform_1(%arg0: i32) -> (i32, i32) {
    %c0_i32 = arith.constant 0 : i32
    %c0_i32_0 = arith.constant 0 : i32
    return %c0_i32, %arg0 : i32, i32
  }
}

module attributes {stable_mosaic.version = 14 : i64} {
  func.func @_rank_body(%arg0: i32, %arg1: memref<200x256xf32, #tpu.memory_space<vmem>>, %arg2: memref<200x256xi32, #tpu.memory_space<vmem>>, %arg3: memref<200x256xf32, #tpu.memory_space<vmem>>, %arg4: memref<80x256xf32, #tpu.memory_space<vmem>>) attributes {dimension_semantics = [#tpu.dimension_semantics<arbitrary>], iteration_bounds = array<i64: 3>, scalar_prefetch = 0 : i64, scratch_operands = 2 : i64, tpu.core_type = #tpu.core_type<tc>, window_params = [{transform_indices = @transform_0, window_bounds = array<i64: 200, 256>}, {transform_indices = @transform_1, window_bounds = array<i64: 200, 256>}]} {
    %get3A = arith.constant 0 : index
    %get3A_0 = arith.constant 0 : index
    %get3A_1 = vector.load %arg1[%get3A, %get3A_0] : memref<200x256xf32, #tpu.memory_space<vmem>>, vector<200x256xf32>
    %add3A = arith.constant 0.000000e+00 : f32
    %add3A_2 = vector.broadcast %add3A : f32 to vector<200x256xf32>
    %add3A_3 = arith.addf %get3A_1, %add3A_2 : vector<200x256xf32>
    %bitcast_convert_type3A = tpu.bitcast %add3A_3 : vector<200x256xf32> -> vector<200x256xi32>
    %ge3A = arith.constant 0 : i32
    %ge3A_4 = vector.broadcast %ge3A : i32 to vector<200x256xi32>
    %ge3A_5 = arith.cmpi sge, %bitcast_convert_type3A, %ge3A_4 : vector<200x256xi32>
    %jit3A = arith.constant 1 : i32
    %jit3A_6 = arith.constant -1 : i32
    %broadcast_in_dim3A = vector.broadcast %jit3A : i32 to vector<200x256xi32>
    %broadcast_in_dim3A_7 = vector.broadcast %jit3A_6 : i32 to vector<200x256xi32>
    %select_n3A = arith.select %ge3A_5, %broadcast_in_dim3A, %broadcast_in_dim3A_7 : vector<200x256xi1>, vector<200x256xi32>
    %add3A_8 = arith.addi %bitcast_convert_type3A, %select_n3A : vector<200x256xi32>
    %bitcast_convert_type3A_9 = tpu.bitcast %add3A_8 : vector<200x256xi32> -> vector<200x256xf32>
    %swap3A = arith.constant 0 : index
    %swap3A_10 = arith.constant 0 : index
    %swap3A_11 = vector.load %arg3[%swap3A, %swap3A_10] : memref<200x256xf32, #tpu.memory_space<vmem>>, vector<200x256xf32>
    tpu.vector_store %arg3[%swap3A, %swap3A_10], %bitcast_convert_type3A_9 {strides = array<i32>} : memref<200x256xf32, #tpu.memory_space<vmem>>, vector<200x256xf32>,
    %iota3A = tpu.iota {dimensions = array<i32: 1>} : vector<1x256xi32>
    %mul3A = arith.constant 256 : i32
    %mul3A_12 = arith.muli %arg0, %mul3A : i32
    %add3A_13 = arith.constant 256 : i32
    %add3A_14 = arith.addi %add3A_13, %mul3A_12 : i32
    %add3A_15 = vector.broadcast %add3A_14 : i32 to vector<1x256xi32>
    %add3A_16 = arith.addi %add3A_15, %iota3A : vector<1x256xi32>
    %mul3A_17 = arith.constant 200 : i32
    %mul3A_18 = vector.broadcast %mul3A_17 : i32 to vector<1x256xi32>
    %mul3A_19 = arith.muli %add3A_16, %mul3A_18 : vector<1x256xi32>
    %get3A_20 = arith.constant 0 : index
    %get3A_21 = arith.constant 0 : index
    %get3A_22 = vector.load %arg1[%get3A_20, %get3A_21] : memref<200x256xf32, #tpu.memory_space<vmem>>, vector<72x256xf32>
    %get3A_23 = arith.constant 0 : index
    %get3A_24 = arith.constant 0 : index
    %get3A_25 = vector.load %arg3[%get3A_23, %get3A_24] : memref<200x256xf32, #tpu.memory_space<vmem>>, vector<72x256xf32>
    %broadcast_in_dim3A_26 = vector.shape_cast %mul3A_19 : vector<1x256xi32> to vector<1x256xi32>
    %broadcast_in_dim3A_27 = vector.broadcast %broadcast_in_dim3A_26 : vector<1x256xi32> to vector<72x256xi32>
    %scan3A = arith.constant 0 : i32
    %scan3A_28 = arith.constant 0 : i32
    %scan3A_29 = arith.addi %scan3A, %scan3A_28 : i32
    %scan3A_30 = arith.constant 0 : i32
    %swap3A_31 = arith.constant 0 : index
    %swap3A_32 = arith.constant 0 : index
    %swap3A_33 = vector.load %arg4[%swap3A_31, %swap3A_32] : memref<80x256xf32, #tpu.memory_space<vmem>>, vector<72x256xf32>
    tpu.vector_store %arg4[%swap3A_31, %swap3A_32], %get3A_25 {strides = array<i32>} : memref<80x256xf32, #tpu.memory_space<vmem>>, vector<72x256xf32>,
    %get3A_34 = arith.constant 0 : index
    %get3A_35 = arith.constant 0 : index
    %get3A_36 = vector.load %arg1[%get3A_34, %get3A_35] : memref<200x256xf32, #tpu.memory_space<vmem>>, vector<1x256xf32>
    %swap3A_37 = arith.constant 0 : index
    %swap3A_38 = arith.constant 0 : index
    %swap3A_39 = vector.load %arg4[%swap3A_37, %swap3A_38] : memref<80x256xf32, #tpu.memory_space<vmem>>, vector<1x256xf32>
    tpu.vector_store %arg4[%swap3A_37, %swap3A_38], %get3A_36 {strides = array<i32>} : memref<80x256xf32, #tpu.memory_space<vmem>>, vector<1x256xf32>,
    %scan3A_40 = arith.constant 0 : i32
    %scan3A_41 = arith.constant 72 : i32
    %scan3A_42 = arith.addi %scan3A_40, %scan3A_41 : i32
    %scan3A_43 = arith.constant 4 : i32
    %scan3A_44 = scf.for %scan3A_129 = %scan3A_40 to %scan3A_42 step %scan3A_43 iter_args(%scan3A_130 = %broadcast_in_dim3A_27) -> (vector<72x256xi32>)  : i32 {
      %get3A_131 = arith.index_cast %scan3A_129 : i32 to index
      %get3A_132 = arith.constant 0 : index
      %get3A_133 = vector.load %arg1[%get3A_131, %get3A_132] : memref<200x256xf32, #tpu.memory_space<vmem>>, vector<1x256xf32>
      %get3A_134 = arith.constant 0 : index
      %get3A_135 = arith.constant 0 : index
      %get3A_136 = vector.load %arg4[%get3A_134, %get3A_135] : memref<80x256xf32, #tpu.memory_space<vmem>>, vector<72x256xf32>
      %lt3A = vector.broadcast %get3A_133 : vector<1x256xf32> to vector<72x256xf32>
      %lt3A_137 = arith.cmpf olt, %lt3A, %get3A_136 : vector<72x256xf32>
      %convert_element_type3A = arith.extui %lt3A_137 : vector<72x256xi1> to vector<72x256xi32>
      %add3A_138 = arith.addi %scan3A_130, %convert_element_type3A : vector<72x256xi32>
      %add3A_139 = arith.constant 1 : i32
      %add3A_140 = arith.addi %scan3A_129, %add3A_139 : i32
      %min3A = arith.constant 199 : i32
      %min3A_141 = arith.minsi %add3A_140, %min3A : i32
      %get3A_142 = arith.index_cast %min3A_141 : i32 to index
      %get3A_143 = arith.constant 0 : index
      %get3A_144 = vector.load %arg1[%get3A_142, %get3A_143] : memref<200x256xf32, #tpu.memory_space<vmem>>, vector<1x256xf32>
      %sub3A = arith.constant 0 : i32
      %sub3A_145 = arith.subi %scan3A_129, %sub3A : i32
      %add3A_146 = arith.constant 1 : i32
      %add3A_147 = arith.addi %sub3A_145, %add3A_146 : i32
      %swap3A_148 = arith.index_cast %add3A_147 : i32 to index
      %swap3A_149 = arith.constant 0 : index
      %swap3A_150 = vector.load %arg4[%swap3A_148, %swap3A_149] : memref<80x256xf32, #tpu.memory_space<vmem>>, vector<1x256xf32>
      tpu.vector_store %arg4[%swap3A_148, %swap3A_149], %get3A_144 {strides = array<i32>} : memref<80x256xf32, #tpu.memory_space<vmem>>, vector<1x256xf32>,
      %scan3A_151 = arith.constant 1 : i32
      %scan3A_152 = arith.addi %scan3A_129, %scan3A_151 : i32
      %get3A_153 = arith.index_cast %scan3A_152 : i32 to index
      %get3A_154 = arith.constant 0 : index
      %get3A_155 = vector.load %arg1[%get3A_153, %get3A_154] : memref<200x256xf32, #tpu.memory_space<vmem>>, vector<1x256xf32>
      %get3A_156 = arith.constant 0 : index
      %get3A_157 = arith.constant 0 : index
      %get3A_158 = vector.load %arg4[%get3A_156, %get3A_157] : memref<80x256xf32, #tpu.memory_space<vmem>>, vector<72x256xf32>
      %lt3A_159 = vector.broadcast %get3A_155 : vector<1x256xf32> to vector<72x256xf32>
      %lt3A_160 = arith.cmpf olt, %lt3A_159, %get3A_158 : vector<72x256xf32>
      %convert_element_type3A_161 = arith.extui %lt3A_160 : vector<72x256xi1> to vector<72x256xi32>
      %add3A_162 = arith.addi %add3A_138, %convert_element_type3A_161 : vector<72x256xi32>
      %add3A_163 = arith.constant 1 : i32
      %add3A_164 = arith.addi %scan3A_152, %add3A_163 : i32
      %min3A_165 = arith.constant 199 : i32
      %min3A_166 = arith.minsi %add3A_164, %min3A_165 : i32
      %get3A_167 = arith.index_cast %min3A_166 : i32 to index
      %get3A_168 = arith.constant 0 : index
      %get3A_169 = vector.load %arg1[%get3A_167, %get3A_168] : memref<200x256xf32, #tpu.memory_space<vmem>>, vector<1x256xf32>
      %sub3A_170 = arith.constant 0 : i32
      %sub3A_171 = arith.subi %scan3A_152, %sub3A_170 : i32
      %add3A_172 = arith.constant 1 : i32
      %add3A_173 = arith.addi %sub3A_171, %add3A_172 : i32
      %swap3A_174 = arith.index_cast %add3A_173 : i32 to index
      %swap3A_175 = arith.constant 0 : index
      %swap3A_176 = vector.load %arg4[%swap3A_174, %swap3A_175] : memref<80x256xf32, #tpu.memory_space<vmem>>, vector<1x256xf32>
      tpu.vector_store %arg4[%swap3A_174, %swap3A_175], %get3A_169 {strides = array<i32>} : memref<80x256xf32, #tpu.memory_space<vmem>>, vector<1x256xf32>,
      %scan3A_177 = arith.constant 2 : i32
      %scan3A_178 = arith.addi %scan3A_129, %scan3A_177 : i32
      %get3A_179 = arith.index_cast %scan3A_178 : i32 to index
      %get3A_180 = arith.constant 0 : index
      %get3A_181 = vector.load %arg1[%get3A_179, %get3A_180] : memref<200x256xf32, #tpu.memory_space<vmem>>, vector<1x256xf32>
      %get3A_182 = arith.constant 0 : index
      %get3A_183 = arith.constant 0 : index
      %get3A_184 = vector.load %arg4[%get3A_182, %get3A_183] : memref<80x256xf32, #tpu.memory_space<vmem>>, vector<72x256xf32>
      %lt3A_185 = vector.broadcast %get3A_181 : vector<1x256xf32> to vector<72x256xf32>
      %lt3A_186 = arith.cmpf olt, %lt3A_185, %get3A_184 : vector<72x256xf32>
      %convert_element_type3A_187 = arith.extui %lt3A_186 : vector<72x256xi1> to vector<72x256xi32>
      %add3A_188 = arith.addi %add3A_162, %convert_element_type3A_187 : vector<72x256xi32>
      %add3A_189 = arith.constant 1 : i32
      %add3A_190 = arith.addi %scan3A_178, %add3A_189 : i32
      %min3A_191 = arith.constant 199 : i32
      %min3A_192 = arith.minsi %add3A_190, %min3A_191 : i32
      %get3A_193 = arith.index_cast %min3A_192 : i32 to index
      %get3A_194 = arith.constant 0 : index
      %get3A_195 = vector.load %arg1[%get3A_193, %get3A_194] : memref<200x256xf32, #tpu.memory_space<vmem>>, vector<1x256xf32>
      %sub3A_196 = arith.constant 0 : i32
      %sub3A_197 = arith.subi %scan3A_178, %sub3A_196 : i32
      %add3A_198 = arith.constant 1 : i32
      %add3A_199 = arith.addi %sub3A_197, %add3A_198 : i32
      %swap3A_200 = arith.index_cast %add3A_199 : i32 to index
      %swap3A_201 = arith.constant 0 : index
      %swap3A_202 = vector.load %arg4[%swap3A_200, %swap3A_201] : memref<80x256xf32, #tpu.memory_space<vmem>>, vector<1x256xf32>
      tpu.vector_store %arg4[%swap3A_200, %swap3A_201], %get3A_195 {strides = array<i32>} : memref<80x256xf32, #tpu.memory_space<vmem>>, vector<1x256xf32>,
      %scan3A_203 = arith.constant 3 : i32
      %scan3A_204 = arith.addi %scan3A_129, %scan3A_203 : i32
      %get3A_205 = arith.index_cast %scan3A_204 : i32 to index
      %get3A_206 = arith.constant 0 : index
      %get3A_207 = vector.load %arg1[%get3A_205, %get3A_206] : memref<200x256xf32, #tpu.memory_space<vmem>>, vector<1x256xf32>
      %get3A_208 = arith.constant 0 : index
      %get3A_209 = arith.constant 0 : index
      %get3A_210 = vector.load %arg4[%get3A_208, %get3A_209] : memref<80x256xf32, #tpu.memory_space<vmem>>, vector<72x256xf32>
      %lt3A_211 = vector.broadcast %get3A_207 : vector<1x256xf32> to vector<72x256xf32>
      %lt3A_212 = arith.cmpf olt, %lt3A_211, %get3A_210 : vector<72x256xf32>
      %convert_element_type3A_213 = arith.extui %lt3A_212 : vector<72x256xi1> to vector<72x256xi32>
      %add3A_214 = arith.addi %add3A_188, %convert_element_type3A_213 : vector<72x256xi32>
      %add3A_215 = arith.constant 1 : i32
      %add3A_216 = arith.addi %scan3A_204, %add3A_215 : i32
      %min3A_217 = arith.constant 199 : i32
      %min3A_218 = arith.minsi %add3A_216, %min3A_217 : i32
      %get3A_219 = arith.index_cast %min3A_218 : i32 to index
      %get3A_220 = arith.constant 0 : index
      %get3A_221 = vector.load %arg1[%get3A_219, %get3A_220] : memref<200x256xf32, #tpu.memory_space<vmem>>, vector<1x256xf32>
      %sub3A_222 = arith.constant 0 : i32
      %sub3A_223 = arith.subi %scan3A_204, %sub3A_222 : i32
      %add3A_224 = arith.constant 1 : i32
      %add3A_225 = arith.addi %sub3A_223, %add3A_224 : i32
      %swap3A_226 = arith.index_cast %add3A_225 : i32 to index
      %swap3A_227 = arith.constant 0 : index
      %swap3A_228 = vector.load %arg4[%swap3A_226, %swap3A_227] : memref<80x256xf32, #tpu.memory_space<vmem>>, vector<1x256xf32>
      tpu.vector_store %arg4[%swap3A_226, %swap3A_227], %get3A_221 {strides = array<i32>} : memref<80x256xf32, #tpu.memory_space<vmem>>, vector<1x256xf32>,
      scf.yield %add3A_214 : vector<72x256xi32>
    }
    %scan3A_45 = arith.constant 72 : i32
    %scan3A_46 = arith.constant 72 : i32
    %scan3A_47 = arith.constant 128 : i32
    %scan3A_48 = arith.addi %scan3A_46, %scan3A_47 : i32
    %scan3A_49 = arith.constant 8 : i32
    %scan3A_50 = scf.for %scan3A_129 = %scan3A_46 to %scan3A_48 step %scan3A_49 iter_args(%scan3A_130 = %scan3A_44) -> (vector<72x256xi32>)  : i32 {
      %get3A_131 = arith.index_cast %scan3A_129 : i32 to index
      %get3A_132 = arith.constant 0 : index
      %get3A_133 = vector.load %arg1[%get3A_131, %get3A_132] : memref<200x256xf32, #tpu.memory_space<vmem>>, vector<1x256xf32>
      %lt3A = vector.broadcast %get3A_133 : vector<1x256xf32> to vector<72x256xf32>
      %lt3A_134 = arith.cmpf olt, %lt3A, %get3A_22 : vector<72x256xf32>
      %convert_element_type3A = arith.extui %lt3A_134 : vector<72x256xi1> to vector<72x256xi32>
      %add3A_135 = arith.addi %scan3A_130, %convert_element_type3A : vector<72x256xi32>
      %scan3A_136 = arith.constant 1 : i32
      %scan3A_137 = arith.addi %scan3A_129, %scan3A_136 : i32
      %get3A_138 = arith.index_cast %scan3A_137 : i32 to index
      %get3A_139 = arith.constant 0 : index
      %get3A_140 = vector.load %arg1[%get3A_138, %get3A_139] : memref<200x256xf32, #tpu.memory_space<vmem>>, vector<1x256xf32>
      %lt3A_141 = vector.broadcast %get3A_140 : vector<1x256xf32> to vector<72x256xf32>
      %lt3A_142 = arith.cmpf olt, %lt3A_141, %get3A_22 : vector<72x256xf32>
      %convert_element_type3A_143 = arith.extui %lt3A_142 : vector<72x256xi1> to vector<72x256xi32>
      %add3A_144 = arith.addi %add3A_135, %convert_element_type3A_143 : vector<72x256xi32>
      %scan3A_145 = arith.constant 2 : i32
      %scan3A_146 = arith.addi %scan3A_129, %scan3A_145 : i32
      %get3A_147 = arith.index_cast %scan3A_146 : i32 to index
      %get3A_148 = arith.constant 0 : index
      %get3A_149 = vector.load %arg1[%get3A_147, %get3A_148] : memref<200x256xf32, #tpu.memory_space<vmem>>, vector<1x256xf32>
      %lt3A_150 = vector.broadcast %get3A_149 : vector<1x256xf32> to vector<72x256xf32>
      %lt3A_151 = arith.cmpf olt, %lt3A_150, %get3A_22 : vector<72x256xf32>
      %convert_element_type3A_152 = arith.extui %lt3A_151 : vector<72x256xi1> to vector<72x256xi32>
      %add3A_153 = arith.addi %add3A_144, %convert_element_type3A_152 : vector<72x256xi32>
      %scan3A_154 = arith.constant 3 : i32
      %scan3A_155 = arith.addi %scan3A_129, %scan3A_154 : i32
      %get3A_156 = arith.index_cast %scan3A_155 : i32 to index
      %get3A_157 = arith.constant 0 : index
      %get3A_158 = vector.load %arg1[%get3A_156, %get3A_157] : memref<200x256xf32, #tpu.memory_space<vmem>>, vector<1x256xf32>
      %lt3A_159 = vector.broadcast %get3A_158 : vector<1x256xf32> to vector<72x256xf32>
      %lt3A_160 = arith.cmpf olt, %lt3A_159, %get3A_22 : vector<72x256xf32>
      %convert_element_type3A_161 = arith.extui %lt3A_160 : vector<72x256xi1> to vector<72x256xi32>
      %add3A_162 = arith.addi %add3A_153, %convert_element_type3A_161 : vector<72x256xi32>
      %scan3A_163 = arith.constant 4 : i32
      %scan3A_164 = arith.addi %scan3A_129, %scan3A_163 : i32
      %get3A_165 = arith.index_cast %scan3A_164 : i32 to index
      %get3A_166 = arith.constant 0 : index
      %get3A_167 = vector.load %arg1[%get3A_165, %get3A_166] : memref<200x256xf32, #tpu.memory_space<vmem>>, vector<1x256xf32>
      %lt3A_168 = vector.broadcast %get3A_167 : vector<1x256xf32> to vector<72x256xf32>
      %lt3A_169 = arith.cmpf olt, %lt3A_168, %get3A_22 : vector<72x256xf32>
      %convert_element_type3A_170 = arith.extui %lt3A_169 : vector<72x256xi1> to vector<72x256xi32>
      %add3A_171 = arith.addi %add3A_162, %convert_element_type3A_170 : vector<72x256xi32>
      %scan3A_172 = arith.constant 5 : i32
      %scan3A_173 = arith.addi %scan3A_129, %scan3A_172 : i32
      %get3A_174 = arith.index_cast %scan3A_173 : i32 to index
      %get3A_175 = arith.constant 0 : index
      %get3A_176 = vector.load %arg1[%get3A_174, %get3A_175] : memref<200x256xf32, #tpu.memory_space<vmem>>, vector<1x256xf32>
      %lt3A_177 = vector.broadcast %get3A_176 : vector<1x256xf32> to vector<72x256xf32>
      %lt3A_178 = arith.cmpf olt, %lt3A_177, %get3A_22 : vector<72x256xf32>
      %convert_element_type3A_179 = arith.extui %lt3A_178 : vector<72x256xi1> to vector<72x256xi32>
      %add3A_180 = arith.addi %add3A_171, %convert_element_type3A_179 : vector<72x256xi32>
      %scan3A_181 = arith.constant 6 : i32
      %scan3A_182 = arith.addi %scan3A_129, %scan3A_181 : i32
      %get3A_183 = arith.index_cast %scan3A_182 : i32 to index
      %get3A_184 = arith.constant 0 : index
      %get3A_185 = vector.load %arg1[%get3A_183, %get3A_184] : memref<200x256xf32, #tpu.memory_space<vmem>>, vector<1x256xf32>
      %lt3A_186 = vector.broadcast %get3A_185 : vector<1x256xf32> to vector<72x256xf32>
      %lt3A_187 = arith.cmpf olt, %lt3A_186, %get3A_22 : vector<72x256xf32>
      %convert_element_type3A_188 = arith.extui %lt3A_187 : vector<72x256xi1> to vector<72x256xi32>
      %add3A_189 = arith.addi %add3A_180, %convert_element_type3A_188 : vector<72x256xi32>
      %scan3A_190 = arith.constant 7 : i32
      %scan3A_191 = arith.addi %scan3A_129, %scan3A_190 : i32
      %get3A_192 = arith.index_cast %scan3A_191 : i32 to index
      %get3A_193 = arith.constant 0 : index
      %get3A_194 = vector.load %arg1[%get3A_192, %get3A_193] : memref<200x256xf32, #tpu.memory_space<vmem>>, vector<1x256xf32>
      %lt3A_195 = vector.broadcast %get3A_194 : vector<1x256xf32> to vector<72x256xf32>
      %lt3A_196 = arith.cmpf olt, %lt3A_195, %get3A_22 : vector<72x256xf32>
      %convert_element_type3A_197 = arith.extui %lt3A_196 : vector<72x256xi1> to vector<72x256xi32>
      %add3A_198 = arith.addi %add3A_189, %convert_element_type3A_197 : vector<72x256xi32>
      scf.yield %add3A_198 : vector<72x256xi32>
    }
    %scan3A_51 = arith.constant 128 : i32
    %swap3A_52 = arith.constant 0 : index
    %swap3A_53 = arith.constant 0 : index
    %swap3A_54 = vector.load %arg2[%swap3A_52, %swap3A_53] : memref<200x256xi32, #tpu.memory_space<vmem>>, vector<72x256xi32>
    tpu.vector_store %arg2[%swap3A_52, %swap3A_53], %scan3A_50 {strides = array<i32>} : memref<200x256xi32, #tpu.memory_space<vmem>>, vector<72x256xi32>,
    %get3A_55 = arith.constant 72 : index
    %get3A_56 = arith.constant 0 : index
    %get3A_57 = vector.load %arg1[%get3A_55, %get3A_56] : memref<200x256xf32, #tpu.memory_space<vmem>>, vector<72x256xf32>
    %get3A_58 = arith.constant 72 : index
    %get3A_59 = arith.constant 0 : index
    %get3A_60 = vector.load %arg3[%get3A_58, %get3A_59] : memref<200x256xf32, #tpu.memory_space<vmem>>, vector<72x256xf32>
    %broadcast_in_dim3A_61 = vector.shape_cast %mul3A_19 : vector<1x256xi32> to vector<1x256xi32>
    %broadcast_in_dim3A_62 = vector.broadcast %broadcast_in_dim3A_61 : vector<1x256xi32> to vector<72x256xi32>
    %scan3A_63 = arith.constant 0 : i32
    %scan3A_64 = arith.constant 72 : i32
    %scan3A_65 = arith.addi %scan3A_63, %scan3A_64 : i32
    %scan3A_66 = arith.constant 8 : i32
    %scan3A_67 = scf.for %scan3A_129 = %scan3A_63 to %scan3A_65 step %scan3A_66 iter_args(%scan3A_130 = %broadcast_in_dim3A_62) -> (vector<72x256xi32>)  : i32 {
      %get3A_131 = arith.index_cast %scan3A_129 : i32 to index
      %get3A_132 = arith.constant 0 : index
      %get3A_133 = vector.load %arg1[%get3A_131, %get3A_132] : memref<200x256xf32, #tpu.memory_space<vmem>>, vector<1x256xf32>
      %lt3A = vector.broadcast %get3A_133 : vector<1x256xf32> to vector<72x256xf32>
      %lt3A_134 = arith.cmpf olt, %lt3A, %get3A_60 : vector<72x256xf32>
      %convert_element_type3A = arith.extui %lt3A_134 : vector<72x256xi1> to vector<72x256xi32>
      %add3A_135 = arith.addi %scan3A_130, %convert_element_type3A : vector<72x256xi32>
      %scan3A_136 = arith.constant 1 : i32
      %scan3A_137 = arith.addi %scan3A_129, %scan3A_136 : i32
      %get3A_138 = arith.index_cast %scan3A_137 : i32 to index
      %get3A_139 = arith.constant 0 : index
      %get3A_140 = vector.load %arg1[%get3A_138, %get3A_139] : memref<200x256xf32, #tpu.memory_space<vmem>>, vector<1x256xf32>
      %lt3A_141 = vector.broadcast %get3A_140 : vector<1x256xf32> to vector<72x256xf32>
      %lt3A_142 = arith.cmpf olt, %lt3A_141, %get3A_60 : vector<72x256xf32>
      %convert_element_type3A_143 = arith.extui %lt3A_142 : vector<72x256xi1> to vector<72x256xi32>
      %add3A_144 = arith.addi %add3A_135, %convert_element_type3A_143 : vector<72x256xi32>
      %scan3A_145 = arith.constant 2 : i32
      %scan3A_146 = arith.addi %scan3A_129, %scan3A_145 : i32
      %get3A_147 = arith.index_cast %scan3A_146 : i32 to index
      %get3A_148 = arith.constant 0 : index
      %get3A_149 = vector.load %arg1[%get3A_147, %get3A_148] : memref<200x256xf32, #tpu.memory_space<vmem>>, vector<1x256xf32>
      %lt3A_150 = vector.broadcast %get3A_149 : vector<1x256xf32> to vector<72x256xf32>
      %lt3A_151 = arith.cmpf olt, %lt3A_150, %get3A_60 : vector<72x256xf32>
      %convert_element_type3A_152 = arith.extui %lt3A_151 : vector<72x256xi1> to vector<72x256xi32>
      %add3A_153 = arith.addi %add3A_144, %convert_element_type3A_152 : vector<72x256xi32>
      %scan3A_154 = arith.constant 3 : i32
      %scan3A_155 = arith.addi %scan3A_129, %scan3A_154 : i32
      %get3A_156 = arith.index_cast %scan3A_155 : i32 to index
      %get3A_157 = arith.constant 0 : index
      %get3A_158 = vector.load %arg1[%get3A_156, %get3A_157] : memref<200x256xf32, #tpu.memory_space<vmem>>, vector<1x256xf32>
      %lt3A_159 = vector.broadcast %get3A_158 : vector<1x256xf32> to vector<72x256xf32>
      %lt3A_160 = arith.cmpf olt, %lt3A_159, %get3A_60 : vector<72x256xf32>
      %convert_element_type3A_161 = arith.extui %lt3A_160 : vector<72x256xi1> to vector<72x256xi32>
      %add3A_162 = arith.addi %add3A_153, %convert_element_type3A_161 : vector<72x256xi32>
      %scan3A_163 = arith.constant 4 : i32
      %scan3A_164 = arith.addi %scan3A_129, %scan3A_163 : i32
      %get3A_165 = arith.index_cast %scan3A_164 : i32 to index
      %get3A_166 = arith.constant 0 : index
      %get3A_167 = vector.load %arg1[%get3A_165, %get3A_166] : memref<200x256xf32, #tpu.memory_space<vmem>>, vector<1x256xf32>
      %lt3A_168 = vector.broadcast %get3A_167 : vector<1x256xf32> to vector<72x256xf32>
      %lt3A_169 = arith.cmpf olt, %lt3A_168, %get3A_60 : vector<72x256xf32>
      %convert_element_type3A_170 = arith.extui %lt3A_169 : vector<72x256xi1> to vector<72x256xi32>
      %add3A_171 = arith.addi %add3A_162, %convert_element_type3A_170 : vector<72x256xi32>
      %scan3A_172 = arith.constant 5 : i32
      %scan3A_173 = arith.addi %scan3A_129, %scan3A_172 : i32
      %get3A_174 = arith.index_cast %scan3A_173 : i32 to index
      %get3A_175 = arith.constant 0 : index
      %get3A_176 = vector.load %arg1[%get3A_174, %get3A_175] : memref<200x256xf32, #tpu.memory_space<vmem>>, vector<1x256xf32>
      %lt3A_177 = vector.broadcast %get3A_176 : vector<1x256xf32> to vector<72x256xf32>
      %lt3A_178 = arith.cmpf olt, %lt3A_177, %get3A_60 : vector<72x256xf32>
      %convert_element_type3A_179 = arith.extui %lt3A_178 : vector<72x256xi1> to vector<72x256xi32>
      %add3A_180 = arith.addi %add3A_171, %convert_element_type3A_179 : vector<72x256xi32>
      %scan3A_181 = arith.constant 6 : i32
      %scan3A_182 = arith.addi %scan3A_129, %scan3A_181 : i32
      %get3A_183 = arith.index_cast %scan3A_182 : i32 to index
      %get3A_184 = arith.constant 0 : index
      %get3A_185 = vector.load %arg1[%get3A_183, %get3A_184] : memref<200x256xf32, #tpu.memory_space<vmem>>, vector<1x256xf32>
      %lt3A_186 = vector.broadcast %get3A_185 : vector<1x256xf32> to vector<72x256xf32>
      %lt3A_187 = arith.cmpf olt, %lt3A_186, %get3A_60 : vector<72x256xf32>
      %convert_element_type3A_188 = arith.extui %lt3A_187 : vector<72x256xi1> to vector<72x256xi32>
      %add3A_189 = arith.addi %add3A_180, %convert_element_type3A_188 : vector<72x256xi32>
      %scan3A_190 = arith.constant 7 : i32
      %scan3A_191 = arith.addi %scan3A_129, %scan3A_190 : i32
      %get3A_192 = arith.index_cast %scan3A_191 : i32 to index
      %get3A_193 = arith.constant 0 : index
      %get3A_194 = vector.load %arg1[%get3A_192, %get3A_193] : memref<200x256xf32, #tpu.memory_space<vmem>>, vector<1x256xf32>
      %lt3A_195 = vector.broadcast %get3A_194 : vector<1x256xf32> to vector<72x256xf32>
      %lt3A_196 = arith.cmpf olt, %lt3A_195, %get3A_60 : vector<72x256xf32>
      %convert_element_type3A_197 = arith.extui %lt3A_196 : vector<72x256xi1> to vector<72x256xi32>
      %add3A_198 = arith.addi %add3A_189, %convert_element_type3A_197 : vector<72x256xi32>
      scf.yield %add3A_198 : vector<72x256xi32>
    }
    %scan3A_68 = arith.constant 72 : i32
    %swap3A_69 = arith.constant 0 : index
    %swap3A_70 = arith.constant 0 : index
    %swap3A_71 = vector.load %arg4[%swap3A_69, %swap3A_70] : memref<80x256xf32, #tpu.memory_space<vmem>>, vector<72x256xf32>
    tpu.vector_store %arg4[%swap3A_69, %swap3A_70], %get3A_60 {strides = array<i32>} : memref<80x256xf32, #tpu.memory_space<vmem>>, vector<72x256xf32>,
    %get3A_72 = arith.constant 72 : index
    %get3A_73 = arith.constant 0 : index
    %get3A_74 = vector.load %arg1[%get3A_72, %get3A_73] : memref<200x256xf32, #tpu.memory_space<vmem>>, vector<1x256xf32>
    %swap3A_75 = arith.constant 0 : index
    %swap3A_76 = arith.constant 0 : index
    %swap3A_77 = vector.load %arg4[%swap3A_75, %swap3A_76] : memref<80x256xf32, #tpu.memory_space<vmem>>, vector<1x256xf32>
    tpu.vector_store %arg4[%swap3A_75, %swap3A_76], %get3A_74 {strides = array<i32>} : memref<80x256xf32, #tpu.memory_space<vmem>>, vector<1x256xf32>,
    %scan3A_78 = arith.constant 72 : i32
    %scan3A_79 = arith.constant 72 : i32
    %scan3A_80 = arith.addi %scan3A_78, %scan3A_79 : i32
    %scan3A_81 = arith.constant 4 : i32
    %scan3A_82 = scf.for %scan3A_129 = %scan3A_78 to %scan3A_80 step %scan3A_81 iter_args(%scan3A_130 = %scan3A_67) -> (vector<72x256xi32>)  : i32 {
      %get3A_131 = arith.index_cast %scan3A_129 : i32 to index
      %get3A_132 = arith.constant 0 : index
      %get3A_133 = vector.load %arg1[%get3A_131, %get3A_132] : memref<200x256xf32, #tpu.memory_space<vmem>>, vector<1x256xf32>
      %get3A_134 = arith.constant 0 : index
      %get3A_135 = arith.constant 0 : index
      %get3A_136 = vector.load %arg4[%get3A_134, %get3A_135] : memref<80x256xf32, #tpu.memory_space<vmem>>, vector<72x256xf32>
      %lt3A = vector.broadcast %get3A_133 : vector<1x256xf32> to vector<72x256xf32>
      %lt3A_137 = arith.cmpf olt, %lt3A, %get3A_136 : vector<72x256xf32>
      %convert_element_type3A = arith.extui %lt3A_137 : vector<72x256xi1> to vector<72x256xi32>
      %add3A_138 = arith.addi %scan3A_130, %convert_element_type3A : vector<72x256xi32>
      %add3A_139 = arith.constant 1 : i32
      %add3A_140 = arith.addi %scan3A_129, %add3A_139 : i32
      %min3A = arith.constant 199 : i32
      %min3A_141 = arith.minsi %add3A_140, %min3A : i32
      %get3A_142 = arith.index_cast %min3A_141 : i32 to index
      %get3A_143 = arith.constant 0 : index
      %get3A_144 = vector.load %arg1[%get3A_142, %get3A_143] : memref<200x256xf32, #tpu.memory_space<vmem>>, vector<1x256xf32>
      %sub3A = arith.constant 72 : i32
      %sub3A_145 = arith.subi %scan3A_129, %sub3A : i32
      %add3A_146 = arith.constant 1 : i32
      %add3A_147 = arith.addi %sub3A_145, %add3A_146 : i32
      %swap3A_148 = arith.index_cast %add3A_147 : i32 to index
      %swap3A_149 = arith.constant 0 : index
      %swap3A_150 = vector.load %arg4[%swap3A_148, %swap3A_149] : memref<80x256xf32, #tpu.memory_space<vmem>>, vector<1x256xf32>
      tpu.vector_store %arg4[%swap3A_148, %swap3A_149], %get3A_144 {strides = array<i32>} : memref<80x256xf32, #tpu.memory_space<vmem>>, vector<1x256xf32>,
      %scan3A_151 = arith.constant 1 : i32
      %scan3A_152 = arith.addi %scan3A_129, %scan3A_151 : i32
      %get3A_153 = arith.index_cast %scan3A_152 : i32 to index
      %get3A_154 = arith.constant 0 : index
      %get3A_155 = vector.load %arg1[%get3A_153, %get3A_154] : memref<200x256xf32, #tpu.memory_space<vmem>>, vector<1x256xf32>
      %get3A_156 = arith.constant 0 : index
      %get3A_157 = arith.constant 0 : index
      %get3A_158 = vector.load %arg4[%get3A_156, %get3A_157] : memref<80x256xf32, #tpu.memory_space<vmem>>, vector<72x256xf32>
      %lt3A_159 = vector.broadcast %get3A_155 : vector<1x256xf32> to vector<72x256xf32>
      %lt3A_160 = arith.cmpf olt, %lt3A_159, %get3A_158 : vector<72x256xf32>
      %convert_element_type3A_161 = arith.extui %lt3A_160 : vector<72x256xi1> to vector<72x256xi32>
      %add3A_162 = arith.addi %add3A_138, %convert_element_type3A_161 : vector<72x256xi32>
      %add3A_163 = arith.constant 1 : i32
      %add3A_164 = arith.addi %scan3A_152, %add3A_163 : i32
      %min3A_165 = arith.constant 199 : i32
      %min3A_166 = arith.minsi %add3A_164, %min3A_165 : i32
      %get3A_167 = arith.index_cast %min3A_166 : i32 to index
      %get3A_168 = arith.constant 0 : index
      %get3A_169 = vector.load %arg1[%get3A_167, %get3A_168] : memref<200x256xf32, #tpu.memory_space<vmem>>, vector<1x256xf32>
      %sub3A_170 = arith.constant 72 : i32
      %sub3A_171 = arith.subi %scan3A_152, %sub3A_170 : i32
      %add3A_172 = arith.constant 1 : i32
      %add3A_173 = arith.addi %sub3A_171, %add3A_172 : i32
      %swap3A_174 = arith.index_cast %add3A_173 : i32 to index
      %swap3A_175 = arith.constant 0 : index
      %swap3A_176 = vector.load %arg4[%swap3A_174, %swap3A_175] : memref<80x256xf32, #tpu.memory_space<vmem>>, vector<1x256xf32>
      tpu.vector_store %arg4[%swap3A_174, %swap3A_175], %get3A_169 {strides = array<i32>} : memref<80x256xf32, #tpu.memory_space<vmem>>, vector<1x256xf32>,
      %scan3A_177 = arith.constant 2 : i32
      %scan3A_178 = arith.addi %scan3A_129, %scan3A_177 : i32
      %get3A_179 = arith.index_cast %scan3A_178 : i32 to index
      %get3A_180 = arith.constant 0 : index
      %get3A_181 = vector.load %arg1[%get3A_179, %get3A_180] : memref<200x256xf32, #tpu.memory_space<vmem>>, vector<1x256xf32>
      %get3A_182 = arith.constant 0 : index
      %get3A_183 = arith.constant 0 : index
      %get3A_184 = vector.load %arg4[%get3A_182, %get3A_183] : memref<80x256xf32, #tpu.memory_space<vmem>>, vector<72x256xf32>
      %lt3A_185 = vector.broadcast %get3A_181 : vector<1x256xf32> to vector<72x256xf32>
      %lt3A_186 = arith.cmpf olt, %lt3A_185, %get3A_184 : vector<72x256xf32>
      %convert_element_type3A_187 = arith.extui %lt3A_186 : vector<72x256xi1> to vector<72x256xi32>
      %add3A_188 = arith.addi %add3A_162, %convert_element_type3A_187 : vector<72x256xi32>
      %add3A_189 = arith.constant 1 : i32
      %add3A_190 = arith.addi %scan3A_178, %add3A_189 : i32
      %min3A_191 = arith.constant 199 : i32
      %min3A_192 = arith.minsi %add3A_190, %min3A_191 : i32
      %get3A_193 = arith.index_cast %min3A_192 : i32 to index
      %get3A_194 = arith.constant 0 : index
      %get3A_195 = vector.load %arg1[%get3A_193, %get3A_194] : memref<200x256xf32, #tpu.memory_space<vmem>>, vector<1x256xf32>
      %sub3A_196 = arith.constant 72 : i32
      %sub3A_197 = arith.subi %scan3A_178, %sub3A_196 : i32
      %add3A_198 = arith.constant 1 : i32
      %add3A_199 = arith.addi %sub3A_197, %add3A_198 : i32
      %swap3A_200 = arith.index_cast %add3A_199 : i32 to index
      %swap3A_201 = arith.constant 0 : index
      %swap3A_202 = vector.load %arg4[%swap3A_200, %swap3A_201] : memref<80x256xf32, #tpu.memory_space<vmem>>, vector<1x256xf32>
      tpu.vector_store %arg4[%swap3A_200, %swap3A_201], %get3A_195 {strides = array<i32>} : memref<80x256xf32, #tpu.memory_space<vmem>>, vector<1x256xf32>,
      %scan3A_203 = arith.constant 3 : i32
      %scan3A_204 = arith.addi %scan3A_129, %scan3A_203 : i32
      %get3A_205 = arith.index_cast %scan3A_204 : i32 to index
      %get3A_206 = arith.constant 0 : index
      %get3A_207 = vector.load %arg1[%get3A_205, %get3A_206] : memref<200x256xf32, #tpu.memory_space<vmem>>, vector<1x256xf32>
      %get3A_208 = arith.constant 0 : index
      %get3A_209 = arith.constant 0 : index
      %get3A_210 = vector.load %arg4[%get3A_208, %get3A_209] : memref<80x256xf32, #tpu.memory_space<vmem>>, vector<72x256xf32>
      %lt3A_211 = vector.broadcast %get3A_207 : vector<1x256xf32> to vector<72x256xf32>
      %lt3A_212 = arith.cmpf olt, %lt3A_211, %get3A_210 : vector<72x256xf32>
      %convert_element_type3A_213 = arith.extui %lt3A_212 : vector<72x256xi1> to vector<72x256xi32>
      %add3A_214 = arith.addi %add3A_188, %convert_element_type3A_213 : vector<72x256xi32>
      %add3A_215 = arith.constant 1 : i32
      %add3A_216 = arith.addi %scan3A_204, %add3A_215 : i32
      %min3A_217 = arith.constant 199 : i32
      %min3A_218 = arith.minsi %add3A_216, %min3A_217 : i32
      %get3A_219 = arith.index_cast %min3A_218 : i32 to index
      %get3A_220 = arith.constant 0 : index
      %get3A_221 = vector.load %arg1[%get3A_219, %get3A_220] : memref<200x256xf32, #tpu.memory_space<vmem>>, vector<1x256xf32>
      %sub3A_222 = arith.constant 72 : i32
      %sub3A_223 = arith.subi %scan3A_204, %sub3A_222 : i32
      %add3A_224 = arith.constant 1 : i32
      %add3A_225 = arith.addi %sub3A_223, %add3A_224 : i32
      %swap3A_226 = arith.index_cast %add3A_225 : i32 to index
      %swap3A_227 = arith.constant 0 : index
      %swap3A_228 = vector.load %arg4[%swap3A_226, %swap3A_227] : memref<80x256xf32, #tpu.memory_space<vmem>>, vector<1x256xf32>
      tpu.vector_store %arg4[%swap3A_226, %swap3A_227], %get3A_221 {strides = array<i32>} : memref<80x256xf32, #tpu.memory_space<vmem>>, vector<1x256xf32>,
      scf.yield %add3A_214 : vector<72x256xi32>
    }
    %scan3A_83 = arith.constant 72 : i32
    %scan3A_84 = arith.constant 144 : i32
    %scan3A_85 = arith.constant 56 : i32
    %scan3A_86 = arith.addi %scan3A_84, %scan3A_85 : i32
    %scan3A_87 = arith.constant 8 : i32
    %scan3A_88 = scf.for %scan3A_129 = %scan3A_84 to %scan3A_86 step %scan3A_87 iter_args(%scan3A_130 = %scan3A_82) -> (vector<72x256xi32>)  : i32 {
      %get3A_131 = arith.index_cast %scan3A_129 : i32 to index
      %get3A_132 = arith.constant 0 : index
      %get3A_133 = vector.load %arg1[%get3A_131, %get3A_132] : memref<200x256xf32, #tpu.memory_space<vmem>>, vector<1x256xf32>
      %lt3A = vector.broadcast %get3A_133 : vector<1x256xf32> to vector<72x256xf32>
      %lt3A_134 = arith.cmpf olt, %lt3A, %get3A_57 : vector<72x256xf32>
      %convert_element_type3A = arith.extui %lt3A_134 : vector<72x256xi1> to vector<72x256xi32>
      %add3A_135 = arith.addi %scan3A_130, %convert_element_type3A : vector<72x256xi32>
      %scan3A_136 = arith.constant 1 : i32
      %scan3A_137 = arith.addi %scan3A_129, %scan3A_136 : i32
      %get3A_138 = arith.index_cast %scan3A_137 : i32 to index
      %get3A_139 = arith.constant 0 : index
      %get3A_140 = vector.load %arg1[%get3A_138, %get3A_139] : memref<200x256xf32, #tpu.memory_space<vmem>>, vector<1x256xf32>
      %lt3A_141 = vector.broadcast %get3A_140 : vector<1x256xf32> to vector<72x256xf32>
      %lt3A_142 = arith.cmpf olt, %lt3A_141, %get3A_57 : vector<72x256xf32>
      %convert_element_type3A_143 = arith.extui %lt3A_142 : vector<72x256xi1> to vector<72x256xi32>
      %add3A_144 = arith.addi %add3A_135, %convert_element_type3A_143 : vector<72x256xi32>
      %scan3A_145 = arith.constant 2 : i32
      %scan3A_146 = arith.addi %scan3A_129, %scan3A_145 : i32
      %get3A_147 = arith.index_cast %scan3A_146 : i32 to index
      %get3A_148 = arith.constant 0 : index
      %get3A_149 = vector.load %arg1[%get3A_147, %get3A_148] : memref<200x256xf32, #tpu.memory_space<vmem>>, vector<1x256xf32>
      %lt3A_150 = vector.broadcast %get3A_149 : vector<1x256xf32> to vector<72x256xf32>
      %lt3A_151 = arith.cmpf olt, %lt3A_150, %get3A_57 : vector<72x256xf32>
      %convert_element_type3A_152 = arith.extui %lt3A_151 : vector<72x256xi1> to vector<72x256xi32>
      %add3A_153 = arith.addi %add3A_144, %convert_element_type3A_152 : vector<72x256xi32>
      %scan3A_154 = arith.constant 3 : i32
      %scan3A_155 = arith.addi %scan3A_129, %scan3A_154 : i32
      %get3A_156 = arith.index_cast %scan3A_155 : i32 to index
      %get3A_157 = arith.constant 0 : index
      %get3A_158 = vector.load %arg1[%get3A_156, %get3A_157] : memref<200x256xf32, #tpu.memory_space<vmem>>, vector<1x256xf32>
      %lt3A_159 = vector.broadcast %get3A_158 : vector<1x256xf32> to vector<72x256xf32>
      %lt3A_160 = arith.cmpf olt, %lt3A_159, %get3A_57 : vector<72x256xf32>
      %convert_element_type3A_161 = arith.extui %lt3A_160 : vector<72x256xi1> to vector<72x256xi32>
      %add3A_162 = arith.addi %add3A_153, %convert_element_type3A_161 : vector<72x256xi32>
      %scan3A_163 = arith.constant 4 : i32
      %scan3A_164 = arith.addi %scan3A_129, %scan3A_163 : i32
      %get3A_165 = arith.index_cast %scan3A_164 : i32 to index
      %get3A_166 = arith.constant 0 : index
      %get3A_167 = vector.load %arg1[%get3A_165, %get3A_166] : memref<200x256xf32, #tpu.memory_space<vmem>>, vector<1x256xf32>
      %lt3A_168 = vector.broadcast %get3A_167 : vector<1x256xf32> to vector<72x256xf32>
      %lt3A_169 = arith.cmpf olt, %lt3A_168, %get3A_57 : vector<72x256xf32>
      %convert_element_type3A_170 = arith.extui %lt3A_169 : vector<72x256xi1> to vector<72x256xi32>
      %add3A_171 = arith.addi %add3A_162, %convert_element_type3A_170 : vector<72x256xi32>
      %scan3A_172 = arith.constant 5 : i32
      %scan3A_173 = arith.addi %scan3A_129, %scan3A_172 : i32
      %get3A_174 = arith.index_cast %scan3A_173 : i32 to index
      %get3A_175 = arith.constant 0 : index
      %get3A_176 = vector.load %arg1[%get3A_174, %get3A_175] : memref<200x256xf32, #tpu.memory_space<vmem>>, vector<1x256xf32>
      %lt3A_177 = vector.broadcast %get3A_176 : vector<1x256xf32> to vector<72x256xf32>
      %lt3A_178 = arith.cmpf olt, %lt3A_177, %get3A_57 : vector<72x256xf32>
      %convert_element_type3A_179 = arith.extui %lt3A_178 : vector<72x256xi1> to vector<72x256xi32>
      %add3A_180 = arith.addi %add3A_171, %convert_element_type3A_179 : vector<72x256xi32>
      %scan3A_181 = arith.constant 6 : i32
      %scan3A_182 = arith.addi %scan3A_129, %scan3A_181 : i32
      %get3A_183 = arith.index_cast %scan3A_182 : i32 to index
      %get3A_184 = arith.constant 0 : index
      %get3A_185 = vector.load %arg1[%get3A_183, %get3A_184] : memref<200x256xf32, #tpu.memory_space<vmem>>, vector<1x256xf32>
      %lt3A_186 = vector.broadcast %get3A_185 : vector<1x256xf32> to vector<72x256xf32>
      %lt3A_187 = arith.cmpf olt, %lt3A_186, %get3A_57 : vector<72x256xf32>
      %convert_element_type3A_188 = arith.extui %lt3A_187 : vector<72x256xi1> to vector<72x256xi32>
      %add3A_189 = arith.addi %add3A_180, %convert_element_type3A_188 : vector<72x256xi32>
      %scan3A_190 = arith.constant 7 : i32
      %scan3A_191 = arith.addi %scan3A_129, %scan3A_190 : i32
      %get3A_192 = arith.index_cast %scan3A_191 : i32 to index
      %get3A_193 = arith.constant 0 : index
      %get3A_194 = vector.load %arg1[%get3A_192, %get3A_193] : memref<200x256xf32, #tpu.memory_space<vmem>>, vector<1x256xf32>
      %lt3A_195 = vector.broadcast %get3A_194 : vector<1x256xf32> to vector<72x256xf32>
      %lt3A_196 = arith.cmpf olt, %lt3A_195, %get3A_57 : vector<72x256xf32>
      %convert_element_type3A_197 = arith.extui %lt3A_196 : vector<72x256xi1> to vector<72x256xi32>
      %add3A_198 = arith.addi %add3A_189, %convert_element_type3A_197 : vector<72x256xi32>
      scf.yield %add3A_198 : vector<72x256xi32>
    }
    %scan3A_89 = arith.constant 56 : i32
    %swap3A_90 = arith.constant 72 : index
    %swap3A_91 = arith.constant 0 : index
    %swap3A_92 = vector.load %arg2[%swap3A_90, %swap3A_91] : memref<200x256xi32, #tpu.memory_space<vmem>>, vector<72x256xi32>
    tpu.vector_store %arg2[%swap3A_90, %swap3A_91], %scan3A_88 {strides = array<i32>} : memref<200x256xi32, #tpu.memory_space<vmem>>, vector<72x256xi32>,
    %get3A_93 = arith.constant 144 : index
    %get3A_94 = arith.constant 0 : index
    %get3A_95 = vector.load %arg1[%get3A_93, %get3A_94] : memref<200x256xf32, #tpu.memory_space<vmem>>, vector<56x256xf32>
    %get3A_96 = arith.constant 144 : index
    %get3A_97 = arith.constant 0 : index
    %get3A_98 = vector.load %arg3[%get3A_96, %get3A_97] : memref<200x256xf32, #tpu.memory_space<vmem>>, vector<56x256xf32>
    %broadcast_in_dim3A_99 = vector.shape_cast %mul3A_19 : vector<1x256xi32> to vector<1x256xi32>
    %broadcast_in_dim3A_100 = vector.broadcast %broadcast_in_dim3A_99 : vector<1x256xi32> to vector<56x256xi32>
    %scan3A_101 = arith.constant 0 : i32
    %scan3A_102 = arith.constant 144 : i32
    %scan3A_103 = arith.addi %scan3A_101, %scan3A_102 : i32
    %scan3A_104 = arith.constant 8 : i32
    %scan3A_105 = scf.for %scan3A_129 = %scan3A_101 to %scan3A_103 step %scan3A_104 iter_args(%scan3A_130 = %broadcast_in_dim3A_100) -> (vector<56x256xi32>)  : i32 {
      %get3A_131 = arith.index_cast %scan3A_129 : i32 to index
      %get3A_132 = arith.constant 0 : index
      %get3A_133 = vector.load %arg1[%get3A_131, %get3A_132] : memref<200x256xf32, #tpu.memory_space<vmem>>, vector<1x256xf32>
      %lt3A = vector.broadcast %get3A_133 : vector<1x256xf32> to vector<56x256xf32>
      %lt3A_134 = arith.cmpf olt, %lt3A, %get3A_98 : vector<56x256xf32>
      %convert_element_type3A = arith.extui %lt3A_134 : vector<56x256xi1> to vector<56x256xi32>
      %add3A_135 = arith.addi %scan3A_130, %convert_element_type3A : vector<56x256xi32>
      %scan3A_136 = arith.constant 1 : i32
      %scan3A_137 = arith.addi %scan3A_129, %scan3A_136 : i32
      %get3A_138 = arith.index_cast %scan3A_137 : i32 to index
      %get3A_139 = arith.constant 0 : index
      %get3A_140 = vector.load %arg1[%get3A_138, %get3A_139] : memref<200x256xf32, #tpu.memory_space<vmem>>, vector<1x256xf32>
      %lt3A_141 = vector.broadcast %get3A_140 : vector<1x256xf32> to vector<56x256xf32>
      %lt3A_142 = arith.cmpf olt, %lt3A_141, %get3A_98 : vector<56x256xf32>
      %convert_element_type3A_143 = arith.extui %lt3A_142 : vector<56x256xi1> to vector<56x256xi32>
      %add3A_144 = arith.addi %add3A_135, %convert_element_type3A_143 : vector<56x256xi32>
      %scan3A_145 = arith.constant 2 : i32
      %scan3A_146 = arith.addi %scan3A_129, %scan3A_145 : i32
      %get3A_147 = arith.index_cast %scan3A_146 : i32 to index
      %get3A_148 = arith.constant 0 : index
      %get3A_149 = vector.load %arg1[%get3A_147, %get3A_148] : memref<200x256xf32, #tpu.memory_space<vmem>>, vector<1x256xf32>
      %lt3A_150 = vector.broadcast %get3A_149 : vector<1x256xf32> to vector<56x256xf32>
      %lt3A_151 = arith.cmpf olt, %lt3A_150, %get3A_98 : vector<56x256xf32>
      %convert_element_type3A_152 = arith.extui %lt3A_151 : vector<56x256xi1> to vector<56x256xi32>
      %add3A_153 = arith.addi %add3A_144, %convert_element_type3A_152 : vector<56x256xi32>
      %scan3A_154 = arith.constant 3 : i32
      %scan3A_155 = arith.addi %scan3A_129, %scan3A_154 : i32
      %get3A_156 = arith.index_cast %scan3A_155 : i32 to index
      %get3A_157 = arith.constant 0 : index
      %get3A_158 = vector.load %arg1[%get3A_156, %get3A_157] : memref<200x256xf32, #tpu.memory_space<vmem>>, vector<1x256xf32>
      %lt3A_159 = vector.broadcast %get3A_158 : vector<1x256xf32> to vector<56x256xf32>
      %lt3A_160 = arith.cmpf olt, %lt3A_159, %get3A_98 : vector<56x256xf32>
      %convert_element_type3A_161 = arith.extui %lt3A_160 : vector<56x256xi1> to vector<56x256xi32>
      %add3A_162 = arith.addi %add3A_153, %convert_element_type3A_161 : vector<56x256xi32>
      %scan3A_163 = arith.constant 4 : i32
      %scan3A_164 = arith.addi %scan3A_129, %scan3A_163 : i32
      %get3A_165 = arith.index_cast %scan3A_164 : i32 to index
      %get3A_166 = arith.constant 0 : index
      %get3A_167 = vector.load %arg1[%get3A_165, %get3A_166] : memref<200x256xf32, #tpu.memory_space<vmem>>, vector<1x256xf32>
      %lt3A_168 = vector.broadcast %get3A_167 : vector<1x256xf32> to vector<56x256xf32>
      %lt3A_169 = arith.cmpf olt, %lt3A_168, %get3A_98 : vector<56x256xf32>
      %convert_element_type3A_170 = arith.extui %lt3A_169 : vector<56x256xi1> to vector<56x256xi32>
      %add3A_171 = arith.addi %add3A_162, %convert_element_type3A_170 : vector<56x256xi32>
      %scan3A_172 = arith.constant 5 : i32
      %scan3A_173 = arith.addi %scan3A_129, %scan3A_172 : i32
      %get3A_174 = arith.index_cast %scan3A_173 : i32 to index
      %get3A_175 = arith.constant 0 : index
      %get3A_176 = vector.load %arg1[%get3A_174, %get3A_175] : memref<200x256xf32, #tpu.memory_space<vmem>>, vector<1x256xf32>
      %lt3A_177 = vector.broadcast %get3A_176 : vector<1x256xf32> to vector<56x256xf32>
      %lt3A_178 = arith.cmpf olt, %lt3A_177, %get3A_98 : vector<56x256xf32>
      %convert_element_type3A_179 = arith.extui %lt3A_178 : vector<56x256xi1> to vector<56x256xi32>
      %add3A_180 = arith.addi %add3A_171, %convert_element_type3A_179 : vector<56x256xi32>
      %scan3A_181 = arith.constant 6 : i32
      %scan3A_182 = arith.addi %scan3A_129, %scan3A_181 : i32
      %get3A_183 = arith.index_cast %scan3A_182 : i32 to index
      %get3A_184 = arith.constant 0 : index
      %get3A_185 = vector.load %arg1[%get3A_183, %get3A_184] : memref<200x256xf32, #tpu.memory_space<vmem>>, vector<1x256xf32>
      %lt3A_186 = vector.broadcast %get3A_185 : vector<1x256xf32> to vector<56x256xf32>
      %lt3A_187 = arith.cmpf olt, %lt3A_186, %get3A_98 : vector<56x256xf32>
      %convert_element_type3A_188 = arith.extui %lt3A_187 : vector<56x256xi1> to vector<56x256xi32>
      %add3A_189 = arith.addi %add3A_180, %convert_element_type3A_188 : vector<56x256xi32>
      %scan3A_190 = arith.constant 7 : i32
      %scan3A_191 = arith.addi %scan3A_129, %scan3A_190 : i32
      %get3A_192 = arith.index_cast %scan3A_191 : i32 to index
      %get3A_193 = arith.constant 0 : index
      %get3A_194 = vector.load %arg1[%get3A_192, %get3A_193] : memref<200x256xf32, #tpu.memory_space<vmem>>, vector<1x256xf32>
      %lt3A_195 = vector.broadcast %get3A_194 : vector<1x256xf32> to vector<56x256xf32>
      %lt3A_196 = arith.cmpf olt, %lt3A_195, %get3A_98 : vector<56x256xf32>
      %convert_element_type3A_197 = arith.extui %lt3A_196 : vector<56x256xi1> to vector<56x256xi32>
      %add3A_198 = arith.addi %add3A_189, %convert_element_type3A_197 : vector<56x256xi32>
      scf.yield %add3A_198 : vector<56x256xi32>
    }
    %scan3A_106 = arith.constant 144 : i32
    %swap3A_107 = arith.constant 0 : index
    %swap3A_108 = arith.constant 0 : index
    %swap3A_109 = vector.load %arg4[%swap3A_107, %swap3A_108] : memref<80x256xf32, #tpu.memory_space<vmem>>, vector<56x256xf32>
    tpu.vector_store %arg4[%swap3A_107, %swap3A_108], %get3A_98 {strides = array<i32>} : memref<80x256xf32, #tpu.memory_space<vmem>>, vector<56x256xf32>,
    %get3A_110 = arith.constant 144 : index
    %get3A_111 = arith.constant 0 : index
    %get3A_112 = vector.load %arg1[%get3A_110, %get3A_111] : memref<200x256xf32, #tpu.memory_space<vmem>>, vector<1x256xf32>
    %swap3A_113 = arith.constant 0 : index
    %swap3A_114 = arith.constant 0 : index
    %swap3A_115 = vector.load %arg4[%swap3A_113, %swap3A_114] : memref<80x256xf32, #tpu.memory_space<vmem>>, vector<1x256xf32>
    tpu.vector_store %arg4[%swap3A_113, %swap3A_114], %get3A_112 {strides = array<i32>} : memref<80x256xf32, #tpu.memory_space<vmem>>, vector<1x256xf32>,
    %scan3A_116 = arith.constant 144 : i32
    %scan3A_117 = arith.constant 56 : i32
    %scan3A_118 = arith.addi %scan3A_116, %scan3A_117 : i32
    %scan3A_119 = arith.constant 4 : i32
    %scan3A_120 = scf.for %scan3A_129 = %scan3A_116 to %scan3A_118 step %scan3A_119 iter_args(%scan3A_130 = %scan3A_105) -> (vector<56x256xi32>)  : i32 {
      %get3A_131 = arith.index_cast %scan3A_129 : i32 to index
      %get3A_132 = arith.constant 0 : index
      %get3A_133 = vector.load %arg1[%get3A_131, %get3A_132] : memref<200x256xf32, #tpu.memory_space<vmem>>, vector<1x256xf32>
      %get3A_134 = arith.constant 0 : index
      %get3A_135 = arith.constant 0 : index
      %get3A_136 = vector.load %arg4[%get3A_134, %get3A_135] : memref<80x256xf32, #tpu.memory_space<vmem>>, vector<56x256xf32>
      %lt3A = vector.broadcast %get3A_133 : vector<1x256xf32> to vector<56x256xf32>
      %lt3A_137 = arith.cmpf olt, %lt3A, %get3A_136 : vector<56x256xf32>
      %convert_element_type3A = arith.extui %lt3A_137 : vector<56x256xi1> to vector<56x256xi32>
      %add3A_138 = arith.addi %scan3A_130, %convert_element_type3A : vector<56x256xi32>
      %add3A_139 = arith.constant 1 : i32
      %add3A_140 = arith.addi %scan3A_129, %add3A_139 : i32
      %min3A = arith.constant 199 : i32
      %min3A_141 = arith.minsi %add3A_140, %min3A : i32
      %get3A_142 = arith.index_cast %min3A_141 : i32 to index
      %get3A_143 = arith.constant 0 : index
      %get3A_144 = vector.load %arg1[%get3A_142, %get3A_143] : memref<200x256xf32, #tpu.memory_space<vmem>>, vector<1x256xf32>
      %sub3A = arith.constant 144 : i32
      %sub3A_145 = arith.subi %scan3A_129, %sub3A : i32
      %add3A_146 = arith.constant 1 : i32
      %add3A_147 = arith.addi %sub3A_145, %add3A_146 : i32
      %swap3A_148 = arith.index_cast %add3A_147 : i32 to index
      %swap3A_149 = arith.constant 0 : index
      %swap3A_150 = vector.load %arg4[%swap3A_148, %swap3A_149] : memref<80x256xf32, #tpu.memory_space<vmem>>, vector<1x256xf32>
      tpu.vector_store %arg4[%swap3A_148, %swap3A_149], %get3A_144 {strides = array<i32>} : memref<80x256xf32, #tpu.memory_space<vmem>>, vector<1x256xf32>,
      %scan3A_151 = arith.constant 1 : i32
      %scan3A_152 = arith.addi %scan3A_129, %scan3A_151 : i32
      %get3A_153 = arith.index_cast %scan3A_152 : i32 to index
      %get3A_154 = arith.constant 0 : index
      %get3A_155 = vector.load %arg1[%get3A_153, %get3A_154] : memref<200x256xf32, #tpu.memory_space<vmem>>, vector<1x256xf32>
      %get3A_156 = arith.constant 0 : index
      %get3A_157 = arith.constant 0 : index
      %get3A_158 = vector.load %arg4[%get3A_156, %get3A_157] : memref<80x256xf32, #tpu.memory_space<vmem>>, vector<56x256xf32>
      %lt3A_159 = vector.broadcast %get3A_155 : vector<1x256xf32> to vector<56x256xf32>
      %lt3A_160 = arith.cmpf olt, %lt3A_159, %get3A_158 : vector<56x256xf32>
      %convert_element_type3A_161 = arith.extui %lt3A_160 : vector<56x256xi1> to vector<56x256xi32>
      %add3A_162 = arith.addi %add3A_138, %convert_element_type3A_161 : vector<56x256xi32>
      %add3A_163 = arith.constant 1 : i32
      %add3A_164 = arith.addi %scan3A_152, %add3A_163 : i32
      %min3A_165 = arith.constant 199 : i32
      %min3A_166 = arith.minsi %add3A_164, %min3A_165 : i32
      %get3A_167 = arith.index_cast %min3A_166 : i32 to index
      %get3A_168 = arith.constant 0 : index
      %get3A_169 = vector.load %arg1[%get3A_167, %get3A_168] : memref<200x256xf32, #tpu.memory_space<vmem>>, vector<1x256xf32>
      %sub3A_170 = arith.constant 144 : i32
      %sub3A_171 = arith.subi %scan3A_152, %sub3A_170 : i32
      %add3A_172 = arith.constant 1 : i32
      %add3A_173 = arith.addi %sub3A_171, %add3A_172 : i32
      %swap3A_174 = arith.index_cast %add3A_173 : i32 to index
      %swap3A_175 = arith.constant 0 : index
      %swap3A_176 = vector.load %arg4[%swap3A_174, %swap3A_175] : memref<80x256xf32, #tpu.memory_space<vmem>>, vector<1x256xf32>
      tpu.vector_store %arg4[%swap3A_174, %swap3A_175], %get3A_169 {strides = array<i32>} : memref<80x256xf32, #tpu.memory_space<vmem>>, vector<1x256xf32>,
      %scan3A_177 = arith.constant 2 : i32
      %scan3A_178 = arith.addi %scan3A_129, %scan3A_177 : i32
      %get3A_179 = arith.index_cast %scan3A_178 : i32 to index
      %get3A_180 = arith.constant 0 : index
      %get3A_181 = vector.load %arg1[%get3A_179, %get3A_180] : memref<200x256xf32, #tpu.memory_space<vmem>>, vector<1x256xf32>
      %get3A_182 = arith.constant 0 : index
      %get3A_183 = arith.constant 0 : index
      %get3A_184 = vector.load %arg4[%get3A_182, %get3A_183] : memref<80x256xf32, #tpu.memory_space<vmem>>, vector<56x256xf32>
      %lt3A_185 = vector.broadcast %get3A_181 : vector<1x256xf32> to vector<56x256xf32>
      %lt3A_186 = arith.cmpf olt, %lt3A_185, %get3A_184 : vector<56x256xf32>
      %convert_element_type3A_187 = arith.extui %lt3A_186 : vector<56x256xi1> to vector<56x256xi32>
      %add3A_188 = arith.addi %add3A_162, %convert_element_type3A_187 : vector<56x256xi32>
      %add3A_189 = arith.constant 1 : i32
      %add3A_190 = arith.addi %scan3A_178, %add3A_189 : i32
      %min3A_191 = arith.constant 199 : i32
      %min3A_192 = arith.minsi %add3A_190, %min3A_191 : i32
      %get3A_193 = arith.index_cast %min3A_192 : i32 to index
      %get3A_194 = arith.constant 0 : index
      %get3A_195 = vector.load %arg1[%get3A_193, %get3A_194] : memref<200x256xf32, #tpu.memory_space<vmem>>, vector<1x256xf32>
      %sub3A_196 = arith.constant 144 : i32
      %sub3A_197 = arith.subi %scan3A_178, %sub3A_196 : i32
      %add3A_198 = arith.constant 1 : i32
      %add3A_199 = arith.addi %sub3A_197, %add3A_198 : i32
      %swap3A_200 = arith.index_cast %add3A_199 : i32 to index
      %swap3A_201 = arith.constant 0 : index
      %swap3A_202 = vector.load %arg4[%swap3A_200, %swap3A_201] : memref<80x256xf32, #tpu.memory_space<vmem>>, vector<1x256xf32>
      tpu.vector_store %arg4[%swap3A_200, %swap3A_201], %get3A_195 {strides = array<i32>} : memref<80x256xf32, #tpu.memory_space<vmem>>, vector<1x256xf32>,
      %scan3A_203 = arith.constant 3 : i32
      %scan3A_204 = arith.addi %scan3A_129, %scan3A_203 : i32
      %get3A_205 = arith.index_cast %scan3A_204 : i32 to index
      %get3A_206 = arith.constant 0 : index
      %get3A_207 = vector.load %arg1[%get3A_205, %get3A_206] : memref<200x256xf32, #tpu.memory_space<vmem>>, vector<1x256xf32>
      %get3A_208 = arith.constant 0 : index
      %get3A_209 = arith.constant 0 : index
      %get3A_210 = vector.load %arg4[%get3A_208, %get3A_209] : memref<80x256xf32, #tpu.memory_space<vmem>>, vector<56x256xf32>
      %lt3A_211 = vector.broadcast %get3A_207 : vector<1x256xf32> to vector<56x256xf32>
      %lt3A_212 = arith.cmpf olt, %lt3A_211, %get3A_210 : vector<56x256xf32>
      %convert_element_type3A_213 = arith.extui %lt3A_212 : vector<56x256xi1> to vector<56x256xi32>
      %add3A_214 = arith.addi %add3A_188, %convert_element_type3A_213 : vector<56x256xi32>
      %add3A_215 = arith.constant 1 : i32
      %add3A_216 = arith.addi %scan3A_204, %add3A_215 : i32
      %min3A_217 = arith.constant 199 : i32
      %min3A_218 = arith.minsi %add3A_216, %min3A_217 : i32
      %get3A_219 = arith.index_cast %min3A_218 : i32 to index
      %get3A_220 = arith.constant 0 : index
      %get3A_221 = vector.load %arg1[%get3A_219, %get3A_220] : memref<200x256xf32, #tpu.memory_space<vmem>>, vector<1x256xf32>
      %sub3A_222 = arith.constant 144 : i32
      %sub3A_223 = arith.subi %scan3A_204, %sub3A_222 : i32
      %add3A_224 = arith.constant 1 : i32
      %add3A_225 = arith.addi %sub3A_223, %add3A_224 : i32
      %swap3A_226 = arith.index_cast %add3A_225 : i32 to index
      %swap3A_227 = arith.constant 0 : index
      %swap3A_228 = vector.load %arg4[%swap3A_226, %swap3A_227] : memref<80x256xf32, #tpu.memory_space<vmem>>, vector<1x256xf32>
      tpu.vector_store %arg4[%swap3A_226, %swap3A_227], %get3A_221 {strides = array<i32>} : memref<80x256xf32, #tpu.memory_space<vmem>>, vector<1x256xf32>,
      scf.yield %add3A_214 : vector<56x256xi32>
    }
    %scan3A_121 = arith.constant 56 : i32
    %scan3A_122 = arith.constant 200 : i32
    %scan3A_123 = arith.constant 0 : i32
    %scan3A_124 = arith.addi %scan3A_122, %scan3A_123 : i32
    %scan3A_125 = arith.constant 0 : i32
    %swap3A_126 = arith.constant 144 : index
    %swap3A_127 = arith.constant 0 : index
    %swap3A_128 = vector.load %arg2[%swap3A_126, %swap3A_127] : memref<200x256xi32, #tpu.memory_space<vmem>>, vector<56x256xi32>
    tpu.vector_store %arg2[%swap3A_126, %swap3A_127], %scan3A_120 {strides = array<i32>} : memref<200x256xi32, #tpu.memory_space<vmem>>, vector<56x256xi32>,
    return
  }
  func.func @transform_0(%arg0: i32) -> (i32, i32) {
    %add3A = arith.constant 1 : i32
    %add3A_0 = arith.addi %add3A, %arg0 : i32
    %c0_i32 = arith.constant 0 : i32
    %c0_i32_1 = arith.constant 0 : i32
    return %c0_i32, %add3A_0 : i32, i32
  }
  func.func @transform_1(%arg0: i32) -> (i32, i32) {
    %c0_i32 = arith.constant 0 : i32
    %c0_i32_0 = arith.constant 0 : i32
    return %c0_i32, %arg0 : i32, i32
  }
}

</mosaic_0001>

<sc_bundles>
// kernel: kernel.6.cloned.1.call-start
scs
__scs_entry_jumppad:
0x0: {  	(pc) =	sbr.rel $0x88, $3  }
0x1: {  	(tag) =	ssettag $0x0;
	lr =	simm.s32 $0x1  }
0x2: {  	[smem:$0x3F9F] =	sst lr;
	_ =	strace $0xD0000000  }
0x3: {  	_ = 	snop  }
0x4: {  	_ = 	snop  }
0x5: {  	_ = 	snop  }
0x6: {  	_ = 	snop  }
0x7: {  	_ = 	snop  }
__scs_overlays_trampoline_lowered:
0x8: {  	[smem:$0x3FAE] =	sst s0  }
0x9: {  	[smem:$0x3FAF] =	sst s1  }
0xa: {  	[smem:$0x3FB0] =	sst s2  }
0xb: {  	[smem:$0x3FB1] =	sst s3  }
0xc: {  	[smem:$0x3FB2] =	sst s4  }
0xd: {  	[smem:$0x3FB3] =	sst s5  }
0xe: {  	[smem:$0x3FB4] =	sst s6  }
0xf: {  	[smem:$0x3FB5] =	sst s7  }
0x10: {  	[smem:$0x3FB6] =	sst s8  }
0x11: {  	[smem:$0x3FB7] =	sst s9;
	s0 =	simm.s32 @!p0 $0x0  }
0x12: {  	s1 =	sld [smem:$0x3F9D];
	s0 =	simm.s32 @p0 $0x1  }
0x13: {  	[smem:$0x3FB8] =	sst s0;
	s0 =	simm.s32 @!p1 $0x0  }
0x14: {  	s2 =	sld [smem:$0x3F9C];
	s0 =	simm.s32 @p1 $0x1  }
0x15: {  	[smem:$0x3FB9] =	sst s0;
	s0 =	simm.s32 @!p2 $0x0  }
0x16: {  	s3 =	sld [smem:$0x3FDB];
	s0 =	simm.s32 @p2 $0x1  }
0x17: {  	s4 =	simm.s32 $0x1BF5;
	[smem:$0x3FBB] =	sst s0  }
0x18: {  	s0 =	sld [smem:$0x3F9E];
	_ =	swait.ge [sflag:s4], $0x0  }
0x19: {  	s7 =	sld [smem:$0x3F9F]  }
0x1a: {  	s8 =	sadd.s32 $0xFFFFE003, lr  }
0x1b: {  	s9 =	sadd.s32 $0xFFFFFEF7, lr;
	s5 =	simm.s32 $0xFFFFFFFF;
	p2 =	slt.u32 s8, $0xFFFFF086  }
0x1c: {  	p1 =	slt.u32 s9, $0xF7A;
	s5 =	simm.s32 @!p2 $0x0  }
0x1d: {  	s5 =	simm.s32 @p1 $0x1;
	p0 =	seq.s32 s7, s2  }
0x1e: {  	s7 =	smul.u32 @!p0 $0xF7A, s2;
	p2 =	seq.s32 @!p0 s5, $0x0  }
0x1f: {  	s9 =	smul.u32 $0xF7A, s1;
	s8 =	simm.s32 @!p0 $0x1BF5;
	p2 =	por !p2, p0  }
0x20: {  	[sflag:s8] =	ssyncset.s32 @!p0 $0xFFFFF086;
	s6 =	sadd.s32 @!p0 s3, s7;
	s7 =	simm.s32 @!p0 $0x108  }
0x21: {  	s3 =	sadd.s32 s3, s9;
	s6 =	sadd.s32 @!p0 $0x88, s6;
	s7 =	simm.s32 @p2 $0x1082  }
0x22: {  	[simem:s7], [sflag:s8] =	dma.local @!p0 [hbm:s6], $0xF7A  }
0x23: {  	s9 =	sor.u32 $0xD0000000, s2;
	s6 =	simm.s32 $0x108;
	_ =	swait.ge @!p0 [sflag:s8], $0x0  }
0x24: {  	s3 =	sadd.s32 $0x88, s3;
	s6 =	simm.s32 @!p1 $0x1082;
	[sflag:s4] =	ssyncset.s32 $0xFFFFF086  }
0x25: {  	[simem:s6], [sflag:s4] =	dma.local [hbm:s3], $0xF7A  }
0x26: {  	[smem:$0x3F9F] =	sst s1;
	(tag) =	ssettag s2;
	_ =	strace s9  }
0x27: {  	s1 =	sld [smem:$0x3FAF]  }
0x28: {  	s2 =	sld [smem:$0x3FB0]  }
0x29: {  	s4 =	sld [smem:$0x3FB2]  }
0x2a: {  	p0 =	seq.s32 s5, $0x0;
	s5 =	sld [smem:$0x3FB3]  }
0x2b: {  	s6 =	sld [smem:$0x3FB4]  }
0x2c: {  	s7 =	sld [smem:$0x3FB5]  }
0x2d: {  	s3 =	simm.s32 $0x108;
	s8 =	sld [smem:$0x3FB6]  }
0x2e: {  	s3 =	simm.s32 @!p0 $0x1082;
	s9 =	sld [smem:$0x3FB7]  }
0x2f: {  	lr =	sadd.s32 s0, s3;
	s0 =	sld [smem:$0x3FAE]  }
0x30: {  	s3 =	sld [smem:$0x3FB1]  }
0x31: {  	[smem:$0x3FBA] =	sst s10  }
0x32: {  	s10 =	sld [smem:$0x3FB8];
	_ =	sdelay $0x3  }
0x33: {  	p0 =	seq.s32 s10, $0x1;
	s10 =	sld [smem:$0x3FBA];
	_ =	sdelay $0x3  }
0x34: {  	[smem:$0x3FBA] =	sst s10  }
0x35: {  	s10 =	sld [smem:$0x3FB9];
	_ =	sdelay $0x3  }
0x36: {  	p1 =	seq.s32 s10, $0x1;
	s10 =	sld [smem:$0x3FBA];
	_ =	sdelay $0x3  }
0x37: {  	[smem:$0x3FBA] =	sst s10  }
0x38: {  	s10 =	sld [smem:$0x3FBB]  }
0x39: {  	_ = 	snop;
	(pc) =	sbr.ind lr, $3  }
0x3a: {  	_ = 	snop  }
0x3b: {  	_ = 	snop  }
0x3c: {  	p2 =	seq.s32 s10, $0x1;
	s10 =	sld [smem:$0x3FBA]  }
0x3d: {  	_ =	shalt  }
0x3e: {  	_ =	shalt  }
0x3f: {  	_ =	shalt  }
0x40: {  	_ =	shalt  }
0x41: {  	_ =	shalt  }
0x42: {  	_ =	shalt  }
0x43: {  	_ =	shalt  }
0x44: {  	_ =	shalt  }
0x45: {  	_ =	shalt  }
0x46: {  	_ =	shalt  }
0x47: {  	_ =	shalt  }
0x48: {  	_ =	shalt  }
0x49: {  	_ =	shalt  }
0x4a: {  	_ =	shalt  }
0x4b: {  	_ =	shalt  }
0x4c: {  	_ =	shalt  }
0x4d: {  	_ =	shalt  }
0x4e: {  	_ =	shalt  }
0x4f: {  	_ =	shalt  }
0x50: {  	_ =	shalt  }
0x51: {  	_ =	shalt  }
0x52: {  	_ =	shalt  }
0x53: {  	_ =	shalt  }
0x54: {  	_ =	shalt  }
0x55: {  	_ =	shalt  }
0x56: {  	_ =	shalt  }
0x57: {  	_ =	shalt  }
0x58: {  	_ =	shalt  }
0x59: {  	_ =	shalt  }
0x5a: {  	_ =	shalt  }
0x5b: {  	_ =	shalt  }
0x5c: {  	_ =	shalt  }
0x5d: {  	_ =	shalt  }
0x5e: {  	_ =	shalt  }
0x5f: {  	_ =	shalt  }
0x60: {  	_ =	shalt  }
0x61: {  	_ =	shalt  }
0x62: {  	_ =	shalt  }
0x63: {  	_ =	shalt  }
0x64: {  	_ =	shalt  }
0x65: {  	_ =	shalt  }
0x66: {  	_ =	shalt  }
0x67: {  	_ =	shalt  }
0x68: {  	_ =	shalt  }
0x69: {  	_ =	shalt  }
0x6a: {  	_ =	shalt  }
0x6b: {  	_ =	shalt  }
0x6c: {  	_ =	shalt  }
0x6d: {  	_ =	shalt  }
0x6e: {  	_ =	shalt  }
0x6f: {  	_ =	shalt  }
0x70: {  	_ =	shalt  }
0x71: {  	_ =	shalt  }
0x72: {  	_ =	shalt  }
0x73: {  	_ =	shalt  }
0x74: {  	_ =	shalt  }
0x75: {  	_ =	shalt  }
0x76: {  	_ =	shalt  }
0x77: {  	_ =	shalt  }
0x78: {  	_ =	shalt  }
0x79: {  	_ =	shalt  }
0x7a: {  	_ =	shalt  }
0x7b: {  	_ =	shalt  }
0x7c: {  	_ =	shalt  }
0x7d: {  	_ =	shalt  }
0x7e: {  	_ =	shalt  }
0x7f: {  	_ =	shalt  }
0x80: {  	_ =	shalt  }
0x81: {  	_ =	shalt  }
0x82: {  	_ =	shalt  }
0x83: {  	_ =	shalt  }
0x84: {  	_ =	shalt  }
0x85: {  	_ =	shalt  }
0x86: {  	_ =	shalt  }
0x87: {  	_ =	shalt  }
.Lfunc_end0:
.L_simem_size_0:
called_computation_lowered:
.L_overlay_start_0:
0x88: {  	s2 =	sld [smem:$0x3FD9]  }
0x89: {  	s3 =	sld [smem:$0x3FFE];
	_ =	sdelay $0x1  }
0x8a: {  	s1 =	srdreg.scid  }
0x8b: {  	s0 =	sand.u32 $0x1, s1  }
0x8c: {  	s17 =	sshll.u32 s0, $0xA;
	s2 =	sadd.s32 s3, s2  }
0x8d: {  	s2 =	sadd.s32 s2, s17  }
0x8e: {  	[smem:$0x3FC6] =	sst s2  }
0x8f: {  	_ = 	snop  }
0x90: {  	s2 =	sld [smem:$0x3FC8]  }
0x91: {  	s18 =	sld [smem:$0x3FD0];
	(tm) =	ssettm $0x1  }
0x92: {  	s4 =	sld [smem:$0x3FFB];
	_ =	sdelay $0x3  }
0x93: {  	_ =	strace s4  }
0x94: {  	s4 =	sld [smem:$0x3FFC];
	_ =	sdelay $0x3  }
0x95: {  	_ =	strace s4  }
0x96: {  	s4 =	sld [smem:$0x3FFD];
	_ =	sdelay $0x3  }
0x97: {  	_ =	strace s4  }
0x98: {  	_ =	strace $0x8FFFFFFF  }
0x99: {  	s19 =	sld [smem:$0x3FDB];
	_ =	sdelay $0x1  }
0x9a: {  	s5 =	simm.s32 $_scs_section_size  }
0x9b: {  	s6 =	simm.s32 $_size__tile_overlayer_lowered;
	s7 =	simm.s32 $_tile_overlayer_lowered  }
0x9c: {  	s22 =	simm.s32 $0x1BFF;
	s21 =	sshll.u32 s7, $0x1;
	s4 =	sadd.s32 s5, s19  }
0x9d: {  	s8 =	simm.s32 $0x0;
	s20 =	sshll.u32 s6, $0x1;
	s6 =	sadd.s32 s21, s4  }
0x9e: {  	[timem:s8], [sflag:s22] =	dma.local [hbm:s6], s20  }
0x9f: {  	_ =	swait.ge [sflag:s22], s20  }
0xa0: {  	s5 =	ssub.s32 $0x0, s20;
	[sflag:s22] =	ssyncset.done $0x0  }
0xa1: {  	[sflag:s22] =	ssyncadd.s32 s5;
	_ =	sdelay $0x1  }
0xa2: {  	s23 =	simm.s32 $0x1B8B  }
0xa3: {  	_ =	swait.ge [sflag:s23], $0x1  }
0xa4: {  	[sflag:s23] =	ssyncset.done $0x0  }
0xa5: {  	s25 =	simm.s32 $0x1B8E;
	s24 =	sld [smem:$0x3FFE];
	[sflag:s23] =	ssyncadd.s32 $0xFFFFFFFF  }
0xa6: {  	s26 =	simm.s32 $execute0_lowered;
	[smem:$0x3FD2] =	sst s25  }
0xa7: {  	s6 =	sshll.u32 s26, $0x1;
	_ =	strace $0x80000046;
	[dreg:$0x1] =	wrdreg $0xFFFFFFFF  }
0xa8: {  	s28 =	simm.s32 $_size_execute0_lowered;
	s4 =	sadd.s32 s4, s6;
	[dreg:$0x0] =	wrdreg $0x0  }
0xa9: {  	s6 =	sshll.u32 s28, $0x1;
	[dreg:$0x2] =	wrdreg s4  }
0xaa: {  	[dreg:$0x3] =	wrdreg s6  }
0xab: {  	[dreg:$0x4] =	wrdreg $0xC0  }
0xac: {  	_ =	task [dreg:s8], $0x5FFFF  }
0xad: {  	[dreg:$0x1] =	wrdreg $0xFFFFFFFF  }
0xae: {  	[dreg:$0x0] =	wrdreg $0x60  }
0xaf: {  	[dreg:$0x2] =	wrdreg s2  }
0xb0: {  	[dreg:$0x3] =	wrdreg s24  }
0xb1: {  	[dreg:$0x4] =	wrdreg s18  }
0xb2: {  	[dreg:$0x5] =	wrdreg $0x9  }
0xb3: {  	_ =	task.clear_ibuf [dreg:s8], $0x6FFFF;
	_ =	strace $0x90000046  }
0xb4: {  	s29 =	simm.s32 $0x9;
	_ =	strace $0x80000048  }
0xb5: {  	_ =	swait.ge [sflag:s29], $0x1  }
0xb6: {  	[sflag:s29] =	ssyncadd.s32 $0xFFFFFFFF  }
0xb7: {  	_ =	strace $0x90000048  }
0xb8: {  	_ =	sfence  }
0xb9: {  	s30 =	sld [smem:$0x0];
	_ =	sdelay $0x2  }
0xba: {  	s31 =	sshll.u32 s1, $0xD;
	s1 =	sshrl.u32 s1, $0x2  }
0xbb: {  	s3 =	sand.u32 $0x4000, s31;
	s1 =	sadd.s32 s1, s30  }
0xbc: {  	s0 =	sor.u32 s3, s0;
	s1 =	sshll.u32 s1, $0x11  }
0xbd: {  	s0 =	sor.u32 s1, s0  }
0xbe: {  	s0 =	sadd.s32 $0x8F2B, s0  }
0xbf: {  	[sflag:s0] =	ssyncadd.remote.s32 $0x1  }
0xc0: {  	_ =	sfence.sel $0xFFFF  }
0xc1: {  	[dreg:$0x0] =	wrdreg $0xFFFFFFFF;
	(pc) =	sbr.abs _section_cstart, $3  }
0xc2: {  	[dreg:$0x1] =	wrdreg $0xFFFFFFFF  }
0xc3: {  	_ =	task.clear_ibuf [dreg:s8], $0x2FFFF;
	_ =	strace $0x9FFFFFFF  }
0xc4: {  	(tm) =	ssettm $0x7FFFFFFF  }
0xc5: {  	_ =	shalt  }
tec
execute0_lowered:
.L_overlay_start_1:
0x0: {  	(tag) =	ssettag $0x1  }
0x1: {  	s1 =	rddreg [dreg:$0x0]  }
0x2: {  	s6 =	rddreg [dreg:$0x1]  }
0x3: {  	s2 =	rddreg [dreg:$0x2]  }
0x4: {  	s0 =	rddreg [dreg:$0x3];
	s3 =	simm.s32 $0x0;
	s4 =	srdreg.scid  }
0x5: {  	s5 =	simm.s32 $0x2;
	[smem:$0x7FF] =	sst s3;
	s26 =	sand.u32 $0x1, s4  }
0x6: {  	s4 =	stileid.u32;
	_ =	strace $0x80000047;
	s7 =	sshll.u32 s26, $0x8  }
0x7: {  	[tilespmem:s3], [sflag:$0x2] =	stream.linear.gather [hbm4b:s1+s3], $0x6400, $0x38;
	[tilespmem:$0x6C00] =	vst v63  }
0x8: {  	s31 =	sshll.u32 s4, $0x9;
	s6 =	sadd.s32 s7, s6;
	_ =	swait.ge [sflag:s5], $0x6400  }
0x9: {  	s6 =	sadd.s32 s31, s6;
	[sflag:s5] =	ssyncset.done $0x0  }
0xa: {  	s7 =	simm.s32 $0x6400;
	s6 =	sadd.s32 $0xA00, s6;
	[sflag:s5] =	ssyncadd.s32 $0xFFFF9C00  }
0xb: {  	[tilespmem:s7], [sflag:$0x2] =	stream.linear.gather [hbm4b:s6+s3], $0x800, $0x38;
	[tilespmem:$0x6C00] =	vst v63  }
0xc: {  	_ =	swait.ge [sflag:s5], $0x800  }
0xd: {  	[sflag:s5] =	ssyncset.done $0x0  }
0xe: {  	s8 =	simm.s32 $0x64;
	[sflag:s5] =	ssyncadd.s32 $0xFFFFF800  }
0xf: {  	[hbm4b:s2+s8] =	stream.indirect.scatter [tilespmem:s3], [sflag:$0x1], $0x80, s7, s8, $0xb8;
	[tilespmem:$0x6C00] =	vst v63  }
0x10: {  	s9 =	simm.s32 $0x6480;
	s10 =	simm.s32 $0x3200  }
0x11: {  	[hbm4b:s2+s8] =	stream.indirect.scatter [tilespmem:s10], [sflag:$0x1], $0x80, s9, s8, $0xb8;
	[tilespmem:$0x6C00] =	vst v63  }
0x12: {  	s11 =	simm.s32 $0x6500  }
0x13: {  	[hbm4b:s2+s8] =	stream.indirect.scatter [tilespmem:s3], [sflag:$0x1], $0x80, s11, s8, $0xb8;
	[tilespmem:$0x6C00] =	vst v63  }
0x14: {  	s12 =	simm.s32 $0x6580  }
0x15: {  	[hbm4b:s2+s8] =	stream.indirect.scatter [tilespmem:s10], [sflag:$0x1], $0x80, s12, s8, $0xb8;
	[tilespmem:$0x6C00] =	vst v63  }
0x16: {  	s13 =	simm.s32 $0x6600  }
0x17: {  	[hbm4b:s2+s8] =	stream.indirect.scatter [tilespmem:s3], [sflag:$0x1], $0x80, s13, s8, $0xb8;
	[tilespmem:$0x6C00] =	vst v63  }
0x18: {  	s14 =	simm.s32 $0x6680  }
0x19: {  	[hbm4b:s2+s8] =	stream.indirect.scatter [tilespmem:s10], [sflag:$0x1], $0x80, s14, s8, $0xb8;
	[tilespmem:$0x6C00] =	vst v63  }
0x1a: {  	s15 =	simm.s32 $0x6700  }
0x1b: {  	[hbm4b:s2+s8] =	stream.indirect.scatter [tilespmem:s3], [sflag:$0x1], $0x80, s15, s8, $0xb8;
	[tilespmem:$0x6C00] =	vst v63  }
0x1c: {  	s16 =	simm.s32 $0x6780  }
0x1d: {  	[hbm4b:s2+s8] =	stream.indirect.scatter [tilespmem:s10], [sflag:$0x1], $0x80, s16, s8, $0xb8;
	[tilespmem:$0x6C00] =	vst v63  }
0x1e: {  	s17 =	simm.s32 $0x6800  }
0x1f: {  	[hbm4b:s2+s8] =	stream.indirect.scatter [tilespmem:s3], [sflag:$0x1], $0x80, s17, s8, $0xb8;
	[tilespmem:$0x6C00] =	vst v63  }
0x20: {  	s18 =	simm.s32 $0x6880  }
0x21: {  	[hbm4b:s2+s8] =	stream.indirect.scatter [tilespmem:s10], [sflag:$0x1], $0x80, s18, s8, $0xb8;
	[tilespmem:$0x6C00] =	vst v63  }
0x22: {  	s19 =	simm.s32 $0x6900  }
0x23: {  	[hbm4b:s2+s8] =	stream.indirect.scatter [tilespmem:s3], [sflag:$0x1], $0x80, s19, s8, $0xb8;
	[tilespmem:$0x6C00] =	vst v63  }
0x24: {  	s20 =	simm.s32 $0x6980  }
0x25: {  	[hbm4b:s2+s8] =	stream.indirect.scatter [tilespmem:s10], [sflag:$0x1], $0x80, s20, s8, $0xb8;
	[tilespmem:$0x6C00] =	vst v63  }
0x26: {  	s21 =	simm.s32 $0x6A00  }
0x27: {  	[hbm4b:s2+s8] =	stream.indirect.scatter [tilespmem:s3], [sflag:$0x1], $0x80, s21, s8, $0xb8;
	[tilespmem:$0x6C00] =	vst v63  }
0x28: {  	s22 =	simm.s32 $0x6A80  }
0x29: {  	[hbm4b:s2+s8] =	stream.indirect.scatter [tilespmem:s10], [sflag:$0x1], $0x80, s22, s8, $0xb8;
	[tilespmem:$0x6C00] =	vst v63  }
0x2a: {  	s23 =	simm.s32 $0x6B00  }
0x2b: {  	[hbm4b:s2+s8] =	stream.indirect.scatter [tilespmem:s3], [sflag:$0x1], $0x80, s23, s8, $0xb8;
	[tilespmem:$0x6C00] =	vst v63  }
0x2c: {  	s24 =	simm.s32 $0x6B80;
	s25 =	simm.s32 $0x1  }
0x2d: {  	[hbm4b:s2+s8] =	stream.indirect.scatter [tilespmem:s10], [sflag:$0x1], $0x80, s24, s8, $0xb8;
	[tilespmem:$0x6C00] =	vst v63  }
0x2e: {  	_ =	swait.ge [sflag:s25], $0x3200  }
0x2f: {  	[sflag:s25] =	ssyncset.done $0x0  }
0x30: {  	[sflag:s25] =	ssyncadd.s32 $0xFFFFCE00  }
0x31: {  	_ =	swait.ge [sflag:s25], $0x3200  }
0x32: {  	[sflag:s25] =	ssyncset.done $0x0  }
0x33: {  	[sflag:s25] =	ssyncadd.s32 $0xFFFFCE00  }
0x34: {  	_ =	swait.ge [sflag:s25], $0x3200  }
0x35: {  	[sflag:s25] =	ssyncset.done $0x0  }
0x36: {  	[sflag:s25] =	ssyncadd.s32 $0xFFFFCE00  }
0x37: {  	_ =	swait.ge [sflag:s25], $0x3200  }
0x38: {  	[sflag:s25] =	ssyncset.done $0x0  }
0x39: {  	[sflag:s25] =	ssyncadd.s32 $0xFFFFCE00  }
0x3a: {  	_ =	swait.ge [sflag:s25], $0x3200  }
0x3b: {  	[sflag:s25] =	ssyncset.done $0x0  }
0x3c: {  	[sflag:s25] =	ssyncadd.s32 $0xFFFFCE00  }
0x3d: {  	_ =	swait.ge [sflag:s25], $0x3200  }
0x3e: {  	[sflag:s25] =	ssyncset.done $0x0  }
0x3f: {  	[sflag:s25] =	ssyncadd.s32 $0xFFFFCE00  }
0x40: {  	_ =	swait.ge [sflag:s25], $0x3200  }
0x41: {  	[sflag:s25] =	ssyncset.done $0x0  }
0x42: {  	[sflag:s25] =	ssyncadd.s32 $0xFFFFCE00  }
0x43: {  	_ =	swait.ge [sflag:s25], $0x3200  }
0x44: {  	[sflag:s25] =	ssyncset.done $0x0  }
0x45: {  	[sflag:s25] =	ssyncadd.s32 $0xFFFFCE00  }
0x46: {  	_ =	swait.ge [sflag:s25], $0x3200  }
0x47: {  	[sflag:s25] =	ssyncset.done $0x0  }
0x48: {  	[sflag:s25] =	ssyncadd.s32 $0xFFFFCE00  }
0x49: {  	_ =	swait.ge [sflag:s25], $0x3200  }
0x4a: {  	[sflag:s25] =	ssyncset.done $0x0  }
0x4b: {  	[sflag:s25] =	ssyncadd.s32 $0xFFFFCE00  }
0x4c: {  	_ =	swait.ge [sflag:s25], $0x3200  }
0x4d: {  	[sflag:s25] =	ssyncset.done $0x0  }
0x4e: {  	[sflag:s25] =	ssyncadd.s32 $0xFFFFCE00  }
0x4f: {  	_ =	swait.ge [sflag:s25], $0x3200  }
0x50: {  	[sflag:s25] =	ssyncset.done $0x0  }
0x51: {  	[sflag:s25] =	ssyncadd.s32 $0xFFFFCE00  }
0x52: {  	_ =	swait.ge [sflag:s25], $0x3200  }
0x53: {  	s26 =	ssub.s32 $0x2, s26;
	[sflag:s25] =	ssyncset.done $0x0  }
0x54: {  	s28 =	sshrl.u32 s26, $0x1;
	[sflag:s25] =	ssyncadd.s32 $0xFFFFCE00  }
0x55: {  	s26 =	ssub.s32 s26, s28;
	_ =	swait.ge [sflag:s25], $0x3200  }
0x56: {  	s26 =	smax.u32 s26, $0x1;
	[sflag:s25] =	ssyncset.done $0x0  }
0x57: {  	p0 =	sne.s32 s26, $0x1;
	[sflag:s25] =	ssyncadd.s32 $0xFFFFCE00  }
.Ltmp0:
0x58: {  	_ =	swait.ge [sflag:s25], $0x3200;
	(pc) =	sbr.rel @!p0 .LBB2_2-.Ltmp0, $4  }
0x59: {  	[sflag:s25] =	ssyncset.done $0x0  }
0x5a: {  	[sflag:s25] =	ssyncadd.s32 $0xFFFFCE00  }
0x5b: {  	_ =	swait.ge [sflag:s25], $0x3200  }
0x5c: {  	s26 =	sadd.s32 $0xFFFFFFFF, s26;
	[sflag:s25] =	ssyncset.done $0x0  }
.LBB2_1:
0x5d: {  	p0 =	sne.s32 s26, $0x1;
	s26 =	sadd.s32 $0xFFFFFFFF, s26;
	[sflag:s25] =	ssyncadd.s32 $0xFFFFCE00  }
0x5e: {  	[tilespmem:s3], [sflag:$0x2] =	stream.linear.gather [hbm4b:s1+s3], $0x6400, $0x38;
	[tilespmem:$0x6C00] =	vst v63  }
0x5f: {  	_ =	swait.ge [sflag:s5], $0x6400  }
0x60: {  	[sflag:s5] =	ssyncset.done $0x0  }
0x61: {  	[sflag:s5] =	ssyncadd.s32 $0xFFFF9C00  }
0x62: {  	[tilespmem:s7], [sflag:$0x2] =	stream.linear.gather [hbm4b:s6+s3], $0x800, $0x38;
	[tilespmem:$0x6C00] =	vst v63  }
0x63: {  	_ =	swait.ge [sflag:s5], $0x800  }
0x64: {  	[sflag:s5] =	ssyncset.done $0x0  }
0x65: {  	[sflag:s5] =	ssyncadd.s32 $0xFFFFF800  }
0x66: {  	[hbm4b:s2+s8] =	stream.indirect.scatter [tilespmem:s3], [sflag:$0x1], $0x80, s7, s8, $0xb8;
	[tilespmem:$0x6C00] =	vst v63  }
0x67: {  	_ = 	snop  }
0x68: {  	[hbm4b:s2+s8] =	stream.indirect.scatter [tilespmem:s10], [sflag:$0x1], $0x80, s9, s8, $0xb8;
	[tilespmem:$0x6C00] =	vst v63  }
0x69: {  	_ = 	snop  }
0x6a: {  	[hbm4b:s2+s8] =	stream.indirect.scatter [tilespmem:s3], [sflag:$0x1], $0x80, s11, s8, $0xb8;
	[tilespmem:$0x6C00] =	vst v63  }
0x6b: {  	_ = 	snop  }
0x6c: {  	[hbm4b:s2+s8] =	stream.indirect.scatter [tilespmem:s10], [sflag:$0x1], $0x80, s12, s8, $0xb8;
	[tilespmem:$0x6C00] =	vst v63  }
0x6d: {  	_ = 	snop  }
0x6e: {  	[hbm4b:s2+s8] =	stream.indirect.scatter [tilespmem:s3], [sflag:$0x1], $0x80, s13, s8, $0xb8;
	[tilespmem:$0x6C00] =	vst v63  }
0x6f: {  	_ = 	snop  }
0x70: {  	[hbm4b:s2+s8] =	stream.indirect.scatter [tilespmem:s10], [sflag:$0x1], $0x80, s14, s8, $0xb8;
	[tilespmem:$0x6C00] =	vst v63  }
0x71: {  	_ = 	snop  }
0x72: {  	[hbm4b:s2+s8] =	stream.indirect.scatter [tilespmem:s3], [sflag:$0x1], $0x80, s15, s8, $0xb8;
	[tilespmem:$0x6C00] =	vst v63  }
0x73: {  	_ = 	snop  }
0x74: {  	[hbm4b:s2+s8] =	stream.indirect.scatter [tilespmem:s10], [sflag:$0x1], $0x80, s16, s8, $0xb8;
	[tilespmem:$0x6C00] =	vst v63  }
0x75: {  	_ = 	snop  }
0x76: {  	[hbm4b:s2+s8] =	stream.indirect.scatter [tilespmem:s3], [sflag:$0x1], $0x80, s17, s8, $0xb8;
	[tilespmem:$0x6C00] =	vst v63  }
0x77: {  	_ = 	snop  }
0x78: {  	[hbm4b:s2+s8] =	stream.indirect.scatter [tilespmem:s10], [sflag:$0x1], $0x80, s18, s8, $0xb8;
	[tilespmem:$0x6C00] =	vst v63  }
0x79: {  	_ = 	snop  }
0x7a: {  	[hbm4b:s2+s8] =	stream.indirect.scatter [tilespmem:s3], [sflag:$0x1], $0x80, s19, s8, $0xb8;
	[tilespmem:$0x6C00] =	vst v63  }
0x7b: {  	_ = 	snop  }
0x7c: {  	[hbm4b:s2+s8] =	stream.indirect.scatter [tilespmem:s10], [sflag:$0x1], $0x80, s20, s8, $0xb8;
	[tilespmem:$0x6C00] =	vst v63  }
0x7d: {  	_ = 	snop  }
0x7e: {  	[hbm4b:s2+s8] =	stream.indirect.scatter [tilespmem:s3], [sflag:$0x1], $0x80, s21, s8, $0xb8;
	[tilespmem:$0x6C00] =	vst v63  }
0x7f: {  	_ = 	snop  }
0x80: {  	[hbm4b:s2+s8] =	stream.indirect.scatter [tilespmem:s10], [sflag:$0x1], $0x80, s22, s8, $0xb8;
	[tilespmem:$0x6C00] =	vst v63  }
0x81: {  	_ = 	snop  }
0x82: {  	[hbm4b:s2+s8] =	stream.indirect.scatter [tilespmem:s3], [sflag:$0x1], $0x80, s23, s8, $0xb8;
	[tilespmem:$0x6C00] =	vst v63  }
0x83: {  	_ = 	snop  }
0x84: {  	[hbm4b:s2+s8] =	stream.indirect.scatter [tilespmem:s10], [sflag:$0x1], $0x80, s24, s8, $0xb8;
	[tilespmem:$0x6C00] =	vst v63  }
0x85: {  	_ =	swait.ge [sflag:s25], $0x3200  }
0x86: {  	[sflag:s25] =	ssyncset.done $0x0  }
0x87: {  	[sflag:s25] =	ssyncadd.s32 $0xFFFFCE00  }
0x88: {  	_ =	swait.ge [sflag:s25], $0x3200  }
0x89: {  	[sflag:s25] =	ssyncset.done $0x0  }
0x8a: {  	[sflag:s25] =	ssyncadd.s32 $0xFFFFCE00  }
0x8b: {  	_ =	swait.ge [sflag:s25], $0x3200  }
0x8c: {  	[sflag:s25] =	ssyncset.done $0x0  }
0x8d: {  	[sflag:s25] =	ssyncadd.s32 $0xFFFFCE00  }
0x8e: {  	_ =	swait.ge [sflag:s25], $0x3200  }
0x8f: {  	[sflag:s25] =	ssyncset.done $0x0  }
0x90: {  	[sflag:s25] =	ssyncadd.s32 $0xFFFFCE00  }
0x91: {  	_ =	swait.ge [sflag:s25], $0x3200  }
0x92: {  	[sflag:s25] =	ssyncset.done $0x0  }
0x93: {  	[sflag:s25] =	ssyncadd.s32 $0xFFFFCE00  }
0x94: {  	_ =	swait.ge [sflag:s25], $0x3200  }
0x95: {  	[sflag:s25] =	ssyncset.done $0x0  }
0x96: {  	[sflag:s25] =	ssyncadd.s32 $0xFFFFCE00  }
0x97: {  	_ =	swait.ge [sflag:s25], $0x3200  }
0x98: {  	[sflag:s25] =	ssyncset.done $0x0  }
0x99: {  	[sflag:s25] =	ssyncadd.s32 $0xFFFFCE00  }
0x9a: {  	_ =	swait.ge [sflag:s25], $0x3200  }
0x9b: {  	[sflag:s25] =	ssyncset.done $0x0  }
0x9c: {  	[sflag:s25] =	ssyncadd.s32 $0xFFFFCE00  }
0x9d: {  	_ =	swait.ge [sflag:s25], $0x3200  }
0x9e: {  	[sflag:s25] =	ssyncset.done $0x0  }
0x9f: {  	[sflag:s25] =	ssyncadd.s32 $0xFFFFCE00  }
0xa0: {  	_ =	swait.ge [sflag:s25], $0x3200  }
0xa1: {  	[sflag:s25] =	ssyncset.done $0x0  }
0xa2: {  	[sflag:s25] =	ssyncadd.s32 $0xFFFFCE00  }
0xa3: {  	_ =	swait.ge [sflag:s25], $0x3200  }
0xa4: {  	[sflag:s25] =	ssyncset.done $0x0  }
0xa5: {  	[sflag:s25] =	ssyncadd.s32 $0xFFFFCE00  }
0xa6: {  	_ =	swait.ge [sflag:s25], $0x3200  }
0xa7: {  	[sflag:s25] =	ssyncset.done $0x0  }
0xa8: {  	[sflag:s25] =	ssyncadd.s32 $0xFFFFCE00  }
0xa9: {  	_ =	swait.ge [sflag:s25], $0x3200  }
0xaa: {  	[sflag:s25] =	ssyncset.done $0x0  }
0xab: {  	[sflag:s25] =	ssyncadd.s32 $0xFFFFCE00  }
0xac: {  	_ =	swait.ge [sflag:s25], $0x3200  }
0xad: {  	[sflag:s25] =	ssyncset.done $0x0  }
0xae: {  	[sflag:s25] =	ssyncadd.s32 $0xFFFFCE00  }
.Ltmp1:
0xaf: {  	_ =	swait.ge [sflag:s25], $0x3200;
	(pc) =	sbr.rel @p0 .LBB2_1-.Ltmp1, $4  }
0xb0: {  	[sflag:s25] =	ssyncset.done $0x0  }
0xb1: {  	[sflag:s25] =	ssyncadd.s32 $0xFFFFCE00  }
0xb2: {  	_ =	swait.ge [sflag:s25], $0x3200  }
0xb3: {  	[sflag:s25] =	ssyncset.done $0x0  }
.LBB2_2:
0xb4: {  	[sflag:s25] =	ssyncadd.s32 $0xFFFFCE00  }
0xb5: {  	_ =	sfence.sel $0x180000  }
0xb6: {  	[bflag:$0x0] =	sbarrier.arrive $0xFFFF  }
0xb7: {  	p0 =	sne.s32 s4, $0x0;
	_ =	strace $0x90000047  }
0xb8: {  	s0 =	sadd.s32 @!p0 $0x100000, s0;
	[bflag:$0x2] =	sbarrier.arrive $0xFFFF  }
0xb9: {  	[sflag:s0] =	ssyncadd.tile.s32 @!p0 $0x1;
	_ =	shalt  }
.Lfunc_end2:
_tile_overlayer_lowered:
.L_overlay_start_2:
0xba: {  	(tag) =	ssettag $0x2  }
0xbb: {  	s0 =	rddreg [dreg:$0x0];
	s2 =	stileid.u32  }
0xbc: {  	s1 =	rddreg [dreg:$0x1];
	p0 =	sne.s32 s2, $0x0  }
0xbd: {  	s3 =	rddreg [dreg:$0x2];
	[bflag:$0x3] =	sbarrier.arrive $0xFFFF;
	s2 =	simm.s32 @!p0 $0x1C02  }
0xbe: {  	[timem:s3], [sflag:s2] =	dma.local @!p0 [hbm:s0], s1  }
0xbf: {  	s0 =	simm.s32 @!p0 $0x2  }
0xc0: {  	_ =	swait.ge @!p0 [sflag:s0], s1  }
0xc1: {  	s1 =	ssub.s32 @!p0 $0x0, s1;
	[sflag:s0] =	ssyncset.done @!p0 $0x0  }
0xc2: {  	[sflag:s0] =	ssyncadd.s32 @!p0 s1  }
0xc3: {  	[bflag:$0x3] =	sbarrier.arrive $0xFFFF  }
0xc4: {  	_ =	shalt  }

// kernel: kernel.9.cloned.1.call-start
scs
__scs_entry_jumppad:
0x0: {  	(pc) =	sbr.rel $0x88, $3  }
0x1: {  	(tag) =	ssettag $0x0;
	lr =	simm.s32 $0x1  }
0x2: {  	[smem:$0x3F9F] =	sst lr;
	_ =	strace $0xD0000000  }
0x3: {  	_ = 	snop  }
0x4: {  	_ = 	snop  }
0x5: {  	_ = 	snop  }
0x6: {  	_ = 	snop  }
0x7: {  	_ = 	snop  }
__scs_overlays_trampoline_lowered:
0x8: {  	[smem:$0x3FAE] =	sst s0  }
0x9: {  	[smem:$0x3FAF] =	sst s1  }
0xa: {  	[smem:$0x3FB0] =	sst s2  }
0xb: {  	[smem:$0x3FB1] =	sst s3  }
0xc: {  	[smem:$0x3FB2] =	sst s4  }
0xd: {  	[smem:$0x3FB3] =	sst s5  }
0xe: {  	[smem:$0x3FB4] =	sst s6  }
0xf: {  	[smem:$0x3FB5] =	sst s7  }
0x10: {  	[smem:$0x3FB6] =	sst s8  }
0x11: {  	[smem:$0x3FB7] =	sst s9;
	s0 =	simm.s32 @!p0 $0x0  }
0x12: {  	s1 =	sld [smem:$0x3F9D];
	s0 =	simm.s32 @p0 $0x1  }
0x13: {  	[smem:$0x3FB8] =	sst s0;
	s0 =	simm.s32 @!p1 $0x0  }
0x14: {  	s2 =	sld [smem:$0x3F9C];
	s0 =	simm.s32 @p1 $0x1  }
0x15: {  	[smem:$0x3FB9] =	sst s0;
	s0 =	simm.s32 @!p2 $0x0  }
0x16: {  	s3 =	sld [smem:$0x3FDB];
	s0 =	simm.s32 @p2 $0x1  }
0x17: {  	s4 =	simm.s32 $0x1BF5;
	[smem:$0x3FBB] =	sst s0  }
0x18: {  	s0 =	sld [smem:$0x3F9E];
	_ =	swait.ge [sflag:s4], $0x0  }
0x19: {  	s7 =	sld [smem:$0x3F9F]  }
0x1a: {  	s8 =	sadd.s32 $0xFFFFE003, lr  }
0x1b: {  	s9 =	sadd.s32 $0xFFFFFEF7, lr;
	s5 =	simm.s32 $0xFFFFFFFF;
	p2 =	slt.u32 s8, $0xFFFFF086  }
0x1c: {  	p1 =	slt.u32 s9, $0xF7A;
	s5 =	simm.s32 @!p2 $0x0  }
0x1d: {  	s5 =	simm.s32 @p1 $0x1;
	p0 =	seq.s32 s7, s2  }
0x1e: {  	s7 =	smul.u32 @!p0 $0xF7A, s2;
	p2 =	seq.s32 @!p0 s5, $0x0  }
0x1f: {  	s9 =	smul.u32 $0xF7A, s1;
	s8 =	simm.s32 @!p0 $0x1BF5;
	p2 =	por !p2, p0  }
0x20: {  	[sflag:s8] =	ssyncset.s32 @!p0 $0xFFFFF086;
	s6 =	sadd.s32 @!p0 s3, s7;
	s7 =	simm.s32 @!p0 $0x108  }
0x21: {  	s3 =	sadd.s32 s3, s9;
	s6 =	sadd.s32 @!p0 $0x88, s6;
	s7 =	simm.s32 @p2 $0x1082  }
0x22: {  	[simem:s7], [sflag:s8] =	dma.local @!p0 [hbm:s6], $0xF7A  }
0x23: {  	s9 =	sor.u32 $0xD0000000, s2;
	s6 =	simm.s32 $0x108;
	_ =	swait.ge @!p0 [sflag:s8], $0x0  }
0x24: {  	s3 =	sadd.s32 $0x88, s3;
	s6 =	simm.s32 @!p1 $0x1082;
	[sflag:s4] =	ssyncset.s32 $0xFFFFF086  }
0x25: {  	[simem:s6], [sflag:s4] =	dma.local [hbm:s3], $0xF7A  }
0x26: {  	[smem:$0x3F9F] =	sst s1;
	(tag) =	ssettag s2;
	_ =	strace s9  }
0x27: {  	s1 =	sld [smem:$0x3FAF]  }
0x28: {  	s2 =	sld [smem:$0x3FB0]  }
0x29: {  	s4 =	sld [smem:$0x3FB2]  }
0x2a: {  	p0 =	seq.s32 s5, $0x0;
	s5 =	sld [smem:$0x3FB3]  }
0x2b: {  	s6 =	sld [smem:$0x3FB4]  }
0x2c: {  	s7 =	sld [smem:$0x3FB5]  }
0x2d: {  	s3 =	simm.s32 $0x108;
	s8 =	sld [smem:$0x3FB6]  }
0x2e: {  	s3 =	simm.s32 @!p0 $0x1082;
	s9 =	sld [smem:$0x3FB7]  }
0x2f: {  	lr =	sadd.s32 s0, s3;
	s0 =	sld [smem:$0x3FAE]  }
0x30: {  	s3 =	sld [smem:$0x3FB1]  }
0x31: {  	[smem:$0x3FBA] =	sst s10  }
0x32: {  	s10 =	sld [smem:$0x3FB8];
	_ =	sdelay $0x3  }
0x33: {  	p0 =	seq.s32 s10, $0x1;
	s10 =	sld [smem:$0x3FBA];
	_ =	sdelay $0x3  }
0x34: {  	[smem:$0x3FBA] =	sst s10  }
0x35: {  	s10 =	sld [smem:$0x3FB9];
	_ =	sdelay $0x3  }
0x36: {  	p1 =	seq.s32 s10, $0x1;
	s10 =	sld [smem:$0x3FBA];
	_ =	sdelay $0x3  }
0x37: {  	[smem:$0x3FBA] =	sst s10  }
0x38: {  	s10 =	sld [smem:$0x3FBB]  }
0x39: {  	_ = 	snop;
	(pc) =	sbr.ind lr, $3  }
0x3a: {  	_ = 	snop  }
0x3b: {  	_ = 	snop  }
0x3c: {  	p2 =	seq.s32 s10, $0x1;
	s10 =	sld [smem:$0x3FBA]  }
0x3d: {  	_ =	shalt  }
0x3e: {  	_ =	shalt  }
0x3f: {  	_ =	shalt  }
0x40: {  	_ =	shalt  }
0x41: {  	_ =	shalt  }
0x42: {  	_ =	shalt  }
0x43: {  	_ =	shalt  }
0x44: {  	_ =	shalt  }
0x45: {  	_ =	shalt  }
0x46: {  	_ =	shalt  }
0x47: {  	_ =	shalt  }
0x48: {  	_ =	shalt  }
0x49: {  	_ =	shalt  }
0x4a: {  	_ =	shalt  }
0x4b: {  	_ =	shalt  }
0x4c: {  	_ =	shalt  }
0x4d: {  	_ =	shalt  }
0x4e: {  	_ =	shalt  }
0x4f: {  	_ =	shalt  }
0x50: {  	_ =	shalt  }
0x51: {  	_ =	shalt  }
0x52: {  	_ =	shalt  }
0x53: {  	_ =	shalt  }
0x54: {  	_ =	shalt  }
0x55: {  	_ =	shalt  }
0x56: {  	_ =	shalt  }
0x57: {  	_ =	shalt  }
0x58: {  	_ =	shalt  }
0x59: {  	_ =	shalt  }
0x5a: {  	_ =	shalt  }
0x5b: {  	_ =	shalt  }
0x5c: {  	_ =	shalt  }
0x5d: {  	_ =	shalt  }
0x5e: {  	_ =	shalt  }
0x5f: {  	_ =	shalt  }
0x60: {  	_ =	shalt  }
0x61: {  	_ =	shalt  }
0x62: {  	_ =	shalt  }
0x63: {  	_ =	shalt  }
0x64: {  	_ =	shalt  }
0x65: {  	_ =	shalt  }
0x66: {  	_ =	shalt  }
0x67: {  	_ =	shalt  }
0x68: {  	_ =	shalt  }
0x69: {  	_ =	shalt  }
0x6a: {  	_ =	shalt  }
0x6b: {  	_ =	shalt  }
0x6c: {  	_ =	shalt  }
0x6d: {  	_ =	shalt  }
0x6e: {  	_ =	shalt  }
0x6f: {  	_ =	shalt  }
0x70: {  	_ =	shalt  }
0x71: {  	_ =	shalt  }
0x72: {  	_ =	shalt  }
0x73: {  	_ =	shalt  }
0x74: {  	_ =	shalt  }
0x75: {  	_ =	shalt  }
0x76: {  	_ =	shalt  }
0x77: {  	_ =	shalt  }
0x78: {  	_ =	shalt  }
0x79: {  	_ =	shalt  }
0x7a: {  	_ =	shalt  }
0x7b: {  	_ =	shalt  }
0x7c: {  	_ =	shalt  }
0x7d: {  	_ =	shalt  }
0x7e: {  	_ =	shalt  }
0x7f: {  	_ =	shalt  }
0x80: {  	_ =	shalt  }
0x81: {  	_ =	shalt  }
0x82: {  	_ =	shalt  }
0x83: {  	_ =	shalt  }
0x84: {  	_ =	shalt  }
0x85: {  	_ =	shalt  }
0x86: {  	_ =	shalt  }
0x87: {  	_ =	shalt  }
.Lfunc_end0:
.L_simem_size_0:
called_computation.1_lowered:
.L_overlay_start_0:
0x88: {  	s2 =	sld [smem:$0x3FD9]  }
0x89: {  	s3 =	sld [smem:$0x3FFE];
	_ =	sdelay $0x1  }
0x8a: {  	s1 =	srdreg.scid  }
0x8b: {  	s0 =	sand.u32 $0x1, s1  }
0x8c: {  	s17 =	sshll.u32 s0, $0xA;
	s2 =	sadd.s32 s3, s2  }
0x8d: {  	s2 =	sadd.s32 s2, s17  }
0x8e: {  	[smem:$0x3FC6] =	sst s2  }
0x8f: {  	_ = 	snop  }
0x90: {  	s2 =	sld [smem:$0x3FC8]  }
0x91: {  	s18 =	sld [smem:$0x3FD0];
	(tm) =	ssettm $0x1  }
0x92: {  	s4 =	sld [smem:$0x3FFB];
	_ =	sdelay $0x3  }
0x93: {  	_ =	strace s4  }
0x94: {  	s4 =	sld [smem:$0x3FFC];
	_ =	sdelay $0x3  }
0x95: {  	_ =	strace s4  }
0x96: {  	s4 =	sld [smem:$0x3FFD];
	_ =	sdelay $0x3  }
0x97: {  	_ =	strace s4  }
0x98: {  	_ =	strace $0x8FFFFFFF  }
0x99: {  	s19 =	sld [smem:$0x3FDB];
	_ =	sdelay $0x1  }
0x9a: {  	s5 =	simm.s32 $_scs_section_size  }
0x9b: {  	s6 =	simm.s32 $_size__tile_overlayer_lowered;
	s7 =	simm.s32 $_tile_overlayer_lowered  }
0x9c: {  	s22 =	simm.s32 $0x1BFF;
	s21 =	sshll.u32 s7, $0x1;
	s4 =	sadd.s32 s5, s19  }
0x9d: {  	s8 =	simm.s32 $0x0;
	s20 =	sshll.u32 s6, $0x1;
	s6 =	sadd.s32 s21, s4  }
0x9e: {  	[timem:s8], [sflag:s22] =	dma.local [hbm:s6], s20  }
0x9f: {  	_ =	swait.ge [sflag:s22], s20  }
0xa0: {  	s5 =	ssub.s32 $0x0, s20;
	[sflag:s22] =	ssyncset.done $0x0  }
0xa1: {  	[sflag:s22] =	ssyncadd.s32 s5;
	_ =	sdelay $0x1  }
0xa2: {  	s23 =	simm.s32 $0x1B8B  }
0xa3: {  	_ =	swait.ge [sflag:s23], $0x1  }
0xa4: {  	[sflag:s23] =	ssyncset.done $0x0  }
0xa5: {  	s25 =	simm.s32 $0x1B8E;
	s24 =	sld [smem:$0x3FFE];
	[sflag:s23] =	ssyncadd.s32 $0xFFFFFFFF  }
0xa6: {  	s26 =	simm.s32 $execute0_lowered;
	[smem:$0x3FD2] =	sst s25  }
0xa7: {  	s6 =	sshll.u32 s26, $0x1;
	_ =	strace $0x80000049;
	[dreg:$0x1] =	wrdreg $0xFFFFFFFF  }
0xa8: {  	s28 =	simm.s32 $_size_execute0_lowered;
	s4 =	sadd.s32 s4, s6;
	[dreg:$0x0] =	wrdreg $0x0  }
0xa9: {  	s6 =	sshll.u32 s28, $0x1;
	[dreg:$0x2] =	wrdreg s4  }
0xaa: {  	[dreg:$0x3] =	wrdreg s6  }
0xab: {  	[dreg:$0x4] =	wrdreg $0xC0  }
0xac: {  	_ =	task [dreg:s8], $0x5FFFF  }
0xad: {  	[dreg:$0x1] =	wrdreg $0xFFFFFFFF  }
0xae: {  	[dreg:$0x0] =	wrdreg $0x60  }
0xaf: {  	[dreg:$0x2] =	wrdreg s2  }
0xb0: {  	[dreg:$0x3] =	wrdreg s24  }
0xb1: {  	[dreg:$0x4] =	wrdreg s18  }
0xb2: {  	[dreg:$0x5] =	wrdreg $0x9  }
0xb3: {  	_ =	task.clear_ibuf [dreg:s8], $0x6FFFF;
	_ =	strace $0x90000049  }
0xb4: {  	s29 =	simm.s32 $0x9;
	_ =	strace $0x8000004B  }
0xb5: {  	_ =	swait.ge [sflag:s29], $0x1  }
0xb6: {  	[sflag:s29] =	ssyncadd.s32 $0xFFFFFFFF  }
0xb7: {  	_ =	strace $0x9000004B  }
0xb8: {  	_ =	sfence  }
0xb9: {  	s30 =	sld [smem:$0x0];
	_ =	sdelay $0x2  }
0xba: {  	s31 =	sshll.u32 s1, $0xD;
	s1 =	sshrl.u32 s1, $0x2  }
0xbb: {  	s3 =	sand.u32 $0x4000, s31;
	s1 =	sadd.s32 s1, s30  }
0xbc: {  	s0 =	sor.u32 s3, s0;
	s1 =	sshll.u32 s1, $0x11  }
0xbd: {  	s0 =	sor.u32 s1, s0  }
0xbe: {  	s0 =	sadd.s32 $0x8F2B, s0  }
0xbf: {  	[sflag:s0] =	ssyncadd.remote.s32 $0x1  }
0xc0: {  	_ =	sfence.sel $0xFFFF  }
0xc1: {  	[dreg:$0x0] =	wrdreg $0xFFFFFFFF;
	(pc) =	sbr.abs _section_cstart, $3  }
0xc2: {  	[dreg:$0x1] =	wrdreg $0xFFFFFFFF  }
0xc3: {  	_ =	task.clear_ibuf [dreg:s8], $0x2FFFF;
	_ =	strace $0x9FFFFFFF  }
0xc4: {  	(tm) =	ssettm $0x7FFFFFFF  }
0xc5: {  	_ =	shalt  }
tec
execute0_lowered:
.L_overlay_start_1:
0x0: {  	(tag) =	ssettag $0x1  }
0x1: {  	s2 =	srdreg.scid;
	s1 =	rddreg [dreg:$0x0]  }
0x2: {  	s0 =	stileid.u32;
	s5 =	rddreg [dreg:$0x1]  }
0x3: {  	s9 =	simm.s32 $0x64;
	s2 =	sand.u32 $0x1, s2;
	s3 =	sshll.u32 s0, $0x1  }
0x4: {  	s10 =	simm.s32 $0x3200;
	s4 =	sor.u32 s2, s3;
	s3 =	rddreg [dreg:$0x2]  }
0x5: {  	s11 =	simm.s32 $0x1;
	s7 =	ssub.s32 $0x2, s2;
	s2 =	rddreg [dreg:$0x3]  }
0x6: {  	s6 =	smul.u32 $0x300, s4;
	s4 =	simm.s32 $0x0;
	s8 =	sshrl.u32 s7, $0x1  }
0x7: {  	s12 =	simm.s32 $0x0;
	[smem:$0x7FF] =	sst s4;
	s31 =	ssub.s32 s7, s8  }
0x8: {  	s7 =	simm.s32 $0x2;
	s8 =	simm.s32 $0x6400;
	s5 =	sadd.s32 s6, s5  }
0x9: {  	_ =	strace $0x8000004A;
	s6 =	smax.u32 s31, $0x1;
	s5 =	sadd.s32 $0x2A00, s5  }
.LBB2_1:
0xa: {  	[tilespmem:s4], [sflag:$0x2] =	stream.linear.gather [hbm4b:s1+s4], $0x6400, $0x38;
	[tilespmem:$0x7C00] =	vst v63  }
0xb: {  	_ =	swait.ge [sflag:s7], $0x6400  }
0xc: {  	[sflag:s7] =	ssyncset.done $0x0  }
0xd: {  	[sflag:s7] =	ssyncadd.s32 $0xFFFF9C00  }
0xe: {  	[tilespmem:s8], [sflag:$0x2] =	stream.linear.gather [hbm4b:s5+s4], $0x1800, $0x38;
	[tilespmem:$0x7C00] =	vst v63  }
0xf: {  	_ =	swait.ge [sflag:s7], $0x1800  }
0x10: {  	[sflag:s7] =	ssyncset.done $0x0  }
0x11: {  	s13 =	simm.s32 $0x6400;
	[sflag:s7] =	ssyncadd.s32 $0xFFFFE800  }
0x12: {  	[hbm4b:s3+s9] =	stream.indirect.scatter [tilespmem:s4], [sflag:$0x1], $0x80, s13, s9, $0xb8;
	[tilespmem:$0x7C00] =	vst v63  }
0x13: {  	s16 =	simm.s32 $0x6480  }
0x14: {  	[hbm4b:s3+s9] =	stream.indirect.scatter [tilespmem:s10], [sflag:$0x1], $0x80, s16, s9, $0xb8;
	[tilespmem:$0x7C00] =	vst v63  }
0x15: {  	s17 =	simm.s32 $0x6500  }
0x16: {  	[hbm4b:s3+s9] =	stream.indirect.scatter [tilespmem:s4], [sflag:$0x1], $0x80, s17, s9, $0xb8;
	[tilespmem:$0x7C00] =	vst v63  }
0x17: {  	s18 =	simm.s32 $0x6580  }
0x18: {  	[hbm4b:s3+s9] =	stream.indirect.scatter [tilespmem:s10], [sflag:$0x1], $0x80, s18, s9, $0xb8;
	[tilespmem:$0x7C00] =	vst v63  }
0x19: {  	s19 =	simm.s32 $0x6600  }
0x1a: {  	[hbm4b:s3+s9] =	stream.indirect.scatter [tilespmem:s4], [sflag:$0x1], $0x80, s19, s9, $0xb8;
	[tilespmem:$0x7C00] =	vst v63  }
0x1b: {  	s20 =	simm.s32 $0x6680  }
0x1c: {  	[hbm4b:s3+s9] =	stream.indirect.scatter [tilespmem:s10], [sflag:$0x1], $0x80, s20, s9, $0xb8;
	[tilespmem:$0x7C00] =	vst v63  }
0x1d: {  	s21 =	simm.s32 $0x6700  }
0x1e: {  	[hbm4b:s3+s9] =	stream.indirect.scatter [tilespmem:s4], [sflag:$0x1], $0x80, s21, s9, $0xb8;
	[tilespmem:$0x7C00] =	vst v63  }
0x1f: {  	s22 =	simm.s32 $0x6780  }
0x20: {  	[hbm4b:s3+s9] =	stream.indirect.scatter [tilespmem:s10], [sflag:$0x1], $0x80, s22, s9, $0xb8;
	[tilespmem:$0x7C00] =	vst v63  }
0x21: {  	s23 =	simm.s32 $0x6800  }
0x22: {  	[hbm4b:s3+s9] =	stream.indirect.scatter [tilespmem:s4], [sflag:$0x1], $0x80, s23, s9, $0xb8;
	[tilespmem:$0x7C00] =	vst v63  }
0x23: {  	s24 =	simm.s32 $0x6880  }
0x24: {  	[hbm4b:s3+s9] =	stream.indirect.scatter [tilespmem:s10], [sflag:$0x1], $0x80, s24, s9, $0xb8;
	[tilespmem:$0x7C00] =	vst v63  }
0x25: {  	s25 =	simm.s32 $0x6900  }
0x26: {  	[hbm4b:s3+s9] =	stream.indirect.scatter [tilespmem:s4], [sflag:$0x1], $0x80, s25, s9, $0xb8;
	[tilespmem:$0x7C00] =	vst v63  }
0x27: {  	s26 =	simm.s32 $0x6980  }
0x28: {  	[hbm4b:s3+s9] =	stream.indirect.scatter [tilespmem:s10], [sflag:$0x1], $0x80, s26, s9, $0xb8;
	[tilespmem:$0x7C00] =	vst v63  }
0x29: {  	s28 =	simm.s32 $0x6A00  }
0x2a: {  	[hbm4b:s3+s9] =	stream.indirect.scatter [tilespmem:s4], [sflag:$0x1], $0x80, s28, s9, $0xb8;
	[tilespmem:$0x7C00] =	vst v63  }
0x2b: {  	s29 =	simm.s32 $0x6A80  }
0x2c: {  	[hbm4b:s3+s9] =	stream.indirect.scatter [tilespmem:s10], [sflag:$0x1], $0x80, s29, s9, $0xb8;
	[tilespmem:$0x7C00] =	vst v63  }
0x2d: {  	s30 =	simm.s32 $0x6B00  }
0x2e: {  	[hbm4b:s3+s9] =	stream.indirect.scatter [tilespmem:s4], [sflag:$0x1], $0x80, s30, s9, $0xb8;
	[tilespmem:$0x7C00] =	vst v63  }
0x2f: {  	s31 =	simm.s32 $0x6B80  }
0x30: {  	[hbm4b:s3+s9] =	stream.indirect.scatter [tilespmem:s10], [sflag:$0x1], $0x80, s31, s9, $0xb8;
	[tilespmem:$0x7C00] =	vst v63  }
0x31: {  	_ =	swait.ge [sflag:s11], $0x3200  }
0x32: {  	[sflag:s11] =	ssyncset.done $0x0  }
0x33: {  	[sflag:s11] =	ssyncadd.s32 $0xFFFFCE00  }
0x34: {  	_ =	swait.ge [sflag:s11], $0x3200  }
0x35: {  	[sflag:s11] =	ssyncset.done $0x0  }
0x36: {  	[sflag:s11] =	ssyncadd.s32 $0xFFFFCE00  }
0x37: {  	_ =	swait.ge [sflag:s11], $0x3200  }
0x38: {  	[sflag:s11] =	ssyncset.done $0x0  }
0x39: {  	[sflag:s11] =	ssyncadd.s32 $0xFFFFCE00  }
0x3a: {  	_ =	swait.ge [sflag:s11], $0x3200  }
0x3b: {  	[sflag:s11] =	ssyncset.done $0x0  }
0x3c: {  	[sflag:s11] =	ssyncadd.s32 $0xFFFFCE00  }
0x3d: {  	_ =	swait.ge [sflag:s11], $0x3200  }
0x3e: {  	[sflag:s11] =	ssyncset.done $0x0  }
0x3f: {  	[sflag:s11] =	ssyncadd.s32 $0xFFFFCE00  }
0x40: {  	_ =	swait.ge [sflag:s11], $0x3200  }
0x41: {  	[sflag:s11] =	ssyncset.done $0x0  }
0x42: {  	[sflag:s11] =	ssyncadd.s32 $0xFFFFCE00  }
0x43: {  	_ =	swait.ge [sflag:s11], $0x3200  }
0x44: {  	[sflag:s11] =	ssyncset.done $0x0  }
0x45: {  	[sflag:s11] =	ssyncadd.s32 $0xFFFFCE00  }
0x46: {  	_ =	swait.ge [sflag:s11], $0x3200  }
0x47: {  	[sflag:s11] =	ssyncset.done $0x0  }
0x48: {  	[sflag:s11] =	ssyncadd.s32 $0xFFFFCE00  }
0x49: {  	_ =	swait.ge [sflag:s11], $0x3200  }
0x4a: {  	[sflag:s11] =	ssyncset.done $0x0  }
0x4b: {  	[sflag:s11] =	ssyncadd.s32 $0xFFFFCE00  }
0x4c: {  	_ =	swait.ge [sflag:s11], $0x3200  }
0x4d: {  	[sflag:s11] =	ssyncset.done $0x0  }
0x4e: {  	[sflag:s11] =	ssyncadd.s32 $0xFFFFCE00  }
0x4f: {  	_ =	swait.ge [sflag:s11], $0x3200  }
0x50: {  	[sflag:s11] =	ssyncset.done $0x0  }
0x51: {  	[sflag:s11] =	ssyncadd.s32 $0xFFFFCE00  }
0x52: {  	_ =	swait.ge [sflag:s11], $0x3200  }
0x53: {  	[sflag:s11] =	ssyncset.done $0x0  }
0x54: {  	[sflag:s11] =	ssyncadd.s32 $0xFFFFCE00  }
0x55: {  	_ =	swait.ge [sflag:s11], $0x3200  }
0x56: {  	[sflag:s11] =	ssyncset.done $0x0  }
0x57: {  	[sflag:s11] =	ssyncadd.s32 $0xFFFFCE00  }
0x58: {  	_ =	swait.ge [sflag:s11], $0x3200  }
0x59: {  	[sflag:s11] =	ssyncset.done $0x0  }
0x5a: {  	[sflag:s11] =	ssyncadd.s32 $0xFFFFCE00  }
0x5b: {  	_ =	swait.ge [sflag:s11], $0x3200  }
0x5c: {  	[sflag:s11] =	ssyncset.done $0x0  }
0x5d: {  	[sflag:s11] =	ssyncadd.s32 $0xFFFFCE00  }
0x5e: {  	_ =	swait.ge [sflag:s11], $0x3200  }
0x5f: {  	s13 =	simm.s32 $0x2000;
	[sflag:s11] =	ssyncset.done $0x0  }
.LBB2_2:
0x60: {  	p0 =	sne.s32 s13, $0x4000  }
0x61: {  	[sflag:s11] =	ssyncadd.s32 $0xFFFFCE00;
	s14 =	smov.u32 s13;
	s13 =	sadd.s32 $0x2000, s13  }
0x62: {  	s14 =	sshra.s32 s14, $0x2  }
0x63: {  	s15 =	sadd.s32 $0x6400, s14  }
0x64: {  	[hbm4b:s3+s9] =	stream.indirect.scatter [tilespmem:s4], [sflag:$0x1], $0x80, s15, s9, $0xb8;
	[tilespmem:$0x7C00] =	vst v63  }
0x65: {  	s15 =	sadd.s32 $0x6480, s14  }
0x66: {  	[hbm4b:s3+s9] =	stream.indirect.scatter [tilespmem:s10], [sflag:$0x1], $0x80, s15, s9, $0xb8;
	[tilespmem:$0x7C00] =	vst v63  }
0x67: {  	s15 =	sadd.s32 $0x6500, s14  }
0x68: {  	[hbm4b:s3+s9] =	stream.indirect.scatter [tilespmem:s4], [sflag:$0x1], $0x80, s15, s9, $0xb8;
	[tilespmem:$0x7C00] =	vst v63  }
0x69: {  	s15 =	sadd.s32 $0x6580, s14  }
0x6a: {  	[hbm4b:s3+s9] =	stream.indirect.scatter [tilespmem:s10], [sflag:$0x1], $0x80, s15, s9, $0xb8;
	[tilespmem:$0x7C00] =	vst v63  }
0x6b: {  	s15 =	sadd.s32 $0x6600, s14  }
0x6c: {  	[hbm4b:s3+s9] =	stream.indirect.scatter [tilespmem:s4], [sflag:$0x1], $0x80, s15, s9, $0xb8;
	[tilespmem:$0x7C00] =	vst v63  }
0x6d: {  	s15 =	sadd.s32 $0x6680, s14  }
0x6e: {  	[hbm4b:s3+s9] =	stream.indirect.scatter [tilespmem:s10], [sflag:$0x1], $0x80, s15, s9, $0xb8;
	[tilespmem:$0x7C00] =	vst v63  }
0x6f: {  	s15 =	sadd.s32 $0x6700, s14  }
0x70: {  	[hbm4b:s3+s9] =	stream.indirect.scatter [tilespmem:s4], [sflag:$0x1], $0x80, s15, s9, $0xb8;
	[tilespmem:$0x7C00] =	vst v63  }
0x71: {  	s15 =	sadd.s32 $0x6780, s14  }
0x72: {  	[hbm4b:s3+s9] =	stream.indirect.scatter [tilespmem:s10], [sflag:$0x1], $0x80, s15, s9, $0xb8;
	[tilespmem:$0x7C00] =	vst v63  }
0x73: {  	s15 =	sadd.s32 $0x6800, s14  }
0x74: {  	[hbm4b:s3+s9] =	stream.indirect.scatter [tilespmem:s4], [sflag:$0x1], $0x80, s15, s9, $0xb8;
	[tilespmem:$0x7C00] =	vst v63  }
0x75: {  	s15 =	sadd.s32 $0x6880, s14  }
0x76: {  	[hbm4b:s3+s9] =	stream.indirect.scatter [tilespmem:s10], [sflag:$0x1], $0x80, s15, s9, $0xb8;
	[tilespmem:$0x7C00] =	vst v63  }
0x77: {  	s15 =	sadd.s32 $0x6900, s14  }
0x78: {  	[hbm4b:s3+s9] =	stream.indirect.scatter [tilespmem:s4], [sflag:$0x1], $0x80, s15, s9, $0xb8;
	[tilespmem:$0x7C00] =	vst v63  }
0x79: {  	s15 =	sadd.s32 $0x6980, s14  }
0x7a: {  	[hbm4b:s3+s9] =	stream.indirect.scatter [tilespmem:s10], [sflag:$0x1], $0x80, s15, s9, $0xb8;
	[tilespmem:$0x7C00] =	vst v63  }
0x7b: {  	s15 =	sadd.s32 $0x6A00, s14  }
0x7c: {  	[hbm4b:s3+s9] =	stream.indirect.scatter [tilespmem:s4], [sflag:$0x1], $0x80, s15, s9, $0xb8;
	[tilespmem:$0x7C00] =	vst v63  }
0x7d: {  	s15 =	sadd.s32 $0x6A80, s14  }
0x7e: {  	[hbm4b:s3+s9] =	stream.indirect.scatter [tilespmem:s10], [sflag:$0x1], $0x80, s15, s9, $0xb8;
	[tilespmem:$0x7C00] =	vst v63  }
0x7f: {  	s15 =	sadd.s32 $0x6B00, s14  }
0x80: {  	[hbm4b:s3+s9] =	stream.indirect.scatter [tilespmem:s4], [sflag:$0x1], $0x80, s15, s9, $0xb8;
	[tilespmem:$0x7C00] =	vst v63  }
0x81: {  	s14 =	sadd.s32 $0x6B80, s14  }
0x82: {  	[hbm4b:s3+s9] =	stream.indirect.scatter [tilespmem:s10], [sflag:$0x1], $0x80, s14, s9, $0xb8;
	[tilespmem:$0x7C00] =	vst v63  }
0x83: {  	_ =	swait.ge [sflag:s11], $0x3200  }
0x84: {  	[sflag:s11] =	ssyncset.done $0x0  }
0x85: {  	[sflag:s11] =	ssyncadd.s32 $0xFFFFCE00  }
0x86: {  	_ =	swait.ge [sflag:s11], $0x3200  }
0x87: {  	[sflag:s11] =	ssyncset.done $0x0  }
0x88: {  	[sflag:s11] =	ssyncadd.s32 $0xFFFFCE00  }
0x89: {  	_ =	swait.ge [sflag:s11], $0x3200  }
0x8a: {  	[sflag:s11] =	ssyncset.done $0x0  }
0x8b: {  	[sflag:s11] =	ssyncadd.s32 $0xFFFFCE00  }
0x8c: {  	_ =	swait.ge [sflag:s11], $0x3200  }
0x8d: {  	[sflag:s11] =	ssyncset.done $0x0  }
0x8e: {  	[sflag:s11] =	ssyncadd.s32 $0xFFFFCE00  }
0x8f: {  	_ =	swait.ge [sflag:s11], $0x3200  }
0x90: {  	[sflag:s11] =	ssyncset.done $0x0  }
0x91: {  	[sflag:s11] =	ssyncadd.s32 $0xFFFFCE00  }
0x92: {  	_ =	swait.ge [sflag:s11], $0x3200  }
0x93: {  	[sflag:s11] =	ssyncset.done $0x0  }
0x94: {  	[sflag:s11] =	ssyncadd.s32 $0xFFFFCE00  }
0x95: {  	_ =	swait.ge [sflag:s11], $0x3200  }
0x96: {  	[sflag:s11] =	ssyncset.done $0x0  }
0x97: {  	[sflag:s11] =	ssyncadd.s32 $0xFFFFCE00  }
0x98: {  	_ =	swait.ge [sflag:s11], $0x3200  }
0x99: {  	[sflag:s11] =	ssyncset.done $0x0  }
0x9a: {  	[sflag:s11] =	ssyncadd.s32 $0xFFFFCE00  }
0x9b: {  	_ =	swait.ge [sflag:s11], $0x3200  }
0x9c: {  	[sflag:s11] =	ssyncset.done $0x0  }
0x9d: {  	[sflag:s11] =	ssyncadd.s32 $0xFFFFCE00  }
0x9e: {  	_ =	swait.ge [sflag:s11], $0x3200  }
0x9f: {  	[sflag:s11] =	ssyncset.done $0x0  }
0xa0: {  	[sflag:s11] =	ssyncadd.s32 $0xFFFFCE00  }
0xa1: {  	_ =	swait.ge [sflag:s11], $0x3200  }
0xa2: {  	[sflag:s11] =	ssyncset.done $0x0  }
0xa3: {  	[sflag:s11] =	ssyncadd.s32 $0xFFFFCE00  }
0xa4: {  	_ =	swait.ge [sflag:s11], $0x3200  }
0xa5: {  	[sflag:s11] =	ssyncset.done $0x0  }
0xa6: {  	[sflag:s11] =	ssyncadd.s32 $0xFFFFCE00  }
0xa7: {  	_ =	swait.ge [sflag:s11], $0x3200  }
0xa8: {  	[sflag:s11] =	ssyncset.done $0x0  }
0xa9: {  	[sflag:s11] =	ssyncadd.s32 $0xFFFFCE00  }
0xaa: {  	_ =	swait.ge [sflag:s11], $0x3200  }
0xab: {  	[sflag:s11] =	ssyncset.done $0x0  }
0xac: {  	[sflag:s11] =	ssyncadd.s32 $0xFFFFCE00  }
.Ltmp0:
0xad: {  	_ =	swait.ge [sflag:s11], $0x3200;
	(pc) =	sbr.rel @p0 .LBB2_2-.Ltmp0, $4  }
0xae: {  	[sflag:s11] =	ssyncset.done $0x0  }
0xaf: {  	[sflag:s11] =	ssyncadd.s32 $0xFFFFCE00  }
0xb0: {  	_ =	swait.ge [sflag:s11], $0x3200  }
0xb1: {  	[sflag:s11] =	ssyncset.done $0x0  }
0xb2: {  	s12 =	sadd.s32 $0x1, s12  }
0xb3: {  	p0 =	sne.s32 s12, s6  }
.Ltmp1:
0xb4: {  	_ = 	snop;
	(pc) =	sbr.rel @p0 .LBB2_1-.Ltmp1, $2  }
0xb5: {  	_ =	sdelay $0x2  }
0xb6: {  	[sflag:s11] =	ssyncadd.s32 $0xFFFFCE00  }
0xb7: {  	_ =	sfence.sel $0x180000  }
0xb8: {  	[bflag:$0x0] =	sbarrier.arrive $0xFFFF  }
0xb9: {  	p0 =	sne.s32 s0, $0x0;
	_ =	strace $0x9000004A  }
0xba: {  	s0 =	sadd.s32 @!p0 $0x100000, s2;
	[bflag:$0x2] =	sbarrier.arrive $0xFFFF  }
0xbb: {  	[sflag:s0] =	ssyncadd.tile.s32 @!p0 $0x1;
	_ =	shalt  }
.Lfunc_end2:
_tile_overlayer_lowered:
.L_overlay_start_2:
0xbc: {  	(tag) =	ssettag $0x2  }
0xbd: {  	s0 =	rddreg [dreg:$0x0];
	s2 =	stileid.u32  }
0xbe: {  	s1 =	rddreg [dreg:$0x1];
	p0 =	sne.s32 s2, $0x0  }
0xbf: {  	s3 =	rddreg [dreg:$0x2];
	[bflag:$0x3] =	sbarrier.arrive $0xFFFF;
	s2 =	simm.s32 @!p0 $0x1C02  }
0xc0: {  	[timem:s3], [sflag:s2] =	dma.local @!p0 [hbm:s0], s1  }
0xc1: {  	s0 =	simm.s32 @!p0 $0x2  }
0xc2: {  	_ =	swait.ge @!p0 [sflag:s0], s1  }
0xc3: {  	s1 =	ssub.s32 @!p0 $0x0, s1;
	[sflag:s0] =	ssyncset.done @!p0 $0x0  }
0xc4: {  	[sflag:s0] =	ssyncadd.s32 @!p0 s1  }
0xc5: {  	[bflag:$0x3] =	sbarrier.arrive $0xFFFF  }
0xc6: {  	_ =	shalt  }

</sc_bundles>
